<compile_context>
chip_gen: v7x
topology: tpu7x:2x2x1
jax: 0.10.2.dev20260603
libtpu: 0.0.44.dev20260713+nightly
codegen_flags: <defaults>
</compile_context>

<pallas_src>
import functools

import jax
import jax.numpy as jnp
from jax import lax
from jax.experimental import pallas as pl
from jax.experimental.pallas import tpu as pltpu
from jax.experimental.pallas import tpu_sc as plsc

B, S, D = 1, 2048, 768
E, K, F = 16, 2, 384
T = B * S
P = K * T

BT = 128
NT = P // BT + E
NSLOT = NT * BT

NC, NS = 2, 16
NW = NC * NS
TPW = T // NW
CH = 512


def _pack_bf16(v):
    bits = lax.bitcast_convert_type(v, jnp.int32)
    rnd = bits + 0x7FFF + jnp.bitwise_and(
        lax.shift_right_logical(bits, 16), 1)
    bf = lax.shift_right_logical(rnd, 16)
    lo = bf[:, :D // 2]
    hi = bf[:, D // 2:]
    return jnp.bitwise_or(lo, lax.shift_left(hi, 16))


def _route_body(x_ref, rw_ref, pos_ref, w_ref, texp_ref, tvalid_ref,
                tslot_ref, tgrp_ref, tfirst_ref, gexp_ref, gvalid_ref,
                xpk_ref):
    x = x_ref[...]
    xpk_ref[...] = _pack_bf16(x)
    ids = lax.broadcasted_iota(jnp.int32, (T, E), 1)
    logits = lax.dot_general(x, rw_ref[...], (((1,), (1,)), ((), ())),
                             preferred_element_type=jnp.float32)
    m = jnp.max(logits, axis=-1, keepdims=True)
    p = jnp.exp(logits - m)
    p = p / jnp.sum(p, axis=-1, keepdims=True)
    m1 = jnp.max(p, axis=-1, keepdims=True)
    i1 = jnp.min(jnp.where(p == m1, ids, E), axis=-1, keepdims=True)
    p2 = jnp.where(ids == i1, -1.0, p)
    m2 = jnp.max(p2, axis=-1, keepdims=True)
    i2 = jnp.min(jnp.where(p2 == m2, ids, E), axis=-1, keepdims=True)
    s = m1 + m2 + 1e-20
    w_ref[...] = jnp.concatenate([m1 / s, m2 / s], axis=1)

    cnt = (jnp.where(ids == i1, 1.0, 0.0)
           + jnp.where(ids == i2, 1.0, 0.0))
    r_io = lax.broadcasted_iota(jnp.int32, (CH, CH), 0)
    c_io = lax.broadcasted_iota(jnp.int32, (CH, CH), 1)
    tri = jnp.where(r_io >= c_io, 1.0, 0.0)
    carry = jnp.zeros((1, E), jnp.float32)
    cex_chunks = []
    for ci in range(T // CH):
        blk = cnt[ci * CH:(ci + 1) * CH]
        inc = lax.dot_general(tri, blk, (((1,), (0,)), ((), ())),
                              preferred_element_type=jnp.float32) + carry
        cex_chunks.append(inc - blk)
        carry = inc[CH - 1:CH, :]
    cex = jnp.concatenate(cex_chunks, axis=0)
    counts = carry

    tiles = (counts.astype(jnp.int32) + (BT - 1)) // BT
    tiles_f = tiles.astype(jnp.float32)
    er_io = lax.broadcasted_iota(jnp.int32, (E, E), 0)
    ec_io = lax.broadcasted_iota(jnp.int32, (E, E), 1)
    tril = jnp.where(er_io < ec_io, 1.0, 0.0)
    tilebase = lax.dot_general(tiles_f, tril, (((1,), (0,)), ((), ())),
                               preferred_element_type=jnp.float32)
    slotbase = tilebase * BT

    def _sel(mat, idx_t1):
        src = mat if mat.shape[0] == T else jnp.broadcast_to(mat, (T, E))
        return jnp.sum(jnp.where(ids == idx_t1, src, 0.0),
                       axis=-1, keepdims=True)

    pos0 = _sel(slotbase, i1) + _sel(cex, i1)
    pos1 = _sel(slotbase, i2) + _sel(cex, i2)
    pos_ref[...] = jnp.concatenate([pos0, pos1], axis=1).astype(jnp.int32)

    n_io = lax.broadcasted_iota(jnp.int32, (NT, E), 0).astype(jnp.float32)
    e_io = lax.broadcasted_iota(jnp.int32, (NT, E), 1).astype(jnp.float32)
    tb = jnp.broadcast_to(tilebase, (NT, E))
    tl = jnp.broadcast_to(tiles_f, (NT, E))
    inrange = jnp.logical_and(n_io >= tb, n_io < tb + tl)
    te = jnp.sum(jnp.where(inrange, e_io, 0.0), axis=-1, keepdims=True)
    total_tiles = jnp.sum(tiles_f)
    e1_io = lax.broadcasted_iota(jnp.int32, (1, E), 1).astype(jnp.float32)
    te_last = jnp.max(jnp.where(tiles_f > 0, e1_io, 0.0))
    valid = n_io[:, :1] < total_tiles
    texp_ref[...] = jnp.where(valid, te, te_last).astype(jnp.int32)
    tvalid_ref[...] = valid.astype(jnp.int32)
    tslot_ref[...] = jnp.where(valid, n_io[:, :1],
                               total_tiles - 1.0).astype(jnp.int32)

    used = jnp.where(counts > 0, 1.0, 0.0)
    gidx = lax.dot_general(used, tril, (((1,), (0,)), ((), ())),
                           preferred_element_type=jnp.float32)
    ngroups = jnp.sum(used)
    g_io = lax.broadcasted_iota(jnp.int32, (E, E), 0).astype(jnp.float32)
    e2_io = lax.broadcasted_iota(jnp.int32, (E, E), 1).astype(jnp.float32)
    cond = jnp.logical_and(jnp.broadcast_to(gidx, (E, E)) == g_io,
                           jnp.broadcast_to(used, (E, E)) > 0)
    gexp_ref[...] = jnp.sum(jnp.where(cond, e2_io, 0.0), axis=-1,
                            keepdims=True).astype(jnp.int32)
    gvalid_ref[...] = (g_io[:, :1] < ngroups).astype(jnp.int32)
    tgrp_ref[...] = jnp.sum(
        jnp.where(inrange, jnp.broadcast_to(gidx, (NT, E)), 0.0),
        axis=-1, keepdims=True).astype(jnp.int32)
    tfirst_ref[...] = jnp.sum(
        jnp.where(jnp.logical_and(inrange, n_io == tb), 1.0, 0.0),
        axis=-1, keepdims=True).astype(jnp.int32)


def _route(hs, router_w):
    return pl.pallas_call(
        _route_body,
        out_shape=[
            jax.ShapeDtypeStruct((T, K), jnp.int32),
            jax.ShapeDtypeStruct((T, K), jnp.float32),
            jax.ShapeDtypeStruct((NT, 1), jnp.int32),
            jax.ShapeDtypeStruct((NT, 1), jnp.int32),
            jax.ShapeDtypeStruct((NT, 1), jnp.int32),
            jax.ShapeDtypeStruct((NT, 1), jnp.int32),
            jax.ShapeDtypeStruct((NT, 1), jnp.int32),
            jax.ShapeDtypeStruct((E, 1), jnp.int32),
            jax.ShapeDtypeStruct((E, 1), jnp.int32),
            jax.ShapeDtypeStruct((T, D // 2), jnp.int32),
        ],
    )(hs, router_w)


def _dispatch(xpk, pos):
    mesh = plsc.VectorSubcoreMesh(core_axis_name="c", subcore_axis_name="s")

    @functools.partial(
        pl.kernel, mesh=mesh,
        out_type=jax.ShapeDtypeStruct((NSLOT, D // 2), jnp.int32),
        scratch_types=[
            pltpu.VMEM((TPW, D // 2), jnp.int32),
            pltpu.VMEM((TPW, K), jnp.int32),
            pltpu.VMEM((TPW,), jnp.int32),
            pltpu.VMEM((TPW,), jnp.int32),
            pltpu.SemaphoreType.DMA,
            pltpu.SemaphoreType.DMA,
        ],
        compiler_params=pltpu.CompilerParams(needs_layout_passes=False),
    )
    def disp(x_hbm, pos_hbm, xs_hbm, rows_v, praw_v, idx0_v, idx1_v, s0, s1):
        wid = lax.axis_index("s") * NC + lax.axis_index("c")
        tbase = wid * TPW
        pltpu.sync_copy(x_hbm.at[pl.ds(tbase, TPW)], rows_v)
        pltpu.sync_copy(pos_hbm.at[pl.ds(tbase, TPW)], praw_v)
        lane = lax.broadcasted_iota(jnp.int32, (16,), 0)
        c0 = jnp.zeros((16,), jnp.int32)
        c1 = jnp.ones((16,), jnp.int32)
        for c in range(TPW // 16):
            idx0_v[pl.ds(16 * c, 16)] = plsc.load_gather(
                praw_v, [16 * c + lane, c0])
            idx1_v[pl.ds(16 * c, 16)] = plsc.load_gather(
                praw_v, [16 * c + lane, c1])
        cp0 = pltpu.async_copy(rows_v, xs_hbm.at[idx0_v], s0)
        cp1 = pltpu.async_copy(rows_v, xs_hbm.at[idx1_v], s1)
        cp0.wait()
        cp1.wait()

    return disp(xpk, pos)


NBUF = 4


def _gmm_body(tvalid_ref, tslot_ref, tgrp_ref, tfirst_ref, gexp_ref,
              gvalid_ref, xs_ref, wg_hbm, wd_hbm, ys_ref, wgb, wdb, sg, sd):
    i = pl.program_id(0)

    def issue(g):
        gc = jnp.minimum(g, E - 1)
        e = gexp_ref[gc]
        b = lax.rem(gc, NBUF)

        @pl.when(jnp.logical_and(g < E, gvalid_ref[gc] == 1))
        def _():
            pltpu.make_async_copy(wg_hbm.at[e], wgb.at[b], sg.at[b]).start()
            pltpu.make_async_copy(wd_hbm.at[e], wdb.at[b], sd.at[b]).start()

    @pl.when(i == 0)
    def _():
        for g0 in range(NBUF - 1):
            issue(jnp.int32(g0))

    @pl.when(tvalid_ref[i] > 0)
    def _():
        g = tgrp_ref[i]
        b = lax.rem(g, NBUF)
        e = gexp_ref[g]

        @pl.when(tfirst_ref[i] == 1)
        def _():
            pltpu.make_async_copy(wg_hbm.at[e], wgb.at[b], sg.at[b]).wait()
            pltpu.make_async_copy(wd_hbm.at[e], wdb.at[b], sd.at[b]).wait()
            issue(g + NBUF - 1)

        wg = wgb[pl.ds(b, 1)][0]
        wd = wdb[pl.ds(b, 1)][0]
        w32 = xs_ref[...]
        xlo = lax.bitcast_convert_type(lax.shift_left(w32, 16), jnp.float32)
        xhi = lax.bitcast_convert_type(
            jnp.bitwise_and(w32, jnp.int32(-65536)), jnp.float32)
        xf = jnp.concatenate([xlo, xhi], axis=1)
        h = lax.dot_general(xf, wg, (((1,), (1,)), ((), ())),
                            preferred_element_type=jnp.float32)
        gate = h[:, :F]
        proj = h[:, F:]
        a = gate / (1.0 + jnp.exp(-gate)) * proj
        out = lax.dot_general(
            a, wd, (((1,), (1,)), ((), ())),
            preferred_element_type=jnp.float32)
        ys_ref[...] = _pack_bf16(out)


def _gmm(tvalid, tslot, tgrp, tfirst, gexp, gvalid, xs, Wg, Wd):
    grid_spec = pltpu.PrefetchScalarGridSpec(
        num_scalar_prefetch=6,
        grid=(NT,),
        in_specs=[
            pl.BlockSpec((BT, D // 2), lambda i, *refs: (refs[1][i], 0)),
            pl.BlockSpec(memory_space=pl.ANY),
            pl.BlockSpec(memory_space=pl.ANY),
        ],
        out_specs=pl.BlockSpec((BT, D // 2),
                               lambda i, *refs: (refs[1][i], 0)),
        scratch_shapes=[
            pltpu.VMEM((NBUF, 2 * F, D), jnp.float32),
            pltpu.VMEM((NBUF, D, F), jnp.float32),
            pltpu.SemaphoreType.DMA((NBUF,)),
            pltpu.SemaphoreType.DMA((NBUF,)),
        ],
    )
    return pl.pallas_call(
        _gmm_body,
        grid_spec=grid_spec,
        out_shape=jax.ShapeDtypeStruct((NSLOT, D // 2), jnp.int32),
        compiler_params=pltpu.CompilerParams(
            dimension_semantics=("arbitrary",)),
    )(tvalid.reshape(NT), tslot.reshape(NT), tgrp.reshape(NT),
      tfirst.reshape(NT), gexp.reshape(E), gvalid.reshape(E), xs, Wg, Wd)


def _combine(ys, pos, wpair):
    mesh = plsc.VectorSubcoreMesh(core_axis_name="c", subcore_axis_name="s")

    @functools.partial(
        pl.kernel, mesh=mesh,
        out_type=jax.ShapeDtypeStruct((T, D), jnp.float32),
        scratch_types=[
            pltpu.VMEM((TPW, D // 2), jnp.int32),
            pltpu.VMEM((TPW, D // 2), jnp.int32),
            pltpu.VMEM((TPW, D), jnp.float32),
            pltpu.VMEM((TPW, K), jnp.int32),
            pltpu.VMEM((TPW, K), jnp.float32),
            pltpu.VMEM((TPW,), jnp.int32),
            pltpu.VMEM((TPW,), jnp.int32),
            pltpu.SemaphoreType.DMA,
            pltpu.SemaphoreType.DMA,
        ],
        compiler_params=pltpu.CompilerParams(needs_layout_passes=False),
    )
    def comb(ys_hbm, pos_hbm, w_hbm, y_hbm, r0_v, r1_v, out_v, praw_v,
             wraw_v, idx0_v, idx1_v, s0, s1):
        wid = lax.axis_index("s") * NC + lax.axis_index("c")
        tbase = wid * TPW
        pltpu.sync_copy(pos_hbm.at[pl.ds(tbase, TPW)], praw_v)
        pltpu.sync_copy(w_hbm.at[pl.ds(tbase, TPW)], wraw_v)
        lane = lax.broadcasted_iota(jnp.int32, (16,), 0)
        c0 = jnp.zeros((16,), jnp.int32)
        c1 = jnp.ones((16,), jnp.int32)
        for c in range(TPW // 16):
            idx0_v[pl.ds(16 * c, 16)] = plsc.load_gather(
                praw_v, [16 * c + lane, c0])
            idx1_v[pl.ds(16 * c, 16)] = plsc.load_gather(
                praw_v, [16 * c + lane, c1])
        cp0 = pltpu.async_copy(ys_hbm.at[idx0_v], r0_v, s0)
        cp1 = pltpu.async_copy(ys_hbm.at[idx1_v], r1_v, s1)
        cp0.wait()
        cp1.wait()

        msk = jnp.full((16,), -65536, jnp.int32)

        def tok(t, _):
            w0 = plsc.load_gather(
                wraw_v, [jnp.full((16,), t, jnp.int32), c0])
            w1 = plsc.load_gather(
                wraw_v, [jnp.full((16,), t, jnp.int32), c1])
            for c in range(D // 32):
                sl = pl.ds(16 * c, 16)
                a = r0_v[t, sl]
                b = r1_v[t, sl]
                alo = plsc.bitcast(lax.shift_left(a, 16), jnp.float32)
                blo = plsc.bitcast(lax.shift_left(b, 16), jnp.float32)
                ahi = plsc.bitcast(jnp.bitwise_and(a, msk), jnp.float32)
                bhi = plsc.bitcast(jnp.bitwise_and(b, msk), jnp.float32)
                out_v[t, sl] = alo * w0 + blo * w1
                out_v[t, pl.ds(D // 2 + 16 * c, 16)] = ahi * w0 + bhi * w1
            return 0

        lax.fori_loop(0, TPW, tok, 0)
        pltpu.sync_copy(out_v, y_hbm.at[pl.ds(tbase, TPW)])

    return comb(ys, pos, wpair)


@jax.jit
def kernel(x, router_w, Wg, Wd):
    hs = x.reshape(T, D)
    (pos, wpair, texp, tvalid, tslot, tgrp, tfirst, gexp,
     gvalid, xpk) = _route(hs, router_w)
    xs = _dispatch(xpk, pos)
    ys = _gmm(tvalid, tslot, tgrp, tfirst, gexp, gvalid, xs, Wg, Wd)
    y = _combine(ys, pos, wpair)
    return y.reshape(B, S, D)

# --- scband reference (transcript-rebuilt; emitter-appended) ---
"""Pipeline reference for scband-mo-e-41970420418120 (READ-ONLY COPY).

The authoritative reference and input builder live on the scoring server;
editing this copy changes nothing except your own understanding.
"""

import jax, jax.numpy as jnp
import numpy as np

B, S, D = 1, 2048, 768
E, K, F = 16, 2, 384


def setup_inputs(seed: int = 0) -> dict:
    key = jax.random.key(seed)
    ks = jax.random.split(key, 4)
    x = jax.random.normal(ks[0], (B, S, D), dtype=jnp.float32)
    # router gate weight: kaiming_uniform(a=sqrt(5)) on (E, D) -> bound = 1/sqrt(fan_in)
    rb = 1.0 / np.sqrt(D)
    router_w = jax.random.uniform(ks[1], (E, D), jnp.float32, -rb, rb)
    # stacked expert weights: gate_proj (E, 2F, D), down_proj (E, D, F)
    gb = 1.0 / np.sqrt(D)
    db = 1.0 / np.sqrt(F)
    Wg = jax.random.uniform(ks[2], (E, 2 * F, D), jnp.float32, -gb, gb)
    Wd = jax.random.uniform(ks[3], (E, D, F), jnp.float32, -db, db)
    return {"x": x, "router_w": router_w, "Wg": Wg, "Wd": Wd}


def reference(x, router_w, Wg, Wd):
    b, s, d = x.shape
    T = b * s
    hs = x.reshape(T, d)
    # --- MoEGate ---
    logits = hs @ router_w.T                      # [T, E]
    scores = jax.nn.softmax(logits, axis=-1)
    topk_w, topk_idx = jax.lax.top_k(scores, K)   # [T, K]
    # norm_topk_prob
    topk_w = topk_w / (jnp.sum(topk_w, axis=-1, keepdims=True) + 1e-20)
    # --- moe_infer: scatter-combine of per-expert SwiGLU outputs ---
    t_idx = jnp.arange(T)[:, None]
    w_dense = jnp.zeros((T, E), dtype=x.dtype).at[t_idx, topk_idx].add(topk_w)  # [T, E]
    h = jnp.einsum('td,efd->tef', hs, Wg)         # [T, E, 2F]
    gate, proj = jnp.split(h, 2, axis=-1)
    a = jax.nn.silu(gate) * proj                  # [T, E, F]
    out = jnp.einsum('tef,edf->ted', a, Wd)       # [T, E, D]
    y = jnp.einsum('ted,te->td', out, w_dense)    # [T, D]
    return y.reshape(b, s, d)

if __name__ == "__main__":
    import jax
    _d = setup_inputs()
    print(jax.jit(kernel)(*tuple(_d.values())))

</pallas_src>

<mosaic_0001>
#map = affine_map<(d0, d1) -> (0, 0)>
module attributes {stable_mosaic.version = 14 : i64} {
  func.func @disp(%arg0: i32, %arg1: i32, %arg2: memref<2048x384xi32, #tpu.memory_space<hbm>>, %arg3: memref<2048x2xi32, #tpu.memory_space<hbm>>, %arg4: memref<6144x384xi32, #tpu.memory_space<hbm>>, %arg5: memref<64x384xi32, #tpu.memory_space<vmem>>, %arg6: memref<64x2xi32, #tpu.memory_space<vmem>>, %arg7: memref<64xi32, #tpu.memory_space<vmem>>, %arg8: memref<64xi32, #tpu.memory_space<vmem>>, %arg9: memref<!tpu.dma_semaphore, #tpu.memory_space<semaphore_mem>>, %arg10: memref<!tpu.dma_semaphore, #tpu.memory_space<semaphore_mem>>) attributes {dimension_semantics = [#tpu.dimension_semantics<core_parallel>, #tpu.dimension_semantics<subcore_parallel>], iteration_bounds = array<i64: 2, 16>, scalar_prefetch = 0 : i64, scratch_operands = 6 : i64, tpu.core_type = #tpu.core_type<sc_vector_subcore>, window_params = [{transform_indices = #map}, {transform_indices = #map}, {transform_indices = #map}]} {
    %mul3A = arith.constant 2 : i32
    %mul3A_0 = arith.muli %arg1, %mul3A : i32
    %add3A = arith.addi %mul3A_0, %arg0 : i32
    %mul3A_1 = arith.constant 64 : i32
    %mul3A_2 = arith.muli %add3A, %mul3A_1 : i32
    "tpu.region"() ({
      %run_scoped3A = tpu.sem_alloc : memref<!tpu.dma_semaphore, #tpu.memory_space<semaphore_mem>>
      %dma_start3A_62 = arith.constant 0 : i32
      %dma_start3A_63 = tpu.memref_slice %arg2[%mul3A_2, %dma_start3A_62] : memref<2048x384xi32, #tpu.memory_space<hbm>> -> memref<64x384xi32, #tpu.memory_space<hbm>>
      %dma_start3A_64 = arith.constant 0 : i32
      %dma_start3A_65 = tpu.memref_slice %arg2[%mul3A_2, %dma_start3A_64] : memref<2048x384xi32, #tpu.memory_space<hbm>> -> memref<64x384xi32, #tpu.memory_space<hbm>>
      tpu.enqueue_dma source(%dma_start3A_65 : memref<64x384xi32, #tpu.memory_space<hbm>>) target(%arg5 : memref<64x384xi32, #tpu.memory_space<vmem>>) target_semaphore(%run_scoped3A : memref<!tpu.dma_semaphore, #tpu.memory_space<semaphore_mem>>)
      %dma_wait3A_66 = arith.constant 0 : i32
      %dma_wait3A_67 = tpu.memref_slice %arg2[%mul3A_2, %dma_wait3A_66] : memref<2048x384xi32, #tpu.memory_space<hbm>> -> memref<64x384xi32, #tpu.memory_space<hbm>>
      %dma_wait3A_68 = arith.constant 0 : i32
      %dma_wait3A_69 = tpu.memref_slice %arg2[%mul3A_2, %dma_wait3A_68] : memref<2048x384xi32, #tpu.memory_space<hbm>> -> memref<64x384xi32, #tpu.memory_space<hbm>>
      tpu.wait_dma2 semaphore(%run_scoped3A : memref<!tpu.dma_semaphore, #tpu.memory_space<semaphore_mem>>) src(%dma_wait3A_69 : memref<64x384xi32, #tpu.memory_space<hbm>>) dst(%arg5 : memref<64x384xi32, #tpu.memory_space<vmem>>)
      tpu.yield
    }) : () -> ()
    "tpu.region"() ({
      %run_scoped3A = tpu.sem_alloc : memref<!tpu.dma_semaphore, #tpu.memory_space<semaphore_mem>>
      %dma_start3A_62 = arith.constant 0 : i32
      %dma_start3A_63 = tpu.memref_slice %arg3[%mul3A_2, %dma_start3A_62] : memref<2048x2xi32, #tpu.memory_space<hbm>> -> memref<64x2xi32, #tpu.memory_space<hbm>>
      %dma_start3A_64 = arith.constant 0 : i32
      %dma_start3A_65 = tpu.memref_slice %arg3[%mul3A_2, %dma_start3A_64] : memref<2048x2xi32, #tpu.memory_space<hbm>> -> memref<64x2xi32, #tpu.memory_space<hbm>>
      tpu.enqueue_dma source(%dma_start3A_65 : memref<64x2xi32, #tpu.memory_space<hbm>>) target(%arg6 : memref<64x2xi32, #tpu.memory_space<vmem>>) target_semaphore(%run_scoped3A : memref<!tpu.dma_semaphore, #tpu.memory_space<semaphore_mem>>)
      %dma_wait3A_66 = arith.constant 0 : i32
      %dma_wait3A_67 = tpu.memref_slice %arg3[%mul3A_2, %dma_wait3A_66] : memref<2048x2xi32, #tpu.memory_space<hbm>> -> memref<64x2xi32, #tpu.memory_space<hbm>>
      %dma_wait3A_68 = arith.constant 0 : i32
      %dma_wait3A_69 = tpu.memref_slice %arg3[%mul3A_2, %dma_wait3A_68] : memref<2048x2xi32, #tpu.memory_space<hbm>> -> memref<64x2xi32, #tpu.memory_space<hbm>>
      tpu.wait_dma2 semaphore(%run_scoped3A : memref<!tpu.dma_semaphore, #tpu.memory_space<semaphore_mem>>) src(%dma_wait3A_69 : memref<64x2xi32, #tpu.memory_space<hbm>>) dst(%arg6 : memref<64x2xi32, #tpu.memory_space<vmem>>)
      tpu.yield
    }) : () -> ()
    %iota3A = tpu.iota {dimensions = array<i32: 0>} : vector<16xi32>
    %broadcast_in_dim3A = arith.constant 0 : i32
    %broadcast_in_dim3A_3 = vector.broadcast %broadcast_in_dim3A : i32 to vector<16xi32>
    %broadcast_in_dim3A_4 = arith.constant 1 : i32
    %broadcast_in_dim3A_5 = vector.broadcast %broadcast_in_dim3A_4 : i32 to vector<16xi32>
    %add3A_6 = arith.constant 0 : i32
    %add3A_7 = vector.broadcast %add3A_6 : i32 to vector<16xi32>
    %add3A_8 = arith.addi %add3A_7, %iota3A : vector<16xi32>
    %gather3A = tpu.vector_load_idx %arg6[%add3A_8, %broadcast_in_dim3A_3] : memref<64x2xi32, #tpu.memory_space<vmem>>[vector<16xi32>, vector<16xi32>], vector<16xi32>,
    %swap3A = arith.constant 0 : index
    %swap3A_9 = tpu.vector_load %arg7[%swap3A] {strides = array<i32>} : memref<64xi32, #tpu.memory_space<vmem>>, vector<16xi32>,
    tpu.vector_store %arg7[%swap3A], %gather3A {strides = array<i32>} : memref<64xi32, #tpu.memory_space<vmem>>, vector<16xi32>,
    %add3A_10 = arith.constant 0 : i32
    %add3A_11 = vector.broadcast %add3A_10 : i32 to vector<16xi32>
    %add3A_12 = arith.addi %add3A_11, %iota3A : vector<16xi32>
    %gather3A_13 = tpu.vector_load_idx %arg6[%add3A_12, %broadcast_in_dim3A_5] : memref<64x2xi32, #tpu.memory_space<vmem>>[vector<16xi32>, vector<16xi32>], vector<16xi32>,
    %swap3A_14 = arith.constant 0 : index
    %swap3A_15 = tpu.vector_load %arg8[%swap3A_14] {strides = array<i32>} : memref<64xi32, #tpu.memory_space<vmem>>, vector<16xi32>,
    tpu.vector_store %arg8[%swap3A_14], %gather3A_13 {strides = array<i32>} : memref<64xi32, #tpu.memory_space<vmem>>, vector<16xi32>,
    %add3A_16 = arith.constant 16 : i32
    %add3A_17 = vector.broadcast %add3A_16 : i32 to vector<16xi32>
    %add3A_18 = arith.addi %add3A_17, %iota3A : vector<16xi32>
    %gather3A_19 = tpu.vector_load_idx %arg6[%add3A_18, %broadcast_in_dim3A_3] : memref<64x2xi32, #tpu.memory_space<vmem>>[vector<16xi32>, vector<16xi32>], vector<16xi32>,
    %swap3A_20 = arith.constant 16 : index
    %swap3A_21 = tpu.vector_load %arg7[%swap3A_20] {strides = array<i32>} : memref<64xi32, #tpu.memory_space<vmem>>, vector<16xi32>,
    tpu.vector_store %arg7[%swap3A_20], %gather3A_19 {strides = array<i32>} : memref<64xi32, #tpu.memory_space<vmem>>, vector<16xi32>,
    %add3A_22 = arith.constant 16 : i32
    %add3A_23 = vector.broadcast %add3A_22 : i32 to vector<16xi32>
    %add3A_24 = arith.addi %add3A_23, %iota3A : vector<16xi32>
    %gather3A_25 = tpu.vector_load_idx %arg6[%add3A_24, %broadcast_in_dim3A_5] : memref<64x2xi32, #tpu.memory_space<vmem>>[vector<16xi32>, vector<16xi32>], vector<16xi32>,
    %swap3A_26 = arith.constant 16 : index
    %swap3A_27 = tpu.vector_load %arg8[%swap3A_26] {strides = array<i32>} : memref<64xi32, #tpu.memory_space<vmem>>, vector<16xi32>,
    tpu.vector_store %arg8[%swap3A_26], %gather3A_25 {strides = array<i32>} : memref<64xi32, #tpu.memory_space<vmem>>, vector<16xi32>,
    %add3A_28 = arith.constant 32 : i32
    %add3A_29 = vector.broadcast %add3A_28 : i32 to vector<16xi32>
    %add3A_30 = arith.addi %add3A_29, %iota3A : vector<16xi32>
    %gather3A_31 = tpu.vector_load_idx %arg6[%add3A_30, %broadcast_in_dim3A_3] : memref<64x2xi32, #tpu.memory_space<vmem>>[vector<16xi32>, vector<16xi32>], vector<16xi32>,
    %swap3A_32 = arith.constant 32 : index
    %swap3A_33 = tpu.vector_load %arg7[%swap3A_32] {strides = array<i32>} : memref<64xi32, #tpu.memory_space<vmem>>, vector<16xi32>,
    tpu.vector_store %arg7[%swap3A_32], %gather3A_31 {strides = array<i32>} : memref<64xi32, #tpu.memory_space<vmem>>, vector<16xi32>,
    %add3A_34 = arith.constant 32 : i32
    %add3A_35 = vector.broadcast %add3A_34 : i32 to vector<16xi32>
    %add3A_36 = arith.addi %add3A_35, %iota3A : vector<16xi32>
    %gather3A_37 = tpu.vector_load_idx %arg6[%add3A_36, %broadcast_in_dim3A_5] : memref<64x2xi32, #tpu.memory_space<vmem>>[vector<16xi32>, vector<16xi32>], vector<16xi32>,
    %swap3A_38 = arith.constant 32 : index
    %swap3A_39 = tpu.vector_load %arg8[%swap3A_38] {strides = array<i32>} : memref<64xi32, #tpu.memory_space<vmem>>, vector<16xi32>,
    tpu.vector_store %arg8[%swap3A_38], %gather3A_37 {strides = array<i32>} : memref<64xi32, #tpu.memory_space<vmem>>, vector<16xi32>,
    %add3A_40 = arith.constant 48 : i32
    %add3A_41 = vector.broadcast %add3A_40 : i32 to vector<16xi32>
    %add3A_42 = arith.addi %add3A_41, %iota3A : vector<16xi32>
    %gather3A_43 = tpu.vector_load_idx %arg6[%add3A_42, %broadcast_in_dim3A_3] : memref<64x2xi32, #tpu.memory_space<vmem>>[vector<16xi32>, vector<16xi32>], vector<16xi32>,
    %swap3A_44 = arith.constant 48 : index
    %swap3A_45 = tpu.vector_load %arg7[%swap3A_44] {strides = array<i32>} : memref<64xi32, #tpu.memory_space<vmem>>, vector<16xi32>,
    tpu.vector_store %arg7[%swap3A_44], %gather3A_43 {strides = array<i32>} : memref<64xi32, #tpu.memory_space<vmem>>, vector<16xi32>,
    %add3A_46 = arith.constant 48 : i32
    %add3A_47 = vector.broadcast %add3A_46 : i32 to vector<16xi32>
    %add3A_48 = arith.addi %add3A_47, %iota3A : vector<16xi32>
    %gather3A_49 = tpu.vector_load_idx %arg6[%add3A_48, %broadcast_in_dim3A_5] : memref<64x2xi32, #tpu.memory_space<vmem>>[vector<16xi32>, vector<16xi32>], vector<16xi32>,
    %swap3A_50 = arith.constant 48 : index
    %swap3A_51 = tpu.vector_load %arg8[%swap3A_50] {strides = array<i32>} : memref<64xi32, #tpu.memory_space<vmem>>, vector<16xi32>,
    tpu.vector_store %arg8[%swap3A_50], %gather3A_49 {strides = array<i32>} : memref<64xi32, #tpu.memory_space<vmem>>, vector<16xi32>,
    %dma_start3A = arith.constant 0 : i32
    %dma_start3A_52 = arith.constant 0 : i32
    %dma_start3A_53 = tpu.memref_slice %arg4[%dma_start3A, %dma_start3A_52] : memref<6144x384xi32, #tpu.memory_space<hbm>> -> memref<6144x384xi32, #tpu.memory_space<hbm>>
    tpu.enqueue_indirect_dma source(%arg5 : memref<64x384xi32, #tpu.memory_space<vmem>>) target(%dma_start3A_53 : memref<6144x384xi32, #tpu.memory_space<hbm>>) offsets(%arg7 : memref<64xi32, #tpu.memory_space<vmem>>) semaphore(%arg9 : memref<!tpu.dma_semaphore, #tpu.memory_space<semaphore_mem>>)
    %dma_start3A_54 = arith.constant 0 : i32
    %dma_start3A_55 = arith.constant 0 : i32
    %dma_start3A_56 = tpu.memref_slice %arg4[%dma_start3A_54, %dma_start3A_55] : memref<6144x384xi32, #tpu.memory_space<hbm>> -> memref<6144x384xi32, #tpu.memory_space<hbm>>
    tpu.enqueue_indirect_dma source(%arg5 : memref<64x384xi32, #tpu.memory_space<vmem>>) target(%dma_start3A_56 : memref<6144x384xi32, #tpu.memory_space<hbm>>) offsets(%arg8 : memref<64xi32, #tpu.memory_space<vmem>>) semaphore(%arg10 : memref<!tpu.dma_semaphore, #tpu.memory_space<semaphore_mem>>)
    %dma_wait3A = arith.constant 0 : i32
    %dma_wait3A_57 = arith.constant 0 : i32
    %dma_wait3A_58 = tpu.memref_slice %arg4[%dma_wait3A, %dma_wait3A_57] : memref<6144x384xi32, #tpu.memory_space<hbm>> -> memref<6144x384xi32, #tpu.memory_space<hbm>>
    tpu.wait_indirect_dma semaphore(%arg9 : memref<!tpu.dma_semaphore, #tpu.memory_space<semaphore_mem>>) src(%arg5 : memref<64x384xi32, #tpu.memory_space<vmem>>) dst(%dma_wait3A_58 : memref<6144x384xi32, #tpu.memory_space<hbm>>)
    %dma_wait3A_59 = arith.constant 0 : i32
    %dma_wait3A_60 = arith.constant 0 : i32
    %dma_wait3A_61 = tpu.memref_slice %arg4[%dma_wait3A_59, %dma_wait3A_60] : memref<6144x384xi32, #tpu.memory_space<hbm>> -> memref<6144x384xi32, #tpu.memory_space<hbm>>
    tpu.wait_indirect_dma semaphore(%arg10 : memref<!tpu.dma_semaphore, #tpu.memory_space<semaphore_mem>>) src(%arg5 : memref<64x384xi32, #tpu.memory_space<vmem>>) dst(%dma_wait3A_61 : memref<6144x384xi32, #tpu.memory_space<hbm>>)
    return
  }
}

#map = affine_map<(d0, d1) -> (0, 0)>
module attributes {stable_mosaic.version = 14 : i64} {
  func.func @comb(%arg0: i32, %arg1: i32, %arg2: memref<6144x384xi32, #tpu.memory_space<hbm>>, %arg3: memref<2048x2xi32, #tpu.memory_space<hbm>>, %arg4: memref<2048x2xf32, #tpu.memory_space<hbm>>, %arg5: memref<2048x768xf32, #tpu.memory_space<hbm>>, %arg6: memref<64x384xi32, #tpu.memory_space<vmem>>, %arg7: memref<64x384xi32, #tpu.memory_space<vmem>>, %arg8: memref<64x768xf32, #tpu.memory_space<vmem>>, %arg9: memref<64x2xi32, #tpu.memory_space<vmem>>, %arg10: memref<64x2xf32, #tpu.memory_space<vmem>>, %arg11: memref<64xi32, #tpu.memory_space<vmem>>, %arg12: memref<64xi32, #tpu.memory_space<vmem>>, %arg13: memref<!tpu.dma_semaphore, #tpu.memory_space<semaphore_mem>>, %arg14: memref<!tpu.dma_semaphore, #tpu.memory_space<semaphore_mem>>) attributes {dimension_semantics = [#tpu.dimension_semantics<core_parallel>, #tpu.dimension_semantics<subcore_parallel>], iteration_bounds = array<i64: 2, 16>, scalar_prefetch = 0 : i64, scratch_operands = 9 : i64, tpu.core_type = #tpu.core_type<sc_vector_subcore>, window_params = [{transform_indices = #map}, {transform_indices = #map}, {transform_indices = #map}, {transform_indices = #map}]} {
    %mul3A = arith.constant 2 : i32
    %mul3A_0 = arith.muli %arg1, %mul3A : i32
    %add3A = arith.addi %mul3A_0, %arg0 : i32
    %mul3A_1 = arith.constant 64 : i32
    %mul3A_2 = arith.muli %add3A, %mul3A_1 : i32
    "tpu.region"() ({
      %run_scoped3A = tpu.sem_alloc : memref<!tpu.dma_semaphore, #tpu.memory_space<semaphore_mem>>
      %dma_start3A_70 = arith.constant 0 : i32
      %dma_start3A_71 = tpu.memref_slice %arg3[%mul3A_2, %dma_start3A_70] : memref<2048x2xi32, #tpu.memory_space<hbm>> -> memref<64x2xi32, #tpu.memory_space<hbm>>
      %dma_start3A_72 = arith.constant 0 : i32
      %dma_start3A_73 = tpu.memref_slice %arg3[%mul3A_2, %dma_start3A_72] : memref<2048x2xi32, #tpu.memory_space<hbm>> -> memref<64x2xi32, #tpu.memory_space<hbm>>
      tpu.enqueue_dma source(%dma_start3A_73 : memref<64x2xi32, #tpu.memory_space<hbm>>) target(%arg9 : memref<64x2xi32, #tpu.memory_space<vmem>>) target_semaphore(%run_scoped3A : memref<!tpu.dma_semaphore, #tpu.memory_space<semaphore_mem>>)
      %dma_wait3A_74 = arith.constant 0 : i32
      %dma_wait3A_75 = tpu.memref_slice %arg3[%mul3A_2, %dma_wait3A_74] : memref<2048x2xi32, #tpu.memory_space<hbm>> -> memref<64x2xi32, #tpu.memory_space<hbm>>
      %dma_wait3A_76 = arith.constant 0 : i32
      %dma_wait3A_77 = tpu.memref_slice %arg3[%mul3A_2, %dma_wait3A_76] : memref<2048x2xi32, #tpu.memory_space<hbm>> -> memref<64x2xi32, #tpu.memory_space<hbm>>
      tpu.wait_dma2 semaphore(%run_scoped3A : memref<!tpu.dma_semaphore, #tpu.memory_space<semaphore_mem>>) src(%dma_wait3A_77 : memref<64x2xi32, #tpu.memory_space<hbm>>) dst(%arg9 : memref<64x2xi32, #tpu.memory_space<vmem>>)
      tpu.yield
    }) : () -> ()
    "tpu.region"() ({
      %run_scoped3A = tpu.sem_alloc : memref<!tpu.dma_semaphore, #tpu.memory_space<semaphore_mem>>
      %dma_start3A_70 = arith.constant 0 : i32
      %dma_start3A_71 = tpu.memref_slice %arg4[%mul3A_2, %dma_start3A_70] : memref<2048x2xf32, #tpu.memory_space<hbm>> -> memref<64x2xf32, #tpu.memory_space<hbm>>
      %dma_start3A_72 = arith.constant 0 : i32
      %dma_start3A_73 = tpu.memref_slice %arg4[%mul3A_2, %dma_start3A_72] : memref<2048x2xf32, #tpu.memory_space<hbm>> -> memref<64x2xf32, #tpu.memory_space<hbm>>
      tpu.enqueue_dma source(%dma_start3A_73 : memref<64x2xf32, #tpu.memory_space<hbm>>) target(%arg10 : memref<64x2xf32, #tpu.memory_space<vmem>>) target_semaphore(%run_scoped3A : memref<!tpu.dma_semaphore, #tpu.memory_space<semaphore_mem>>)
      %dma_wait3A_74 = arith.constant 0 : i32
      %dma_wait3A_75 = tpu.memref_slice %arg4[%mul3A_2, %dma_wait3A_74] : memref<2048x2xf32, #tpu.memory_space<hbm>> -> memref<64x2xf32, #tpu.memory_space<hbm>>
      %dma_wait3A_76 = arith.constant 0 : i32
      %dma_wait3A_77 = tpu.memref_slice %arg4[%mul3A_2, %dma_wait3A_76] : memref<2048x2xf32, #tpu.memory_space<hbm>> -> memref<64x2xf32, #tpu.memory_space<hbm>>
      tpu.wait_dma2 semaphore(%run_scoped3A : memref<!tpu.dma_semaphore, #tpu.memory_space<semaphore_mem>>) src(%dma_wait3A_77 : memref<64x2xf32, #tpu.memory_space<hbm>>) dst(%arg10 : memref<64x2xf32, #tpu.memory_space<vmem>>)
      tpu.yield
    }) : () -> ()
    %iota3A = tpu.iota {dimensions = array<i32: 0>} : vector<16xi32>
    %broadcast_in_dim3A = arith.constant 0 : i32
    %broadcast_in_dim3A_3 = vector.broadcast %broadcast_in_dim3A : i32 to vector<16xi32>
    %broadcast_in_dim3A_4 = arith.constant 1 : i32
    %broadcast_in_dim3A_5 = vector.broadcast %broadcast_in_dim3A_4 : i32 to vector<16xi32>
    %add3A_6 = arith.constant 0 : i32
    %add3A_7 = vector.broadcast %add3A_6 : i32 to vector<16xi32>
    %add3A_8 = arith.addi %add3A_7, %iota3A : vector<16xi32>
    %gather3A = tpu.vector_load_idx %arg9[%add3A_8, %broadcast_in_dim3A_3] : memref<64x2xi32, #tpu.memory_space<vmem>>[vector<16xi32>, vector<16xi32>], vector<16xi32>,
    %swap3A = arith.constant 0 : index
    %swap3A_9 = tpu.vector_load %arg11[%swap3A] {strides = array<i32>} : memref<64xi32, #tpu.memory_space<vmem>>, vector<16xi32>,
    tpu.vector_store %arg11[%swap3A], %gather3A {strides = array<i32>} : memref<64xi32, #tpu.memory_space<vmem>>, vector<16xi32>,
    %add3A_10 = arith.constant 0 : i32
    %add3A_11 = vector.broadcast %add3A_10 : i32 to vector<16xi32>
    %add3A_12 = arith.addi %add3A_11, %iota3A : vector<16xi32>
    %gather3A_13 = tpu.vector_load_idx %arg9[%add3A_12, %broadcast_in_dim3A_5] : memref<64x2xi32, #tpu.memory_space<vmem>>[vector<16xi32>, vector<16xi32>], vector<16xi32>,
    %swap3A_14 = arith.constant 0 : index
    %swap3A_15 = tpu.vector_load %arg12[%swap3A_14] {strides = array<i32>} : memref<64xi32, #tpu.memory_space<vmem>>, vector<16xi32>,
    tpu.vector_store %arg12[%swap3A_14], %gather3A_13 {strides = array<i32>} : memref<64xi32, #tpu.memory_space<vmem>>, vector<16xi32>,
    %add3A_16 = arith.constant 16 : i32
    %add3A_17 = vector.broadcast %add3A_16 : i32 to vector<16xi32>
    %add3A_18 = arith.addi %add3A_17, %iota3A : vector<16xi32>
    %gather3A_19 = tpu.vector_load_idx %arg9[%add3A_18, %broadcast_in_dim3A_3] : memref<64x2xi32, #tpu.memory_space<vmem>>[vector<16xi32>, vector<16xi32>], vector<16xi32>,
    %swap3A_20 = arith.constant 16 : index
    %swap3A_21 = tpu.vector_load %arg11[%swap3A_20] {strides = array<i32>} : memref<64xi32, #tpu.memory_space<vmem>>, vector<16xi32>,
    tpu.vector_store %arg11[%swap3A_20], %gather3A_19 {strides = array<i32>} : memref<64xi32, #tpu.memory_space<vmem>>, vector<16xi32>,
    %add3A_22 = arith.constant 16 : i32
    %add3A_23 = vector.broadcast %add3A_22 : i32 to vector<16xi32>
    %add3A_24 = arith.addi %add3A_23, %iota3A : vector<16xi32>
    %gather3A_25 = tpu.vector_load_idx %arg9[%add3A_24, %broadcast_in_dim3A_5] : memref<64x2xi32, #tpu.memory_space<vmem>>[vector<16xi32>, vector<16xi32>], vector<16xi32>,
    %swap3A_26 = arith.constant 16 : index
    %swap3A_27 = tpu.vector_load %arg12[%swap3A_26] {strides = array<i32>} : memref<64xi32, #tpu.memory_space<vmem>>, vector<16xi32>,
    tpu.vector_store %arg12[%swap3A_26], %gather3A_25 {strides = array<i32>} : memref<64xi32, #tpu.memory_space<vmem>>, vector<16xi32>,
    %add3A_28 = arith.constant 32 : i32
    %add3A_29 = vector.broadcast %add3A_28 : i32 to vector<16xi32>
    %add3A_30 = arith.addi %add3A_29, %iota3A : vector<16xi32>
    %gather3A_31 = tpu.vector_load_idx %arg9[%add3A_30, %broadcast_in_dim3A_3] : memref<64x2xi32, #tpu.memory_space<vmem>>[vector<16xi32>, vector<16xi32>], vector<16xi32>,
    %swap3A_32 = arith.constant 32 : index
    %swap3A_33 = tpu.vector_load %arg11[%swap3A_32] {strides = array<i32>} : memref<64xi32, #tpu.memory_space<vmem>>, vector<16xi32>,
    tpu.vector_store %arg11[%swap3A_32], %gather3A_31 {strides = array<i32>} : memref<64xi32, #tpu.memory_space<vmem>>, vector<16xi32>,
    %add3A_34 = arith.constant 32 : i32
    %add3A_35 = vector.broadcast %add3A_34 : i32 to vector<16xi32>
    %add3A_36 = arith.addi %add3A_35, %iota3A : vector<16xi32>
    %gather3A_37 = tpu.vector_load_idx %arg9[%add3A_36, %broadcast_in_dim3A_5] : memref<64x2xi32, #tpu.memory_space<vmem>>[vector<16xi32>, vector<16xi32>], vector<16xi32>,
    %swap3A_38 = arith.constant 32 : index
    %swap3A_39 = tpu.vector_load %arg12[%swap3A_38] {strides = array<i32>} : memref<64xi32, #tpu.memory_space<vmem>>, vector<16xi32>,
    tpu.vector_store %arg12[%swap3A_38], %gather3A_37 {strides = array<i32>} : memref<64xi32, #tpu.memory_space<vmem>>, vector<16xi32>,
    %add3A_40 = arith.constant 48 : i32
    %add3A_41 = vector.broadcast %add3A_40 : i32 to vector<16xi32>
    %add3A_42 = arith.addi %add3A_41, %iota3A : vector<16xi32>
    %gather3A_43 = tpu.vector_load_idx %arg9[%add3A_42, %broadcast_in_dim3A_3] : memref<64x2xi32, #tpu.memory_space<vmem>>[vector<16xi32>, vector<16xi32>], vector<16xi32>,
    %swap3A_44 = arith.constant 48 : index
    %swap3A_45 = tpu.vector_load %arg11[%swap3A_44] {strides = array<i32>} : memref<64xi32, #tpu.memory_space<vmem>>, vector<16xi32>,
    tpu.vector_store %arg11[%swap3A_44], %gather3A_43 {strides = array<i32>} : memref<64xi32, #tpu.memory_space<vmem>>, vector<16xi32>,
    %add3A_46 = arith.constant 48 : i32
    %add3A_47 = vector.broadcast %add3A_46 : i32 to vector<16xi32>
    %add3A_48 = arith.addi %add3A_47, %iota3A : vector<16xi32>
    %gather3A_49 = tpu.vector_load_idx %arg9[%add3A_48, %broadcast_in_dim3A_5] : memref<64x2xi32, #tpu.memory_space<vmem>>[vector<16xi32>, vector<16xi32>], vector<16xi32>,
    %swap3A_50 = arith.constant 48 : index
    %swap3A_51 = tpu.vector_load %arg12[%swap3A_50] {strides = array<i32>} : memref<64xi32, #tpu.memory_space<vmem>>, vector<16xi32>,
    tpu.vector_store %arg12[%swap3A_50], %gather3A_49 {strides = array<i32>} : memref<64xi32, #tpu.memory_space<vmem>>, vector<16xi32>,
    %dma_start3A = arith.constant 0 : i32
    %dma_start3A_52 = arith.constant 0 : i32
    %dma_start3A_53 = tpu.memref_slice %arg2[%dma_start3A, %dma_start3A_52] : memref<6144x384xi32, #tpu.memory_space<hbm>> -> memref<6144x384xi32, #tpu.memory_space<hbm>>
    tpu.enqueue_indirect_dma source(%dma_start3A_53 : memref<6144x384xi32, #tpu.memory_space<hbm>>) target(%arg6 : memref<64x384xi32, #tpu.memory_space<vmem>>) offsets(%arg11 : memref<64xi32, #tpu.memory_space<vmem>>) semaphore(%arg13 : memref<!tpu.dma_semaphore, #tpu.memory_space<semaphore_mem>>)
    %dma_start3A_54 = arith.constant 0 : i32
    %dma_start3A_55 = arith.constant 0 : i32
    %dma_start3A_56 = tpu.memref_slice %arg2[%dma_start3A_54, %dma_start3A_55] : memref<6144x384xi32, #tpu.memory_space<hbm>> -> memref<6144x384xi32, #tpu.memory_space<hbm>>
    tpu.enqueue_indirect_dma source(%dma_start3A_56 : memref<6144x384xi32, #tpu.memory_space<hbm>>) target(%arg7 : memref<64x384xi32, #tpu.memory_space<vmem>>) offsets(%arg12 : memref<64xi32, #tpu.memory_space<vmem>>) semaphore(%arg14 : memref<!tpu.dma_semaphore, #tpu.memory_space<semaphore_mem>>)
    %dma_wait3A = arith.constant 0 : i32
    %dma_wait3A_57 = arith.constant 0 : i32
    %dma_wait3A_58 = tpu.memref_slice %arg2[%dma_wait3A, %dma_wait3A_57] : memref<6144x384xi32, #tpu.memory_space<hbm>> -> memref<6144x384xi32, #tpu.memory_space<hbm>>
    tpu.wait_indirect_dma semaphore(%arg13 : memref<!tpu.dma_semaphore, #tpu.memory_space<semaphore_mem>>) src(%dma_wait3A_58 : memref<6144x384xi32, #tpu.memory_space<hbm>>) dst(%arg6 : memref<64x384xi32, #tpu.memory_space<vmem>>)
    %dma_wait3A_59 = arith.constant 0 : i32
    %dma_wait3A_60 = arith.constant 0 : i32
    %dma_wait3A_61 = tpu.memref_slice %arg2[%dma_wait3A_59, %dma_wait3A_60] : memref<6144x384xi32, #tpu.memory_space<hbm>> -> memref<6144x384xi32, #tpu.memory_space<hbm>>
    tpu.wait_indirect_dma semaphore(%arg14 : memref<!tpu.dma_semaphore, #tpu.memory_space<semaphore_mem>>) src(%dma_wait3A_61 : memref<6144x384xi32, #tpu.memory_space<hbm>>) dst(%arg7 : memref<64x384xi32, #tpu.memory_space<vmem>>)
    %broadcast_in_dim3A_62 = arith.constant -65536 : i32
    %broadcast_in_dim3A_63 = vector.broadcast %broadcast_in_dim3A_62 : i32 to vector<16xi32>
    %scan3A = arith.constant 0 : i32
    %scan3A_64 = arith.constant 0 : i32
    %scan3A_65 = arith.constant 64 : i32
    %scan3A_66 = arith.addi %scan3A_64, %scan3A_65 : i32
    %scan3A_67 = arith.constant 1 : i32
    %scan3A_68 = scf.for %scan3A_70 = %scan3A_64 to %scan3A_66 step %scan3A_67 iter_args(%scan3A_71 = %scan3A) -> (i32)  : i32 {
      %broadcast_in_dim3A_72 = vector.broadcast %scan3A_70 : i32 to vector<16xi32>
      %gather3A_73 = tpu.vector_load_idx %arg10[%broadcast_in_dim3A_72, %broadcast_in_dim3A_3] : memref<64x2xf32, #tpu.memory_space<vmem>>[vector<16xi32>, vector<16xi32>], vector<16xf32>,
      %broadcast_in_dim3A_74 = vector.broadcast %scan3A_70 : i32 to vector<16xi32>
      %gather3A_75 = tpu.vector_load_idx %arg10[%broadcast_in_dim3A_74, %broadcast_in_dim3A_5] : memref<64x2xf32, #tpu.memory_space<vmem>>[vector<16xi32>, vector<16xi32>], vector<16xf32>,
      %get3A = arith.index_cast %scan3A_70 : i32 to index
      %get3A_76 = arith.constant 0 : index
      %get3A_77 = tpu.vector_load %arg6[%get3A, %get3A_76] {strides = array<i32>} : memref<64x384xi32, #tpu.memory_space<vmem>>, vector<16xi32>,
      %get3A_78 = arith.index_cast %scan3A_70 : i32 to index
      %get3A_79 = arith.constant 0 : index
      %get3A_80 = tpu.vector_load %arg7[%get3A_78, %get3A_79] {strides = array<i32>} : memref<64x384xi32, #tpu.memory_space<vmem>>, vector<16xi32>,
      %shift_left3A = arith.constant 16 : i32
      %shift_left3A_81 = vector.broadcast %shift_left3A : i32 to vector<16xi32>
      %shift_left3A_82 = arith.shli %get3A_77, %shift_left3A_81 : vector<16xi32>
      %bitcast3A = vector.bitcast %shift_left3A_82 : vector<16xi32> to vector<16xf32>
      %shift_left3A_83 = arith.constant 16 : i32
      %shift_left3A_84 = vector.broadcast %shift_left3A_83 : i32 to vector<16xi32>
      %shift_left3A_85 = arith.shli %get3A_80, %shift_left3A_84 : vector<16xi32>
      %bitcast3A_86 = vector.bitcast %shift_left3A_85 : vector<16xi32> to vector<16xf32>
      %and3A = arith.andi %get3A_77, %broadcast_in_dim3A_63 : vector<16xi32>
      %bitcast3A_87 = vector.bitcast %and3A : vector<16xi32> to vector<16xf32>
      %and3A_88 = arith.andi %get3A_80, %broadcast_in_dim3A_63 : vector<16xi32>
      %bitcast3A_89 = vector.bitcast %and3A_88 : vector<16xi32> to vector<16xf32>
      %mul3A_90 = arith.mulf %bitcast3A, %gather3A_73 : vector<16xf32>
      %mul3A_91 = arith.mulf %bitcast3A_86, %gather3A_75 : vector<16xf32>
      %add3A_92 = arith.addf %mul3A_90, %mul3A_91 : vector<16xf32>
      %swap3A_93 = arith.index_cast %scan3A_70 : i32 to index
      %swap3A_94 = arith.constant 0 : index
      %swap3A_95 = tpu.vector_load %arg8[%swap3A_93, %swap3A_94] {strides = array<i32>} : memref<64x768xf32, #tpu.memory_space<vmem>>, vector<16xf32>,
      tpu.vector_store %arg8[%swap3A_93, %swap3A_94], %add3A_92 {strides = array<i32>} : memref<64x768xf32, #tpu.memory_space<vmem>>, vector<16xf32>,
      %mul3A_96 = arith.mulf %bitcast3A_87, %gather3A_73 : vector<16xf32>
      %mul3A_97 = arith.mulf %bitcast3A_89, %gather3A_75 : vector<16xf32>
      %add3A_98 = arith.addf %mul3A_96, %mul3A_97 : vector<16xf32>
      %swap3A_99 = arith.index_cast %scan3A_70 : i32 to index
      %swap3A_100 = arith.constant 384 : index
      %swap3A_101 = tpu.vector_load %arg8[%swap3A_99, %swap3A_100] {strides = array<i32>} : memref<64x768xf32, #tpu.memory_space<vmem>>, vector<16xf32>,
      tpu.vector_store %arg8[%swap3A_99, %swap3A_100], %add3A_98 {strides = array<i32>} : memref<64x768xf32, #tpu.memory_space<vmem>>, vector<16xf32>,
      %get3A_102 = arith.index_cast %scan3A_70 : i32 to index
      %get3A_103 = arith.constant 16 : index
      %get3A_104 = tpu.vector_load %arg6[%get3A_102, %get3A_103] {strides = array<i32>} : memref<64x384xi32, #tpu.memory_space<vmem>>, vector<16xi32>,
      %get3A_105 = arith.index_cast %scan3A_70 : i32 to index
      %get3A_106 = arith.constant 16 : index
      %get3A_107 = tpu.vector_load %arg7[%get3A_105, %get3A_106] {strides = array<i32>} : memref<64x384xi32, #tpu.memory_space<vmem>>, vector<16xi32>,
      %shift_left3A_108 = arith.constant 16 : i32
      %shift_left3A_109 = vector.broadcast %shift_left3A_108 : i32 to vector<16xi32>
      %shift_left3A_110 = arith.shli %get3A_104, %shift_left3A_109 : vector<16xi32>
      %bitcast3A_111 = vector.bitcast %shift_left3A_110 : vector<16xi32> to vector<16xf32>
      %shift_left3A_112 = arith.constant 16 : i32
      %shift_left3A_113 = vector.broadcast %shift_left3A_112 : i32 to vector<16xi32>
      %shift_left3A_114 = arith.shli %get3A_107, %shift_left3A_113 : vector<16xi32>
      %bitcast3A_115 = vector.bitcast %shift_left3A_114 : vector<16xi32> to vector<16xf32>
      %and3A_116 = arith.andi %get3A_104, %broadcast_in_dim3A_63 : vector<16xi32>
      %bitcast3A_117 = vector.bitcast %and3A_116 : vector<16xi32> to vector<16xf32>
      %and3A_118 = arith.andi %get3A_107, %broadcast_in_dim3A_63 : vector<16xi32>
      %bitcast3A_119 = vector.bitcast %and3A_118 : vector<16xi32> to vector<16xf32>
      %mul3A_120 = arith.mulf %bitcast3A_111, %gather3A_73 : vector<16xf32>
      %mul3A_121 = arith.mulf %bitcast3A_115, %gather3A_75 : vector<16xf32>
      %add3A_122 = arith.addf %mul3A_120, %mul3A_121 : vector<16xf32>
      %swap3A_123 = arith.index_cast %scan3A_70 : i32 to index
      %swap3A_124 = arith.constant 16 : index
      %swap3A_125 = tpu.vector_load %arg8[%swap3A_123, %swap3A_124] {strides = array<i32>} : memref<64x768xf32, #tpu.memory_space<vmem>>, vector<16xf32>,
      tpu.vector_store %arg8[%swap3A_123, %swap3A_124], %add3A_122 {strides = array<i32>} : memref<64x768xf32, #tpu.memory_space<vmem>>, vector<16xf32>,
      %mul3A_126 = arith.mulf %bitcast3A_117, %gather3A_73 : vector<16xf32>
      %mul3A_127 = arith.mulf %bitcast3A_119, %gather3A_75 : vector<16xf32>
      %add3A_128 = arith.addf %mul3A_126, %mul3A_127 : vector<16xf32>
      %swap3A_129 = arith.index_cast %scan3A_70 : i32 to index
      %swap3A_130 = arith.constant 400 : index
      %swap3A_131 = tpu.vector_load %arg8[%swap3A_129, %swap3A_130] {strides = array<i32>} : memref<64x768xf32, #tpu.memory_space<vmem>>, vector<16xf32>,
      tpu.vector_store %arg8[%swap3A_129, %swap3A_130], %add3A_128 {strides = array<i32>} : memref<64x768xf32, #tpu.memory_space<vmem>>, vector<16xf32>,
      %get3A_132 = arith.index_cast %scan3A_70 : i32 to index
      %get3A_133 = arith.constant 32 : index
      %get3A_134 = tpu.vector_load %arg6[%get3A_132, %get3A_133] {strides = array<i32>} : memref<64x384xi32, #tpu.memory_space<vmem>>, vector<16xi32>,
      %get3A_135 = arith.index_cast %scan3A_70 : i32 to index
      %get3A_136 = arith.constant 32 : index
      %get3A_137 = tpu.vector_load %arg7[%get3A_135, %get3A_136] {strides = array<i32>} : memref<64x384xi32, #tpu.memory_space<vmem>>, vector<16xi32>,
      %shift_left3A_138 = arith.constant 16 : i32
      %shift_left3A_139 = vector.broadcast %shift_left3A_138 : i32 to vector<16xi32>
      %shift_left3A_140 = arith.shli %get3A_134, %shift_left3A_139 : vector<16xi32>
      %bitcast3A_141 = vector.bitcast %shift_left3A_140 : vector<16xi32> to vector<16xf32>
      %shift_left3A_142 = arith.constant 16 : i32
      %shift_left3A_143 = vector.broadcast %shift_left3A_142 : i32 to vector<16xi32>
      %shift_left3A_144 = arith.shli %get3A_137, %shift_left3A_143 : vector<16xi32>
      %bitcast3A_145 = vector.bitcast %shift_left3A_144 : vector<16xi32> to vector<16xf32>
      %and3A_146 = arith.andi %get3A_134, %broadcast_in_dim3A_63 : vector<16xi32>
      %bitcast3A_147 = vector.bitcast %and3A_146 : vector<16xi32> to vector<16xf32>
      %and3A_148 = arith.andi %get3A_137, %broadcast_in_dim3A_63 : vector<16xi32>
      %bitcast3A_149 = vector.bitcast %and3A_148 : vector<16xi32> to vector<16xf32>
      %mul3A_150 = arith.mulf %bitcast3A_141, %gather3A_73 : vector<16xf32>
      %mul3A_151 = arith.mulf %bitcast3A_145, %gather3A_75 : vector<16xf32>
      %add3A_152 = arith.addf %mul3A_150, %mul3A_151 : vector<16xf32>
      %swap3A_153 = arith.index_cast %scan3A_70 : i32 to index
      %swap3A_154 = arith.constant 32 : index
      %swap3A_155 = tpu.vector_load %arg8[%swap3A_153, %swap3A_154] {strides = array<i32>} : memref<64x768xf32, #tpu.memory_space<vmem>>, vector<16xf32>,
      tpu.vector_store %arg8[%swap3A_153, %swap3A_154], %add3A_152 {strides = array<i32>} : memref<64x768xf32, #tpu.memory_space<vmem>>, vector<16xf32>,
      %mul3A_156 = arith.mulf %bitcast3A_147, %gather3A_73 : vector<16xf32>
      %mul3A_157 = arith.mulf %bitcast3A_149, %gather3A_75 : vector<16xf32>
      %add3A_158 = arith.addf %mul3A_156, %mul3A_157 : vector<16xf32>
      %swap3A_159 = arith.index_cast %scan3A_70 : i32 to index
      %swap3A_160 = arith.constant 416 : index
      %swap3A_161 = tpu.vector_load %arg8[%swap3A_159, %swap3A_160] {strides = array<i32>} : memref<64x768xf32, #tpu.memory_space<vmem>>, vector<16xf32>,
      tpu.vector_store %arg8[%swap3A_159, %swap3A_160], %add3A_158 {strides = array<i32>} : memref<64x768xf32, #tpu.memory_space<vmem>>, vector<16xf32>,
      %get3A_162 = arith.index_cast %scan3A_70 : i32 to index
      %get3A_163 = arith.constant 48 : index
      %get3A_164 = tpu.vector_load %arg6[%get3A_162, %get3A_163] {strides = array<i32>} : memref<64x384xi32, #tpu.memory_space<vmem>>, vector<16xi32>,
      %get3A_165 = arith.index_cast %scan3A_70 : i32 to index
      %get3A_166 = arith.constant 48 : index
      %get3A_167 = tpu.vector_load %arg7[%get3A_165, %get3A_166] {strides = array<i32>} : memref<64x384xi32, #tpu.memory_space<vmem>>, vector<16xi32>,
      %shift_left3A_168 = arith.constant 16 : i32
      %shift_left3A_169 = vector.broadcast %shift_left3A_168 : i32 to vector<16xi32>
      %shift_left3A_170 = arith.shli %get3A_164, %shift_left3A_169 : vector<16xi32>
      %bitcast3A_171 = vector.bitcast %shift_left3A_170 : vector<16xi32> to vector<16xf32>
      %shift_left3A_172 = arith.constant 16 : i32
      %shift_left3A_173 = vector.broadcast %shift_left3A_172 : i32 to vector<16xi32>
      %shift_left3A_174 = arith.shli %get3A_167, %shift_left3A_173 : vector<16xi32>
      %bitcast3A_175 = vector.bitcast %shift_left3A_174 : vector<16xi32> to vector<16xf32>
      %and3A_176 = arith.andi %get3A_164, %broadcast_in_dim3A_63 : vector<16xi32>
      %bitcast3A_177 = vector.bitcast %and3A_176 : vector<16xi32> to vector<16xf32>
      %and3A_178 = arith.andi %get3A_167, %broadcast_in_dim3A_63 : vector<16xi32>
      %bitcast3A_179 = vector.bitcast %and3A_178 : vector<16xi32> to vector<16xf32>
      %mul3A_180 = arith.mulf %bitcast3A_171, %gather3A_73 : vector<16xf32>
      %mul3A_181 = arith.mulf %bitcast3A_175, %gather3A_75 : vector<16xf32>
      %add3A_182 = arith.addf %mul3A_180, %mul3A_181 : vector<16xf32>
      %swap3A_183 = arith.index_cast %scan3A_70 : i32 to index
      %swap3A_184 = arith.constant 48 : index
      %swap3A_185 = tpu.vector_load %arg8[%swap3A_183, %swap3A_184] {strides = array<i32>} : memref<64x768xf32, #tpu.memory_space<vmem>>, vector<16xf32>,
      tpu.vector_store %arg8[%swap3A_183, %swap3A_184], %add3A_182 {strides = array<i32>} : memref<64x768xf32, #tpu.memory_space<vmem>>, vector<16xf32>,
      %mul3A_186 = arith.mulf %bitcast3A_177, %gather3A_73 : vector<16xf32>
      %mul3A_187 = arith.mulf %bitcast3A_179, %gather3A_75 : vector<16xf32>
      %add3A_188 = arith.addf %mul3A_186, %mul3A_187 : vector<16xf32>
      %swap3A_189 = arith.index_cast %scan3A_70 : i32 to index
      %swap3A_190 = arith.constant 432 : index
      %swap3A_191 = tpu.vector_load %arg8[%swap3A_189, %swap3A_190] {strides = array<i32>} : memref<64x768xf32, #tpu.memory_space<vmem>>, vector<16xf32>,
      tpu.vector_store %arg8[%swap3A_189, %swap3A_190], %add3A_188 {strides = array<i32>} : memref<64x768xf32, #tpu.memory_space<vmem>>, vector<16xf32>,
      %get3A_192 = arith.index_cast %scan3A_70 : i32 to index
      %get3A_193 = arith.constant 64 : index
      %get3A_194 = tpu.vector_load %arg6[%get3A_192, %get3A_193] {strides = array<i32>} : memref<64x384xi32, #tpu.memory_space<vmem>>, vector<16xi32>,
      %get3A_195 = arith.index_cast %scan3A_70 : i32 to index
      %get3A_196 = arith.constant 64 : index
      %get3A_197 = tpu.vector_load %arg7[%get3A_195, %get3A_196] {strides = array<i32>} : memref<64x384xi32, #tpu.memory_space<vmem>>, vector<16xi32>,
      %shift_left3A_198 = arith.constant 16 : i32
      %shift_left3A_199 = vector.broadcast %shift_left3A_198 : i32 to vector<16xi32>
      %shift_left3A_200 = arith.shli %get3A_194, %shift_left3A_199 : vector<16xi32>
      %bitcast3A_201 = vector.bitcast %shift_left3A_200 : vector<16xi32> to vector<16xf32>
      %shift_left3A_202 = arith.constant 16 : i32
      %shift_left3A_203 = vector.broadcast %shift_left3A_202 : i32 to vector<16xi32>
      %shift_left3A_204 = arith.shli %get3A_197, %shift_left3A_203 : vector<16xi32>
      %bitcast3A_205 = vector.bitcast %shift_left3A_204 : vector<16xi32> to vector<16xf32>
      %and3A_206 = arith.andi %get3A_194, %broadcast_in_dim3A_63 : vector<16xi32>
      %bitcast3A_207 = vector.bitcast %and3A_206 : vector<16xi32> to vector<16xf32>
      %and3A_208 = arith.andi %get3A_197, %broadcast_in_dim3A_63 : vector<16xi32>
      %bitcast3A_209 = vector.bitcast %and3A_208 : vector<16xi32> to vector<16xf32>
      %mul3A_210 = arith.mulf %bitcast3A_201, %gather3A_73 : vector<16xf32>
      %mul3A_211 = arith.mulf %bitcast3A_205, %gather3A_75 : vector<16xf32>
      %add3A_212 = arith.addf %mul3A_210, %mul3A_211 : vector<16xf32>
      %swap3A_213 = arith.index_cast %scan3A_70 : i32 to index
      %swap3A_214 = arith.constant 64 : index
      %swap3A_215 = tpu.vector_load %arg8[%swap3A_213, %swap3A_214] {strides = array<i32>} : memref<64x768xf32, #tpu.memory_space<vmem>>, vector<16xf32>,
      tpu.vector_store %arg8[%swap3A_213, %swap3A_214], %add3A_212 {strides = array<i32>} : memref<64x768xf32, #tpu.memory_space<vmem>>, vector<16xf32>,
      %mul3A_216 = arith.mulf %bitcast3A_207, %gather3A_73 : vector<16xf32>
      %mul3A_217 = arith.mulf %bitcast3A_209, %gather3A_75 : vector<16xf32>
      %add3A_218 = arith.addf %mul3A_216, %mul3A_217 : vector<16xf32>
      %swap3A_219 = arith.index_cast %scan3A_70 : i32 to index
      %swap3A_220 = arith.constant 448 : index
      %swap3A_221 = tpu.vector_load %arg8[%swap3A_219, %swap3A_220] {strides = array<i32>} : memref<64x768xf32, #tpu.memory_space<vmem>>, vector<16xf32>,
      tpu.vector_store %arg8[%swap3A_219, %swap3A_220], %add3A_218 {strides = array<i32>} : memref<64x768xf32, #tpu.memory_space<vmem>>, vector<16xf32>,
      %get3A_222 = arith.index_cast %scan3A_70 : i32 to index
      %get3A_223 = arith.constant 80 : index
      %get3A_224 = tpu.vector_load %arg6[%get3A_222, %get3A_223] {strides = array<i32>} : memref<64x384xi32, #tpu.memory_space<vmem>>, vector<16xi32>,
      %get3A_225 = arith.index_cast %scan3A_70 : i32 to index
      %get3A_226 = arith.constant 80 : index
      %get3A_227 = tpu.vector_load %arg7[%get3A_225, %get3A_226] {strides = array<i32>} : memref<64x384xi32, #tpu.memory_space<vmem>>, vector<16xi32>,
      %shift_left3A_228 = arith.constant 16 : i32
      %shift_left3A_229 = vector.broadcast %shift_left3A_228 : i32 to vector<16xi32>
      %shift_left3A_230 = arith.shli %get3A_224, %shift_left3A_229 : vector<16xi32>
      %bitcast3A_231 = vector.bitcast %shift_left3A_230 : vector<16xi32> to vector<16xf32>
      %shift_left3A_232 = arith.constant 16 : i32
      %shift_left3A_233 = vector.broadcast %shift_left3A_232 : i32 to vector<16xi32>
      %shift_left3A_234 = arith.shli %get3A_227, %shift_left3A_233 : vector<16xi32>
      %bitcast3A_235 = vector.bitcast %shift_left3A_234 : vector<16xi32> to vector<16xf32>
      %and3A_236 = arith.andi %get3A_224, %broadcast_in_dim3A_63 : vector<16xi32>
      %bitcast3A_237 = vector.bitcast %and3A_236 : vector<16xi32> to vector<16xf32>
      %and3A_238 = arith.andi %get3A_227, %broadcast_in_dim3A_63 : vector<16xi32>
      %bitcast3A_239 = vector.bitcast %and3A_238 : vector<16xi32> to vector<16xf32>
      %mul3A_240 = arith.mulf %bitcast3A_231, %gather3A_73 : vector<16xf32>
      %mul3A_241 = arith.mulf %bitcast3A_235, %gather3A_75 : vector<16xf32>
      %add3A_242 = arith.addf %mul3A_240, %mul3A_241 : vector<16xf32>
      %swap3A_243 = arith.index_cast %scan3A_70 : i32 to index
      %swap3A_244 = arith.constant 80 : index
      %swap3A_245 = tpu.vector_load %arg8[%swap3A_243, %swap3A_244] {strides = array<i32>} : memref<64x768xf32, #tpu.memory_space<vmem>>, vector<16xf32>,
      tpu.vector_store %arg8[%swap3A_243, %swap3A_244], %add3A_242 {strides = array<i32>} : memref<64x768xf32, #tpu.memory_space<vmem>>, vector<16xf32>,
      %mul3A_246 = arith.mulf %bitcast3A_237, %gather3A_73 : vector<16xf32>
      %mul3A_247 = arith.mulf %bitcast3A_239, %gather3A_75 : vector<16xf32>
      %add3A_248 = arith.addf %mul3A_246, %mul3A_247 : vector<16xf32>
      %swap3A_249 = arith.index_cast %scan3A_70 : i32 to index
      %swap3A_250 = arith.constant 464 : index
      %swap3A_251 = tpu.vector_load %arg8[%swap3A_249, %swap3A_250] {strides = array<i32>} : memref<64x768xf32, #tpu.memory_space<vmem>>, vector<16xf32>,
      tpu.vector_store %arg8[%swap3A_249, %swap3A_250], %add3A_248 {strides = array<i32>} : memref<64x768xf32, #tpu.memory_space<vmem>>, vector<16xf32>,
      %get3A_252 = arith.index_cast %scan3A_70 : i32 to index
      %get3A_253 = arith.constant 96 : index
      %get3A_254 = tpu.vector_load %arg6[%get3A_252, %get3A_253] {strides = array<i32>} : memref<64x384xi32, #tpu.memory_space<vmem>>, vector<16xi32>,
      %get3A_255 = arith.index_cast %scan3A_70 : i32 to index
      %get3A_256 = arith.constant 96 : index
      %get3A_257 = tpu.vector_load %arg7[%get3A_255, %get3A_256] {strides = array<i32>} : memref<64x384xi32, #tpu.memory_space<vmem>>, vector<16xi32>,
      %shift_left3A_258 = arith.constant 16 : i32
      %shift_left3A_259 = vector.broadcast %shift_left3A_258 : i32 to vector<16xi32>
      %shift_left3A_260 = arith.shli %get3A_254, %shift_left3A_259 : vector<16xi32>
      %bitcast3A_261 = vector.bitcast %shift_left3A_260 : vector<16xi32> to vector<16xf32>
      %shift_left3A_262 = arith.constant 16 : i32
      %shift_left3A_263 = vector.broadcast %shift_left3A_262 : i32 to vector<16xi32>
      %shift_left3A_264 = arith.shli %get3A_257, %shift_left3A_263 : vector<16xi32>
      %bitcast3A_265 = vector.bitcast %shift_left3A_264 : vector<16xi32> to vector<16xf32>
      %and3A_266 = arith.andi %get3A_254, %broadcast_in_dim3A_63 : vector<16xi32>
      %bitcast3A_267 = vector.bitcast %and3A_266 : vector<16xi32> to vector<16xf32>
      %and3A_268 = arith.andi %get3A_257, %broadcast_in_dim3A_63 : vector<16xi32>
      %bitcast3A_269 = vector.bitcast %and3A_268 : vector<16xi32> to vector<16xf32>
      %mul3A_270 = arith.mulf %bitcast3A_261, %gather3A_73 : vector<16xf32>
      %mul3A_271 = arith.mulf %bitcast3A_265, %gather3A_75 : vector<16xf32>
      %add3A_272 = arith.addf %mul3A_270, %mul3A_271 : vector<16xf32>
      %swap3A_273 = arith.index_cast %scan3A_70 : i32 to index
      %swap3A_274 = arith.constant 96 : index
      %swap3A_275 = tpu.vector_load %arg8[%swap3A_273, %swap3A_274] {strides = array<i32>} : memref<64x768xf32, #tpu.memory_space<vmem>>, vector<16xf32>,
      tpu.vector_store %arg8[%swap3A_273, %swap3A_274], %add3A_272 {strides = array<i32>} : memref<64x768xf32, #tpu.memory_space<vmem>>, vector<16xf32>,
      %mul3A_276 = arith.mulf %bitcast3A_267, %gather3A_73 : vector<16xf32>
      %mul3A_277 = arith.mulf %bitcast3A_269, %gather3A_75 : vector<16xf32>
      %add3A_278 = arith.addf %mul3A_276, %mul3A_277 : vector<16xf32>
      %swap3A_279 = arith.index_cast %scan3A_70 : i32 to index
      %swap3A_280 = arith.constant 480 : index
      %swap3A_281 = tpu.vector_load %arg8[%swap3A_279, %swap3A_280] {strides = array<i32>} : memref<64x768xf32, #tpu.memory_space<vmem>>, vector<16xf32>,
      tpu.vector_store %arg8[%swap3A_279, %swap3A_280], %add3A_278 {strides = array<i32>} : memref<64x768xf32, #tpu.memory_space<vmem>>, vector<16xf32>,
      %get3A_282 = arith.index_cast %scan3A_70 : i32 to index
      %get3A_283 = arith.constant 112 : index
      %get3A_284 = tpu.vector_load %arg6[%get3A_282, %get3A_283] {strides = array<i32>} : memref<64x384xi32, #tpu.memory_space<vmem>>, vector<16xi32>,
      %get3A_285 = arith.index_cast %scan3A_70 : i32 to index
      %get3A_286 = arith.constant 112 : index
      %get3A_287 = tpu.vector_load %arg7[%get3A_285, %get3A_286] {strides = array<i32>} : memref<64x384xi32, #tpu.memory_space<vmem>>, vector<16xi32>,
      %shift_left3A_288 = arith.constant 16 : i32
      %shift_left3A_289 = vector.broadcast %shift_left3A_288 : i32 to vector<16xi32>
      %shift_left3A_290 = arith.shli %get3A_284, %shift_left3A_289 : vector<16xi32>
      %bitcast3A_291 = vector.bitcast %shift_left3A_290 : vector<16xi32> to vector<16xf32>
      %shift_left3A_292 = arith.constant 16 : i32
      %shift_left3A_293 = vector.broadcast %shift_left3A_292 : i32 to vector<16xi32>
      %shift_left3A_294 = arith.shli %get3A_287, %shift_left3A_293 : vector<16xi32>
      %bitcast3A_295 = vector.bitcast %shift_left3A_294 : vector<16xi32> to vector<16xf32>
      %and3A_296 = arith.andi %get3A_284, %broadcast_in_dim3A_63 : vector<16xi32>
      %bitcast3A_297 = vector.bitcast %and3A_296 : vector<16xi32> to vector<16xf32>
      %and3A_298 = arith.andi %get3A_287, %broadcast_in_dim3A_63 : vector<16xi32>
      %bitcast3A_299 = vector.bitcast %and3A_298 : vector<16xi32> to vector<16xf32>
      %mul3A_300 = arith.mulf %bitcast3A_291, %gather3A_73 : vector<16xf32>
      %mul3A_301 = arith.mulf %bitcast3A_295, %gather3A_75 : vector<16xf32>
      %add3A_302 = arith.addf %mul3A_300, %mul3A_301 : vector<16xf32>
      %swap3A_303 = arith.index_cast %scan3A_70 : i32 to index
      %swap3A_304 = arith.constant 112 : index
      %swap3A_305 = tpu.vector_load %arg8[%swap3A_303, %swap3A_304] {strides = array<i32>} : memref<64x768xf32, #tpu.memory_space<vmem>>, vector<16xf32>,
      tpu.vector_store %arg8[%swap3A_303, %swap3A_304], %add3A_302 {strides = array<i32>} : memref<64x768xf32, #tpu.memory_space<vmem>>, vector<16xf32>,
      %mul3A_306 = arith.mulf %bitcast3A_297, %gather3A_73 : vector<16xf32>
      %mul3A_307 = arith.mulf %bitcast3A_299, %gather3A_75 : vector<16xf32>
      %add3A_308 = arith.addf %mul3A_306, %mul3A_307 : vector<16xf32>
      %swap3A_309 = arith.index_cast %scan3A_70 : i32 to index
      %swap3A_310 = arith.constant 496 : index
      %swap3A_311 = tpu.vector_load %arg8[%swap3A_309, %swap3A_310] {strides = array<i32>} : memref<64x768xf32, #tpu.memory_space<vmem>>, vector<16xf32>,
      tpu.vector_store %arg8[%swap3A_309, %swap3A_310], %add3A_308 {strides = array<i32>} : memref<64x768xf32, #tpu.memory_space<vmem>>, vector<16xf32>,
      %get3A_312 = arith.index_cast %scan3A_70 : i32 to index
      %get3A_313 = arith.constant 128 : index
      %get3A_314 = tpu.vector_load %arg6[%get3A_312, %get3A_313] {strides = array<i32>} : memref<64x384xi32, #tpu.memory_space<vmem>>, vector<16xi32>,
      %get3A_315 = arith.index_cast %scan3A_70 : i32 to index
      %get3A_316 = arith.constant 128 : index
      %get3A_317 = tpu.vector_load %arg7[%get3A_315, %get3A_316] {strides = array<i32>} : memref<64x384xi32, #tpu.memory_space<vmem>>, vector<16xi32>,
      %shift_left3A_318 = arith.constant 16 : i32
      %shift_left3A_319 = vector.broadcast %shift_left3A_318 : i32 to vector<16xi32>
      %shift_left3A_320 = arith.shli %get3A_314, %shift_left3A_319 : vector<16xi32>
      %bitcast3A_321 = vector.bitcast %shift_left3A_320 : vector<16xi32> to vector<16xf32>
      %shift_left3A_322 = arith.constant 16 : i32
      %shift_left3A_323 = vector.broadcast %shift_left3A_322 : i32 to vector<16xi32>
      %shift_left3A_324 = arith.shli %get3A_317, %shift_left3A_323 : vector<16xi32>
      %bitcast3A_325 = vector.bitcast %shift_left3A_324 : vector<16xi32> to vector<16xf32>
      %and3A_326 = arith.andi %get3A_314, %broadcast_in_dim3A_63 : vector<16xi32>
      %bitcast3A_327 = vector.bitcast %and3A_326 : vector<16xi32> to vector<16xf32>
      %and3A_328 = arith.andi %get3A_317, %broadcast_in_dim3A_63 : vector<16xi32>
      %bitcast3A_329 = vector.bitcast %and3A_328 : vector<16xi32> to vector<16xf32>
      %mul3A_330 = arith.mulf %bitcast3A_321, %gather3A_73 : vector<16xf32>
      %mul3A_331 = arith.mulf %bitcast3A_325, %gather3A_75 : vector<16xf32>
      %add3A_332 = arith.addf %mul3A_330, %mul3A_331 : vector<16xf32>
      %swap3A_333 = arith.index_cast %scan3A_70 : i32 to index
      %swap3A_334 = arith.constant 128 : index
      %swap3A_335 = tpu.vector_load %arg8[%swap3A_333, %swap3A_334] {strides = array<i32>} : memref<64x768xf32, #tpu.memory_space<vmem>>, vector<16xf32>,
      tpu.vector_store %arg8[%swap3A_333, %swap3A_334], %add3A_332 {strides = array<i32>} : memref<64x768xf32, #tpu.memory_space<vmem>>, vector<16xf32>,
      %mul3A_336 = arith.mulf %bitcast3A_327, %gather3A_73 : vector<16xf32>
      %mul3A_337 = arith.mulf %bitcast3A_329, %gather3A_75 : vector<16xf32>
      %add3A_338 = arith.addf %mul3A_336, %mul3A_337 : vector<16xf32>
      %swap3A_339 = arith.index_cast %scan3A_70 : i32 to index
      %swap3A_340 = arith.constant 512 : index
      %swap3A_341 = tpu.vector_load %arg8[%swap3A_339, %swap3A_340] {strides = array<i32>} : memref<64x768xf32, #tpu.memory_space<vmem>>, vector<16xf32>,
      tpu.vector_store %arg8[%swap3A_339, %swap3A_340], %add3A_338 {strides = array<i32>} : memref<64x768xf32, #tpu.memory_space<vmem>>, vector<16xf32>,
      %get3A_342 = arith.index_cast %scan3A_70 : i32 to index
      %get3A_343 = arith.constant 144 : index
      %get3A_344 = tpu.vector_load %arg6[%get3A_342, %get3A_343] {strides = array<i32>} : memref<64x384xi32, #tpu.memory_space<vmem>>, vector<16xi32>,
      %get3A_345 = arith.index_cast %scan3A_70 : i32 to index
      %get3A_346 = arith.constant 144 : index
      %get3A_347 = tpu.vector_load %arg7[%get3A_345, %get3A_346] {strides = array<i32>} : memref<64x384xi32, #tpu.memory_space<vmem>>, vector<16xi32>,
      %shift_left3A_348 = arith.constant 16 : i32
      %shift_left3A_349 = vector.broadcast %shift_left3A_348 : i32 to vector<16xi32>
      %shift_left3A_350 = arith.shli %get3A_344, %shift_left3A_349 : vector<16xi32>
      %bitcast3A_351 = vector.bitcast %shift_left3A_350 : vector<16xi32> to vector<16xf32>
      %shift_left3A_352 = arith.constant 16 : i32
      %shift_left3A_353 = vector.broadcast %shift_left3A_352 : i32 to vector<16xi32>
      %shift_left3A_354 = arith.shli %get3A_347, %shift_left3A_353 : vector<16xi32>
      %bitcast3A_355 = vector.bitcast %shift_left3A_354 : vector<16xi32> to vector<16xf32>
      %and3A_356 = arith.andi %get3A_344, %broadcast_in_dim3A_63 : vector<16xi32>
      %bitcast3A_357 = vector.bitcast %and3A_356 : vector<16xi32> to vector<16xf32>
      %and3A_358 = arith.andi %get3A_347, %broadcast_in_dim3A_63 : vector<16xi32>
      %bitcast3A_359 = vector.bitcast %and3A_358 : vector<16xi32> to vector<16xf32>
      %mul3A_360 = arith.mulf %bitcast3A_351, %gather3A_73 : vector<16xf32>
      %mul3A_361 = arith.mulf %bitcast3A_355, %gather3A_75 : vector<16xf32>
      %add3A_362 = arith.addf %mul3A_360, %mul3A_361 : vector<16xf32>
      %swap3A_363 = arith.index_cast %scan3A_70 : i32 to index
      %swap3A_364 = arith.constant 144 : index
      %swap3A_365 = tpu.vector_load %arg8[%swap3A_363, %swap3A_364] {strides = array<i32>} : memref<64x768xf32, #tpu.memory_space<vmem>>, vector<16xf32>,
      tpu.vector_store %arg8[%swap3A_363, %swap3A_364], %add3A_362 {strides = array<i32>} : memref<64x768xf32, #tpu.memory_space<vmem>>, vector<16xf32>,
      %mul3A_366 = arith.mulf %bitcast3A_357, %gather3A_73 : vector<16xf32>
      %mul3A_367 = arith.mulf %bitcast3A_359, %gather3A_75 : vector<16xf32>
      %add3A_368 = arith.addf %mul3A_366, %mul3A_367 : vector<16xf32>
      %swap3A_369 = arith.index_cast %scan3A_70 : i32 to index
      %swap3A_370 = arith.constant 528 : index
      %swap3A_371 = tpu.vector_load %arg8[%swap3A_369, %swap3A_370] {strides = array<i32>} : memref<64x768xf32, #tpu.memory_space<vmem>>, vector<16xf32>,
      tpu.vector_store %arg8[%swap3A_369, %swap3A_370], %add3A_368 {strides = array<i32>} : memref<64x768xf32, #tpu.memory_space<vmem>>, vector<16xf32>,
      %get3A_372 = arith.index_cast %scan3A_70 : i32 to index
      %get3A_373 = arith.constant 160 : index
      %get3A_374 = tpu.vector_load %arg6[%get3A_372, %get3A_373] {strides = array<i32>} : memref<64x384xi32, #tpu.memory_space<vmem>>, vector<16xi32>,
      %get3A_375 = arith.index_cast %scan3A_70 : i32 to index
      %get3A_376 = arith.constant 160 : index
      %get3A_377 = tpu.vector_load %arg7[%get3A_375, %get3A_376] {strides = array<i32>} : memref<64x384xi32, #tpu.memory_space<vmem>>, vector<16xi32>,
      %shift_left3A_378 = arith.constant 16 : i32
      %shift_left3A_379 = vector.broadcast %shift_left3A_378 : i32 to vector<16xi32>
      %shift_left3A_380 = arith.shli %get3A_374, %shift_left3A_379 : vector<16xi32>
      %bitcast3A_381 = vector.bitcast %shift_left3A_380 : vector<16xi32> to vector<16xf32>
      %shift_left3A_382 = arith.constant 16 : i32
      %shift_left3A_383 = vector.broadcast %shift_left3A_382 : i32 to vector<16xi32>
      %shift_left3A_384 = arith.shli %get3A_377, %shift_left3A_383 : vector<16xi32>
      %bitcast3A_385 = vector.bitcast %shift_left3A_384 : vector<16xi32> to vector<16xf32>
      %and3A_386 = arith.andi %get3A_374, %broadcast_in_dim3A_63 : vector<16xi32>
      %bitcast3A_387 = vector.bitcast %and3A_386 : vector<16xi32> to vector<16xf32>
      %and3A_388 = arith.andi %get3A_377, %broadcast_in_dim3A_63 : vector<16xi32>
      %bitcast3A_389 = vector.bitcast %and3A_388 : vector<16xi32> to vector<16xf32>
      %mul3A_390 = arith.mulf %bitcast3A_381, %gather3A_73 : vector<16xf32>
      %mul3A_391 = arith.mulf %bitcast3A_385, %gather3A_75 : vector<16xf32>
      %add3A_392 = arith.addf %mul3A_390, %mul3A_391 : vector<16xf32>
      %swap3A_393 = arith.index_cast %scan3A_70 : i32 to index
      %swap3A_394 = arith.constant 160 : index
      %swap3A_395 = tpu.vector_load %arg8[%swap3A_393, %swap3A_394] {strides = array<i32>} : memref<64x768xf32, #tpu.memory_space<vmem>>, vector<16xf32>,
      tpu.vector_store %arg8[%swap3A_393, %swap3A_394], %add3A_392 {strides = array<i32>} : memref<64x768xf32, #tpu.memory_space<vmem>>, vector<16xf32>,
      %mul3A_396 = arith.mulf %bitcast3A_387, %gather3A_73 : vector<16xf32>
      %mul3A_397 = arith.mulf %bitcast3A_389, %gather3A_75 : vector<16xf32>
      %add3A_398 = arith.addf %mul3A_396, %mul3A_397 : vector<16xf32>
      %swap3A_399 = arith.index_cast %scan3A_70 : i32 to index
      %swap3A_400 = arith.constant 544 : index
      %swap3A_401 = tpu.vector_load %arg8[%swap3A_399, %swap3A_400] {strides = array<i32>} : memref<64x768xf32, #tpu.memory_space<vmem>>, vector<16xf32>,
      tpu.vector_store %arg8[%swap3A_399, %swap3A_400], %add3A_398 {strides = array<i32>} : memref<64x768xf32, #tpu.memory_space<vmem>>, vector<16xf32>,
      %get3A_402 = arith.index_cast %scan3A_70 : i32 to index
      %get3A_403 = arith.constant 176 : index
      %get3A_404 = tpu.vector_load %arg6[%get3A_402, %get3A_403] {strides = array<i32>} : memref<64x384xi32, #tpu.memory_space<vmem>>, vector<16xi32>,
      %get3A_405 = arith.index_cast %scan3A_70 : i32 to index
      %get3A_406 = arith.constant 176 : index
      %get3A_407 = tpu.vector_load %arg7[%get3A_405, %get3A_406] {strides = array<i32>} : memref<64x384xi32, #tpu.memory_space<vmem>>, vector<16xi32>,
      %shift_left3A_408 = arith.constant 16 : i32
      %shift_left3A_409 = vector.broadcast %shift_left3A_408 : i32 to vector<16xi32>
      %shift_left3A_410 = arith.shli %get3A_404, %shift_left3A_409 : vector<16xi32>
      %bitcast3A_411 = vector.bitcast %shift_left3A_410 : vector<16xi32> to vector<16xf32>
      %shift_left3A_412 = arith.constant 16 : i32
      %shift_left3A_413 = vector.broadcast %shift_left3A_412 : i32 to vector<16xi32>
      %shift_left3A_414 = arith.shli %get3A_407, %shift_left3A_413 : vector<16xi32>
      %bitcast3A_415 = vector.bitcast %shift_left3A_414 : vector<16xi32> to vector<16xf32>
      %and3A_416 = arith.andi %get3A_404, %broadcast_in_dim3A_63 : vector<16xi32>
      %bitcast3A_417 = vector.bitcast %and3A_416 : vector<16xi32> to vector<16xf32>
      %and3A_418 = arith.andi %get3A_407, %broadcast_in_dim3A_63 : vector<16xi32>
      %bitcast3A_419 = vector.bitcast %and3A_418 : vector<16xi32> to vector<16xf32>
      %mul3A_420 = arith.mulf %bitcast3A_411, %gather3A_73 : vector<16xf32>
      %mul3A_421 = arith.mulf %bitcast3A_415, %gather3A_75 : vector<16xf32>
      %add3A_422 = arith.addf %mul3A_420, %mul3A_421 : vector<16xf32>
      %swap3A_423 = arith.index_cast %scan3A_70 : i32 to index
      %swap3A_424 = arith.constant 176 : index
      %swap3A_425 = tpu.vector_load %arg8[%swap3A_423, %swap3A_424] {strides = array<i32>} : memref<64x768xf32, #tpu.memory_space<vmem>>, vector<16xf32>,
      tpu.vector_store %arg8[%swap3A_423, %swap3A_424], %add3A_422 {strides = array<i32>} : memref<64x768xf32, #tpu.memory_space<vmem>>, vector<16xf32>,
      %mul3A_426 = arith.mulf %bitcast3A_417, %gather3A_73 : vector<16xf32>
      %mul3A_427 = arith.mulf %bitcast3A_419, %gather3A_75 : vector<16xf32>
      %add3A_428 = arith.addf %mul3A_426, %mul3A_427 : vector<16xf32>
      %swap3A_429 = arith.index_cast %scan3A_70 : i32 to index
      %swap3A_430 = arith.constant 560 : index
      %swap3A_431 = tpu.vector_load %arg8[%swap3A_429, %swap3A_430] {strides = array<i32>} : memref<64x768xf32, #tpu.memory_space<vmem>>, vector<16xf32>,
      tpu.vector_store %arg8[%swap3A_429, %swap3A_430], %add3A_428 {strides = array<i32>} : memref<64x768xf32, #tpu.memory_space<vmem>>, vector<16xf32>,
      %get3A_432 = arith.index_cast %scan3A_70 : i32 to index
      %get3A_433 = arith.constant 192 : index
      %get3A_434 = tpu.vector_load %arg6[%get3A_432, %get3A_433] {strides = array<i32>} : memref<64x384xi32, #tpu.memory_space<vmem>>, vector<16xi32>,
      %get3A_435 = arith.index_cast %scan3A_70 : i32 to index
      %get3A_436 = arith.constant 192 : index
      %get3A_437 = tpu.vector_load %arg7[%get3A_435, %get3A_436] {strides = array<i32>} : memref<64x384xi32, #tpu.memory_space<vmem>>, vector<16xi32>,
      %shift_left3A_438 = arith.constant 16 : i32
      %shift_left3A_439 = vector.broadcast %shift_left3A_438 : i32 to vector<16xi32>
      %shift_left3A_440 = arith.shli %get3A_434, %shift_left3A_439 : vector<16xi32>
      %bitcast3A_441 = vector.bitcast %shift_left3A_440 : vector<16xi32> to vector<16xf32>
      %shift_left3A_442 = arith.constant 16 : i32
      %shift_left3A_443 = vector.broadcast %shift_left3A_442 : i32 to vector<16xi32>
      %shift_left3A_444 = arith.shli %get3A_437, %shift_left3A_443 : vector<16xi32>
      %bitcast3A_445 = vector.bitcast %shift_left3A_444 : vector<16xi32> to vector<16xf32>
      %and3A_446 = arith.andi %get3A_434, %broadcast_in_dim3A_63 : vector<16xi32>
      %bitcast3A_447 = vector.bitcast %and3A_446 : vector<16xi32> to vector<16xf32>
      %and3A_448 = arith.andi %get3A_437, %broadcast_in_dim3A_63 : vector<16xi32>
      %bitcast3A_449 = vector.bitcast %and3A_448 : vector<16xi32> to vector<16xf32>
      %mul3A_450 = arith.mulf %bitcast3A_441, %gather3A_73 : vector<16xf32>
      %mul3A_451 = arith.mulf %bitcast3A_445, %gather3A_75 : vector<16xf32>
      %add3A_452 = arith.addf %mul3A_450, %mul3A_451 : vector<16xf32>
      %swap3A_453 = arith.index_cast %scan3A_70 : i32 to index
      %swap3A_454 = arith.constant 192 : index
      %swap3A_455 = tpu.vector_load %arg8[%swap3A_453, %swap3A_454] {strides = array<i32>} : memref<64x768xf32, #tpu.memory_space<vmem>>, vector<16xf32>,
      tpu.vector_store %arg8[%swap3A_453, %swap3A_454], %add3A_452 {strides = array<i32>} : memref<64x768xf32, #tpu.memory_space<vmem>>, vector<16xf32>,
      %mul3A_456 = arith.mulf %bitcast3A_447, %gather3A_73 : vector<16xf32>
      %mul3A_457 = arith.mulf %bitcast3A_449, %gather3A_75 : vector<16xf32>
      %add3A_458 = arith.addf %mul3A_456, %mul3A_457 : vector<16xf32>
      %swap3A_459 = arith.index_cast %scan3A_70 : i32 to index
      %swap3A_460 = arith.constant 576 : index
      %swap3A_461 = tpu.vector_load %arg8[%swap3A_459, %swap3A_460] {strides = array<i32>} : memref<64x768xf32, #tpu.memory_space<vmem>>, vector<16xf32>,
      tpu.vector_store %arg8[%swap3A_459, %swap3A_460], %add3A_458 {strides = array<i32>} : memref<64x768xf32, #tpu.memory_space<vmem>>, vector<16xf32>,
      %get3A_462 = arith.index_cast %scan3A_70 : i32 to index
      %get3A_463 = arith.constant 208 : index
      %get3A_464 = tpu.vector_load %arg6[%get3A_462, %get3A_463] {strides = array<i32>} : memref<64x384xi32, #tpu.memory_space<vmem>>, vector<16xi32>,
      %get3A_465 = arith.index_cast %scan3A_70 : i32 to index
      %get3A_466 = arith.constant 208 : index
      %get3A_467 = tpu.vector_load %arg7[%get3A_465, %get3A_466] {strides = array<i32>} : memref<64x384xi32, #tpu.memory_space<vmem>>, vector<16xi32>,
      %shift_left3A_468 = arith.constant 16 : i32
      %shift_left3A_469 = vector.broadcast %shift_left3A_468 : i32 to vector<16xi32>
      %shift_left3A_470 = arith.shli %get3A_464, %shift_left3A_469 : vector<16xi32>
      %bitcast3A_471 = vector.bitcast %shift_left3A_470 : vector<16xi32> to vector<16xf32>
      %shift_left3A_472 = arith.constant 16 : i32
      %shift_left3A_473 = vector.broadcast %shift_left3A_472 : i32 to vector<16xi32>
      %shift_left3A_474 = arith.shli %get3A_467, %shift_left3A_473 : vector<16xi32>
      %bitcast3A_475 = vector.bitcast %shift_left3A_474 : vector<16xi32> to vector<16xf32>
      %and3A_476 = arith.andi %get3A_464, %broadcast_in_dim3A_63 : vector<16xi32>
      %bitcast3A_477 = vector.bitcast %and3A_476 : vector<16xi32> to vector<16xf32>
      %and3A_478 = arith.andi %get3A_467, %broadcast_in_dim3A_63 : vector<16xi32>
      %bitcast3A_479 = vector.bitcast %and3A_478 : vector<16xi32> to vector<16xf32>
      %mul3A_480 = arith.mulf %bitcast3A_471, %gather3A_73 : vector<16xf32>
      %mul3A_481 = arith.mulf %bitcast3A_475, %gather3A_75 : vector<16xf32>
      %add3A_482 = arith.addf %mul3A_480, %mul3A_481 : vector<16xf32>
      %swap3A_483 = arith.index_cast %scan3A_70 : i32 to index
      %swap3A_484 = arith.constant 208 : index
      %swap3A_485 = tpu.vector_load %arg8[%swap3A_483, %swap3A_484] {strides = array<i32>} : memref<64x768xf32, #tpu.memory_space<vmem>>, vector<16xf32>,
      tpu.vector_store %arg8[%swap3A_483, %swap3A_484], %add3A_482 {strides = array<i32>} : memref<64x768xf32, #tpu.memory_space<vmem>>, vector<16xf32>,
      %mul3A_486 = arith.mulf %bitcast3A_477, %gather3A_73 : vector<16xf32>
      %mul3A_487 = arith.mulf %bitcast3A_479, %gather3A_75 : vector<16xf32>
      %add3A_488 = arith.addf %mul3A_486, %mul3A_487 : vector<16xf32>
      %swap3A_489 = arith.index_cast %scan3A_70 : i32 to index
      %swap3A_490 = arith.constant 592 : index
      %swap3A_491 = tpu.vector_load %arg8[%swap3A_489, %swap3A_490] {strides = array<i32>} : memref<64x768xf32, #tpu.memory_space<vmem>>, vector<16xf32>,
      tpu.vector_store %arg8[%swap3A_489, %swap3A_490], %add3A_488 {strides = array<i32>} : memref<64x768xf32, #tpu.memory_space<vmem>>, vector<16xf32>,
      %get3A_492 = arith.index_cast %scan3A_70 : i32 to index
      %get3A_493 = arith.constant 224 : index
      %get3A_494 = tpu.vector_load %arg6[%get3A_492, %get3A_493] {strides = array<i32>} : memref<64x384xi32, #tpu.memory_space<vmem>>, vector<16xi32>,
      %get3A_495 = arith.index_cast %scan3A_70 : i32 to index
      %get3A_496 = arith.constant 224 : index
      %get3A_497 = tpu.vector_load %arg7[%get3A_495, %get3A_496] {strides = array<i32>} : memref<64x384xi32, #tpu.memory_space<vmem>>, vector<16xi32>,
      %shift_left3A_498 = arith.constant 16 : i32
      %shift_left3A_499 = vector.broadcast %shift_left3A_498 : i32 to vector<16xi32>
      %shift_left3A_500 = arith.shli %get3A_494, %shift_left3A_499 : vector<16xi32>
      %bitcast3A_501 = vector.bitcast %shift_left3A_500 : vector<16xi32> to vector<16xf32>
      %shift_left3A_502 = arith.constant 16 : i32
      %shift_left3A_503 = vector.broadcast %shift_left3A_502 : i32 to vector<16xi32>
      %shift_left3A_504 = arith.shli %get3A_497, %shift_left3A_503 : vector<16xi32>
      %bitcast3A_505 = vector.bitcast %shift_left3A_504 : vector<16xi32> to vector<16xf32>
      %and3A_506 = arith.andi %get3A_494, %broadcast_in_dim3A_63 : vector<16xi32>
      %bitcast3A_507 = vector.bitcast %and3A_506 : vector<16xi32> to vector<16xf32>
      %and3A_508 = arith.andi %get3A_497, %broadcast_in_dim3A_63 : vector<16xi32>
      %bitcast3A_509 = vector.bitcast %and3A_508 : vector<16xi32> to vector<16xf32>
      %mul3A_510 = arith.mulf %bitcast3A_501, %gather3A_73 : vector<16xf32>
      %mul3A_511 = arith.mulf %bitcast3A_505, %gather3A_75 : vector<16xf32>
      %add3A_512 = arith.addf %mul3A_510, %mul3A_511 : vector<16xf32>
      %swap3A_513 = arith.index_cast %scan3A_70 : i32 to index
      %swap3A_514 = arith.constant 224 : index
      %swap3A_515 = tpu.vector_load %arg8[%swap3A_513, %swap3A_514] {strides = array<i32>} : memref<64x768xf32, #tpu.memory_space<vmem>>, vector<16xf32>,
      tpu.vector_store %arg8[%swap3A_513, %swap3A_514], %add3A_512 {strides = array<i32>} : memref<64x768xf32, #tpu.memory_space<vmem>>, vector<16xf32>,
      %mul3A_516 = arith.mulf %bitcast3A_507, %gather3A_73 : vector<16xf32>
      %mul3A_517 = arith.mulf %bitcast3A_509, %gather3A_75 : vector<16xf32>
      %add3A_518 = arith.addf %mul3A_516, %mul3A_517 : vector<16xf32>
      %swap3A_519 = arith.index_cast %scan3A_70 : i32 to index
      %swap3A_520 = arith.constant 608 : index
      %swap3A_521 = tpu.vector_load %arg8[%swap3A_519, %swap3A_520] {strides = array<i32>} : memref<64x768xf32, #tpu.memory_space<vmem>>, vector<16xf32>,
      tpu.vector_store %arg8[%swap3A_519, %swap3A_520], %add3A_518 {strides = array<i32>} : memref<64x768xf32, #tpu.memory_space<vmem>>, vector<16xf32>,
      %get3A_522 = arith.index_cast %scan3A_70 : i32 to index
      %get3A_523 = arith.constant 240 : index
      %get3A_524 = tpu.vector_load %arg6[%get3A_522, %get3A_523] {strides = array<i32>} : memref<64x384xi32, #tpu.memory_space<vmem>>, vector<16xi32>,
      %get3A_525 = arith.index_cast %scan3A_70 : i32 to index
      %get3A_526 = arith.constant 240 : index
      %get3A_527 = tpu.vector_load %arg7[%get3A_525, %get3A_526] {strides = array<i32>} : memref<64x384xi32, #tpu.memory_space<vmem>>, vector<16xi32>,
      %shift_left3A_528 = arith.constant 16 : i32
      %shift_left3A_529 = vector.broadcast %shift_left3A_528 : i32 to vector<16xi32>
      %shift_left3A_530 = arith.shli %get3A_524, %shift_left3A_529 : vector<16xi32>
      %bitcast3A_531 = vector.bitcast %shift_left3A_530 : vector<16xi32> to vector<16xf32>
      %shift_left3A_532 = arith.constant 16 : i32
      %shift_left3A_533 = vector.broadcast %shift_left3A_532 : i32 to vector<16xi32>
      %shift_left3A_534 = arith.shli %get3A_527, %shift_left3A_533 : vector<16xi32>
      %bitcast3A_535 = vector.bitcast %shift_left3A_534 : vector<16xi32> to vector<16xf32>
      %and3A_536 = arith.andi %get3A_524, %broadcast_in_dim3A_63 : vector<16xi32>
      %bitcast3A_537 = vector.bitcast %and3A_536 : vector<16xi32> to vector<16xf32>
      %and3A_538 = arith.andi %get3A_527, %broadcast_in_dim3A_63 : vector<16xi32>
      %bitcast3A_539 = vector.bitcast %and3A_538 : vector<16xi32> to vector<16xf32>
      %mul3A_540 = arith.mulf %bitcast3A_531, %gather3A_73 : vector<16xf32>
      %mul3A_541 = arith.mulf %bitcast3A_535, %gather3A_75 : vector<16xf32>
      %add3A_542 = arith.addf %mul3A_540, %mul3A_541 : vector<16xf32>
      %swap3A_543 = arith.index_cast %scan3A_70 : i32 to index
      %swap3A_544 = arith.constant 240 : index
      %swap3A_545 = tpu.vector_load %arg8[%swap3A_543, %swap3A_544] {strides = array<i32>} : memref<64x768xf32, #tpu.memory_space<vmem>>, vector<16xf32>,
      tpu.vector_store %arg8[%swap3A_543, %swap3A_544], %add3A_542 {strides = array<i32>} : memref<64x768xf32, #tpu.memory_space<vmem>>, vector<16xf32>,
      %mul3A_546 = arith.mulf %bitcast3A_537, %gather3A_73 : vector<16xf32>
      %mul3A_547 = arith.mulf %bitcast3A_539, %gather3A_75 : vector<16xf32>
      %add3A_548 = arith.addf %mul3A_546, %mul3A_547 : vector<16xf32>
      %swap3A_549 = arith.index_cast %scan3A_70 : i32 to index
      %swap3A_550 = arith.constant 624 : index
      %swap3A_551 = tpu.vector_load %arg8[%swap3A_549, %swap3A_550] {strides = array<i32>} : memref<64x768xf32, #tpu.memory_space<vmem>>, vector<16xf32>,
      tpu.vector_store %arg8[%swap3A_549, %swap3A_550], %add3A_548 {strides = array<i32>} : memref<64x768xf32, #tpu.memory_space<vmem>>, vector<16xf32>,
      %get3A_552 = arith.index_cast %scan3A_70 : i32 to index
      %get3A_553 = arith.constant 256 : index
      %get3A_554 = tpu.vector_load %arg6[%get3A_552, %get3A_553] {strides = array<i32>} : memref<64x384xi32, #tpu.memory_space<vmem>>, vector<16xi32>,
      %get3A_555 = arith.index_cast %scan3A_70 : i32 to index
      %get3A_556 = arith.constant 256 : index
      %get3A_557 = tpu.vector_load %arg7[%get3A_555, %get3A_556] {strides = array<i32>} : memref<64x384xi32, #tpu.memory_space<vmem>>, vector<16xi32>,
      %shift_left3A_558 = arith.constant 16 : i32
      %shift_left3A_559 = vector.broadcast %shift_left3A_558 : i32 to vector<16xi32>
      %shift_left3A_560 = arith.shli %get3A_554, %shift_left3A_559 : vector<16xi32>
      %bitcast3A_561 = vector.bitcast %shift_left3A_560 : vector<16xi32> to vector<16xf32>
      %shift_left3A_562 = arith.constant 16 : i32
      %shift_left3A_563 = vector.broadcast %shift_left3A_562 : i32 to vector<16xi32>
      %shift_left3A_564 = arith.shli %get3A_557, %shift_left3A_563 : vector<16xi32>
      %bitcast3A_565 = vector.bitcast %shift_left3A_564 : vector<16xi32> to vector<16xf32>
      %and3A_566 = arith.andi %get3A_554, %broadcast_in_dim3A_63 : vector<16xi32>
      %bitcast3A_567 = vector.bitcast %and3A_566 : vector<16xi32> to vector<16xf32>
      %and3A_568 = arith.andi %get3A_557, %broadcast_in_dim3A_63 : vector<16xi32>
      %bitcast3A_569 = vector.bitcast %and3A_568 : vector<16xi32> to vector<16xf32>
      %mul3A_570 = arith.mulf %bitcast3A_561, %gather3A_73 : vector<16xf32>
      %mul3A_571 = arith.mulf %bitcast3A_565, %gather3A_75 : vector<16xf32>
      %add3A_572 = arith.addf %mul3A_570, %mul3A_571 : vector<16xf32>
      %swap3A_573 = arith.index_cast %scan3A_70 : i32 to index
      %swap3A_574 = arith.constant 256 : index
      %swap3A_575 = tpu.vector_load %arg8[%swap3A_573, %swap3A_574] {strides = array<i32>} : memref<64x768xf32, #tpu.memory_space<vmem>>, vector<16xf32>,
      tpu.vector_store %arg8[%swap3A_573, %swap3A_574], %add3A_572 {strides = array<i32>} : memref<64x768xf32, #tpu.memory_space<vmem>>, vector<16xf32>,
      %mul3A_576 = arith.mulf %bitcast3A_567, %gather3A_73 : vector<16xf32>
      %mul3A_577 = arith.mulf %bitcast3A_569, %gather3A_75 : vector<16xf32>
      %add3A_578 = arith.addf %mul3A_576, %mul3A_577 : vector<16xf32>
      %swap3A_579 = arith.index_cast %scan3A_70 : i32 to index
      %swap3A_580 = arith.constant 640 : index
      %swap3A_581 = tpu.vector_load %arg8[%swap3A_579, %swap3A_580] {strides = array<i32>} : memref<64x768xf32, #tpu.memory_space<vmem>>, vector<16xf32>,
      tpu.vector_store %arg8[%swap3A_579, %swap3A_580], %add3A_578 {strides = array<i32>} : memref<64x768xf32, #tpu.memory_space<vmem>>, vector<16xf32>,
      %get3A_582 = arith.index_cast %scan3A_70 : i32 to index
      %get3A_583 = arith.constant 272 : index
      %get3A_584 = tpu.vector_load %arg6[%get3A_582, %get3A_583] {strides = array<i32>} : memref<64x384xi32, #tpu.memory_space<vmem>>, vector<16xi32>,
      %get3A_585 = arith.index_cast %scan3A_70 : i32 to index
      %get3A_586 = arith.constant 272 : index
      %get3A_587 = tpu.vector_load %arg7[%get3A_585, %get3A_586] {strides = array<i32>} : memref<64x384xi32, #tpu.memory_space<vmem>>, vector<16xi32>,
      %shift_left3A_588 = arith.constant 16 : i32
      %shift_left3A_589 = vector.broadcast %shift_left3A_588 : i32 to vector<16xi32>
      %shift_left3A_590 = arith.shli %get3A_584, %shift_left3A_589 : vector<16xi32>
      %bitcast3A_591 = vector.bitcast %shift_left3A_590 : vector<16xi32> to vector<16xf32>
      %shift_left3A_592 = arith.constant 16 : i32
      %shift_left3A_593 = vector.broadcast %shift_left3A_592 : i32 to vector<16xi32>
      %shift_left3A_594 = arith.shli %get3A_587, %shift_left3A_593 : vector<16xi32>
      %bitcast3A_595 = vector.bitcast %shift_left3A_594 : vector<16xi32> to vector<16xf32>
      %and3A_596 = arith.andi %get3A_584, %broadcast_in_dim3A_63 : vector<16xi32>
      %bitcast3A_597 = vector.bitcast %and3A_596 : vector<16xi32> to vector<16xf32>
      %and3A_598 = arith.andi %get3A_587, %broadcast_in_dim3A_63 : vector<16xi32>
      %bitcast3A_599 = vector.bitcast %and3A_598 : vector<16xi32> to vector<16xf32>
      %mul3A_600 = arith.mulf %bitcast3A_591, %gather3A_73 : vector<16xf32>
      %mul3A_601 = arith.mulf %bitcast3A_595, %gather3A_75 : vector<16xf32>
      %add3A_602 = arith.addf %mul3A_600, %mul3A_601 : vector<16xf32>
      %swap3A_603 = arith.index_cast %scan3A_70 : i32 to index
      %swap3A_604 = arith.constant 272 : index
      %swap3A_605 = tpu.vector_load %arg8[%swap3A_603, %swap3A_604] {strides = array<i32>} : memref<64x768xf32, #tpu.memory_space<vmem>>, vector<16xf32>,
      tpu.vector_store %arg8[%swap3A_603, %swap3A_604], %add3A_602 {strides = array<i32>} : memref<64x768xf32, #tpu.memory_space<vmem>>, vector<16xf32>,
      %mul3A_606 = arith.mulf %bitcast3A_597, %gather3A_73 : vector<16xf32>
      %mul3A_607 = arith.mulf %bitcast3A_599, %gather3A_75 : vector<16xf32>
      %add3A_608 = arith.addf %mul3A_606, %mul3A_607 : vector<16xf32>
      %swap3A_609 = arith.index_cast %scan3A_70 : i32 to index
      %swap3A_610 = arith.constant 656 : index
      %swap3A_611 = tpu.vector_load %arg8[%swap3A_609, %swap3A_610] {strides = array<i32>} : memref<64x768xf32, #tpu.memory_space<vmem>>, vector<16xf32>,
      tpu.vector_store %arg8[%swap3A_609, %swap3A_610], %add3A_608 {strides = array<i32>} : memref<64x768xf32, #tpu.memory_space<vmem>>, vector<16xf32>,
      %get3A_612 = arith.index_cast %scan3A_70 : i32 to index
      %get3A_613 = arith.constant 288 : index
      %get3A_614 = tpu.vector_load %arg6[%get3A_612, %get3A_613] {strides = array<i32>} : memref<64x384xi32, #tpu.memory_space<vmem>>, vector<16xi32>,
      %get3A_615 = arith.index_cast %scan3A_70 : i32 to index
      %get3A_616 = arith.constant 288 : index
      %get3A_617 = tpu.vector_load %arg7[%get3A_615, %get3A_616] {strides = array<i32>} : memref<64x384xi32, #tpu.memory_space<vmem>>, vector<16xi32>,
      %shift_left3A_618 = arith.constant 16 : i32
      %shift_left3A_619 = vector.broadcast %shift_left3A_618 : i32 to vector<16xi32>
      %shift_left3A_620 = arith.shli %get3A_614, %shift_left3A_619 : vector<16xi32>
      %bitcast3A_621 = vector.bitcast %shift_left3A_620 : vector<16xi32> to vector<16xf32>
      %shift_left3A_622 = arith.constant 16 : i32
      %shift_left3A_623 = vector.broadcast %shift_left3A_622 : i32 to vector<16xi32>
      %shift_left3A_624 = arith.shli %get3A_617, %shift_left3A_623 : vector<16xi32>
      %bitcast3A_625 = vector.bitcast %shift_left3A_624 : vector<16xi32> to vector<16xf32>
      %and3A_626 = arith.andi %get3A_614, %broadcast_in_dim3A_63 : vector<16xi32>
      %bitcast3A_627 = vector.bitcast %and3A_626 : vector<16xi32> to vector<16xf32>
      %and3A_628 = arith.andi %get3A_617, %broadcast_in_dim3A_63 : vector<16xi32>
      %bitcast3A_629 = vector.bitcast %and3A_628 : vector<16xi32> to vector<16xf32>
      %mul3A_630 = arith.mulf %bitcast3A_621, %gather3A_73 : vector<16xf32>
      %mul3A_631 = arith.mulf %bitcast3A_625, %gather3A_75 : vector<16xf32>
      %add3A_632 = arith.addf %mul3A_630, %mul3A_631 : vector<16xf32>
      %swap3A_633 = arith.index_cast %scan3A_70 : i32 to index
      %swap3A_634 = arith.constant 288 : index
      %swap3A_635 = tpu.vector_load %arg8[%swap3A_633, %swap3A_634] {strides = array<i32>} : memref<64x768xf32, #tpu.memory_space<vmem>>, vector<16xf32>,
      tpu.vector_store %arg8[%swap3A_633, %swap3A_634], %add3A_632 {strides = array<i32>} : memref<64x768xf32, #tpu.memory_space<vmem>>, vector<16xf32>,
      %mul3A_636 = arith.mulf %bitcast3A_627, %gather3A_73 : vector<16xf32>
      %mul3A_637 = arith.mulf %bitcast3A_629, %gather3A_75 : vector<16xf32>
      %add3A_638 = arith.addf %mul3A_636, %mul3A_637 : vector<16xf32>
      %swap3A_639 = arith.index_cast %scan3A_70 : i32 to index
      %swap3A_640 = arith.constant 672 : index
      %swap3A_641 = tpu.vector_load %arg8[%swap3A_639, %swap3A_640] {strides = array<i32>} : memref<64x768xf32, #tpu.memory_space<vmem>>, vector<16xf32>,
      tpu.vector_store %arg8[%swap3A_639, %swap3A_640], %add3A_638 {strides = array<i32>} : memref<64x768xf32, #tpu.memory_space<vmem>>, vector<16xf32>,
      %get3A_642 = arith.index_cast %scan3A_70 : i32 to index
      %get3A_643 = arith.constant 304 : index
      %get3A_644 = tpu.vector_load %arg6[%get3A_642, %get3A_643] {strides = array<i32>} : memref<64x384xi32, #tpu.memory_space<vmem>>, vector<16xi32>,
      %get3A_645 = arith.index_cast %scan3A_70 : i32 to index
      %get3A_646 = arith.constant 304 : index
      %get3A_647 = tpu.vector_load %arg7[%get3A_645, %get3A_646] {strides = array<i32>} : memref<64x384xi32, #tpu.memory_space<vmem>>, vector<16xi32>,
      %shift_left3A_648 = arith.constant 16 : i32
      %shift_left3A_649 = vector.broadcast %shift_left3A_648 : i32 to vector<16xi32>
      %shift_left3A_650 = arith.shli %get3A_644, %shift_left3A_649 : vector<16xi32>
      %bitcast3A_651 = vector.bitcast %shift_left3A_650 : vector<16xi32> to vector<16xf32>
      %shift_left3A_652 = arith.constant 16 : i32
      %shift_left3A_653 = vector.broadcast %shift_left3A_652 : i32 to vector<16xi32>
      %shift_left3A_654 = arith.shli %get3A_647, %shift_left3A_653 : vector<16xi32>
      %bitcast3A_655 = vector.bitcast %shift_left3A_654 : vector<16xi32> to vector<16xf32>
      %and3A_656 = arith.andi %get3A_644, %broadcast_in_dim3A_63 : vector<16xi32>
      %bitcast3A_657 = vector.bitcast %and3A_656 : vector<16xi32> to vector<16xf32>
      %and3A_658 = arith.andi %get3A_647, %broadcast_in_dim3A_63 : vector<16xi32>
      %bitcast3A_659 = vector.bitcast %and3A_658 : vector<16xi32> to vector<16xf32>
      %mul3A_660 = arith.mulf %bitcast3A_651, %gather3A_73 : vector<16xf32>
      %mul3A_661 = arith.mulf %bitcast3A_655, %gather3A_75 : vector<16xf32>
      %add3A_662 = arith.addf %mul3A_660, %mul3A_661 : vector<16xf32>
      %swap3A_663 = arith.index_cast %scan3A_70 : i32 to index
      %swap3A_664 = arith.constant 304 : index
      %swap3A_665 = tpu.vector_load %arg8[%swap3A_663, %swap3A_664] {strides = array<i32>} : memref<64x768xf32, #tpu.memory_space<vmem>>, vector<16xf32>,
      tpu.vector_store %arg8[%swap3A_663, %swap3A_664], %add3A_662 {strides = array<i32>} : memref<64x768xf32, #tpu.memory_space<vmem>>, vector<16xf32>,
      %mul3A_666 = arith.mulf %bitcast3A_657, %gather3A_73 : vector<16xf32>
      %mul3A_667 = arith.mulf %bitcast3A_659, %gather3A_75 : vector<16xf32>
      %add3A_668 = arith.addf %mul3A_666, %mul3A_667 : vector<16xf32>
      %swap3A_669 = arith.index_cast %scan3A_70 : i32 to index
      %swap3A_670 = arith.constant 688 : index
      %swap3A_671 = tpu.vector_load %arg8[%swap3A_669, %swap3A_670] {strides = array<i32>} : memref<64x768xf32, #tpu.memory_space<vmem>>, vector<16xf32>,
      tpu.vector_store %arg8[%swap3A_669, %swap3A_670], %add3A_668 {strides = array<i32>} : memref<64x768xf32, #tpu.memory_space<vmem>>, vector<16xf32>,
      %get3A_672 = arith.index_cast %scan3A_70 : i32 to index
      %get3A_673 = arith.constant 320 : index
      %get3A_674 = tpu.vector_load %arg6[%get3A_672, %get3A_673] {strides = array<i32>} : memref<64x384xi32, #tpu.memory_space<vmem>>, vector<16xi32>,
      %get3A_675 = arith.index_cast %scan3A_70 : i32 to index
      %get3A_676 = arith.constant 320 : index
      %get3A_677 = tpu.vector_load %arg7[%get3A_675, %get3A_676] {strides = array<i32>} : memref<64x384xi32, #tpu.memory_space<vmem>>, vector<16xi32>,
      %shift_left3A_678 = arith.constant 16 : i32
      %shift_left3A_679 = vector.broadcast %shift_left3A_678 : i32 to vector<16xi32>
      %shift_left3A_680 = arith.shli %get3A_674, %shift_left3A_679 : vector<16xi32>
      %bitcast3A_681 = vector.bitcast %shift_left3A_680 : vector<16xi32> to vector<16xf32>
      %shift_left3A_682 = arith.constant 16 : i32
      %shift_left3A_683 = vector.broadcast %shift_left3A_682 : i32 to vector<16xi32>
      %shift_left3A_684 = arith.shli %get3A_677, %shift_left3A_683 : vector<16xi32>
      %bitcast3A_685 = vector.bitcast %shift_left3A_684 : vector<16xi32> to vector<16xf32>
      %and3A_686 = arith.andi %get3A_674, %broadcast_in_dim3A_63 : vector<16xi32>
      %bitcast3A_687 = vector.bitcast %and3A_686 : vector<16xi32> to vector<16xf32>
      %and3A_688 = arith.andi %get3A_677, %broadcast_in_dim3A_63 : vector<16xi32>
      %bitcast3A_689 = vector.bitcast %and3A_688 : vector<16xi32> to vector<16xf32>
      %mul3A_690 = arith.mulf %bitcast3A_681, %gather3A_73 : vector<16xf32>
      %mul3A_691 = arith.mulf %bitcast3A_685, %gather3A_75 : vector<16xf32>
      %add3A_692 = arith.addf %mul3A_690, %mul3A_691 : vector<16xf32>
      %swap3A_693 = arith.index_cast %scan3A_70 : i32 to index
      %swap3A_694 = arith.constant 320 : index
      %swap3A_695 = tpu.vector_load %arg8[%swap3A_693, %swap3A_694] {strides = array<i32>} : memref<64x768xf32, #tpu.memory_space<vmem>>, vector<16xf32>,
      tpu.vector_store %arg8[%swap3A_693, %swap3A_694], %add3A_692 {strides = array<i32>} : memref<64x768xf32, #tpu.memory_space<vmem>>, vector<16xf32>,
      %mul3A_696 = arith.mulf %bitcast3A_687, %gather3A_73 : vector<16xf32>
      %mul3A_697 = arith.mulf %bitcast3A_689, %gather3A_75 : vector<16xf32>
      %add3A_698 = arith.addf %mul3A_696, %mul3A_697 : vector<16xf32>
      %swap3A_699 = arith.index_cast %scan3A_70 : i32 to index
      %swap3A_700 = arith.constant 704 : index
      %swap3A_701 = tpu.vector_load %arg8[%swap3A_699, %swap3A_700] {strides = array<i32>} : memref<64x768xf32, #tpu.memory_space<vmem>>, vector<16xf32>,
      tpu.vector_store %arg8[%swap3A_699, %swap3A_700], %add3A_698 {strides = array<i32>} : memref<64x768xf32, #tpu.memory_space<vmem>>, vector<16xf32>,
      %get3A_702 = arith.index_cast %scan3A_70 : i32 to index
      %get3A_703 = arith.constant 336 : index
      %get3A_704 = tpu.vector_load %arg6[%get3A_702, %get3A_703] {strides = array<i32>} : memref<64x384xi32, #tpu.memory_space<vmem>>, vector<16xi32>,
      %get3A_705 = arith.index_cast %scan3A_70 : i32 to index
      %get3A_706 = arith.constant 336 : index
      %get3A_707 = tpu.vector_load %arg7[%get3A_705, %get3A_706] {strides = array<i32>} : memref<64x384xi32, #tpu.memory_space<vmem>>, vector<16xi32>,
      %shift_left3A_708 = arith.constant 16 : i32
      %shift_left3A_709 = vector.broadcast %shift_left3A_708 : i32 to vector<16xi32>
      %shift_left3A_710 = arith.shli %get3A_704, %shift_left3A_709 : vector<16xi32>
      %bitcast3A_711 = vector.bitcast %shift_left3A_710 : vector<16xi32> to vector<16xf32>
      %shift_left3A_712 = arith.constant 16 : i32
      %shift_left3A_713 = vector.broadcast %shift_left3A_712 : i32 to vector<16xi32>
      %shift_left3A_714 = arith.shli %get3A_707, %shift_left3A_713 : vector<16xi32>
      %bitcast3A_715 = vector.bitcast %shift_left3A_714 : vector<16xi32> to vector<16xf32>
      %and3A_716 = arith.andi %get3A_704, %broadcast_in_dim3A_63 : vector<16xi32>
      %bitcast3A_717 = vector.bitcast %and3A_716 : vector<16xi32> to vector<16xf32>
      %and3A_718 = arith.andi %get3A_707, %broadcast_in_dim3A_63 : vector<16xi32>
      %bitcast3A_719 = vector.bitcast %and3A_718 : vector<16xi32> to vector<16xf32>
      %mul3A_720 = arith.mulf %bitcast3A_711, %gather3A_73 : vector<16xf32>
      %mul3A_721 = arith.mulf %bitcast3A_715, %gather3A_75 : vector<16xf32>
      %add3A_722 = arith.addf %mul3A_720, %mul3A_721 : vector<16xf32>
      %swap3A_723 = arith.index_cast %scan3A_70 : i32 to index
      %swap3A_724 = arith.constant 336 : index
      %swap3A_725 = tpu.vector_load %arg8[%swap3A_723, %swap3A_724] {strides = array<i32>} : memref<64x768xf32, #tpu.memory_space<vmem>>, vector<16xf32>,
      tpu.vector_store %arg8[%swap3A_723, %swap3A_724], %add3A_722 {strides = array<i32>} : memref<64x768xf32, #tpu.memory_space<vmem>>, vector<16xf32>,
      %mul3A_726 = arith.mulf %bitcast3A_717, %gather3A_73 : vector<16xf32>
      %mul3A_727 = arith.mulf %bitcast3A_719, %gather3A_75 : vector<16xf32>
      %add3A_728 = arith.addf %mul3A_726, %mul3A_727 : vector<16xf32>
      %swap3A_729 = arith.index_cast %scan3A_70 : i32 to index
      %swap3A_730 = arith.constant 720 : index
      %swap3A_731 = tpu.vector_load %arg8[%swap3A_729, %swap3A_730] {strides = array<i32>} : memref<64x768xf32, #tpu.memory_space<vmem>>, vector<16xf32>,
      tpu.vector_store %arg8[%swap3A_729, %swap3A_730], %add3A_728 {strides = array<i32>} : memref<64x768xf32, #tpu.memory_space<vmem>>, vector<16xf32>,
      %get3A_732 = arith.index_cast %scan3A_70 : i32 to index
      %get3A_733 = arith.constant 352 : index
      %get3A_734 = tpu.vector_load %arg6[%get3A_732, %get3A_733] {strides = array<i32>} : memref<64x384xi32, #tpu.memory_space<vmem>>, vector<16xi32>,
      %get3A_735 = arith.index_cast %scan3A_70 : i32 to index
      %get3A_736 = arith.constant 352 : index
      %get3A_737 = tpu.vector_load %arg7[%get3A_735, %get3A_736] {strides = array<i32>} : memref<64x384xi32, #tpu.memory_space<vmem>>, vector<16xi32>,
      %shift_left3A_738 = arith.constant 16 : i32
      %shift_left3A_739 = vector.broadcast %shift_left3A_738 : i32 to vector<16xi32>
      %shift_left3A_740 = arith.shli %get3A_734, %shift_left3A_739 : vector<16xi32>
      %bitcast3A_741 = vector.bitcast %shift_left3A_740 : vector<16xi32> to vector<16xf32>
      %shift_left3A_742 = arith.constant 16 : i32
      %shift_left3A_743 = vector.broadcast %shift_left3A_742 : i32 to vector<16xi32>
      %shift_left3A_744 = arith.shli %get3A_737, %shift_left3A_743 : vector<16xi32>
      %bitcast3A_745 = vector.bitcast %shift_left3A_744 : vector<16xi32> to vector<16xf32>
      %and3A_746 = arith.andi %get3A_734, %broadcast_in_dim3A_63 : vector<16xi32>
      %bitcast3A_747 = vector.bitcast %and3A_746 : vector<16xi32> to vector<16xf32>
      %and3A_748 = arith.andi %get3A_737, %broadcast_in_dim3A_63 : vector<16xi32>
      %bitcast3A_749 = vector.bitcast %and3A_748 : vector<16xi32> to vector<16xf32>
      %mul3A_750 = arith.mulf %bitcast3A_741, %gather3A_73 : vector<16xf32>
      %mul3A_751 = arith.mulf %bitcast3A_745, %gather3A_75 : vector<16xf32>
      %add3A_752 = arith.addf %mul3A_750, %mul3A_751 : vector<16xf32>
      %swap3A_753 = arith.index_cast %scan3A_70 : i32 to index
      %swap3A_754 = arith.constant 352 : index
      %swap3A_755 = tpu.vector_load %arg8[%swap3A_753, %swap3A_754] {strides = array<i32>} : memref<64x768xf32, #tpu.memory_space<vmem>>, vector<16xf32>,
      tpu.vector_store %arg8[%swap3A_753, %swap3A_754], %add3A_752 {strides = array<i32>} : memref<64x768xf32, #tpu.memory_space<vmem>>, vector<16xf32>,
      %mul3A_756 = arith.mulf %bitcast3A_747, %gather3A_73 : vector<16xf32>
      %mul3A_757 = arith.mulf %bitcast3A_749, %gather3A_75 : vector<16xf32>
      %add3A_758 = arith.addf %mul3A_756, %mul3A_757 : vector<16xf32>
      %swap3A_759 = arith.index_cast %scan3A_70 : i32 to index
      %swap3A_760 = arith.constant 736 : index
      %swap3A_761 = tpu.vector_load %arg8[%swap3A_759, %swap3A_760] {strides = array<i32>} : memref<64x768xf32, #tpu.memory_space<vmem>>, vector<16xf32>,
      tpu.vector_store %arg8[%swap3A_759, %swap3A_760], %add3A_758 {strides = array<i32>} : memref<64x768xf32, #tpu.memory_space<vmem>>, vector<16xf32>,
      %get3A_762 = arith.index_cast %scan3A_70 : i32 to index
      %get3A_763 = arith.constant 368 : index
      %get3A_764 = tpu.vector_load %arg6[%get3A_762, %get3A_763] {strides = array<i32>} : memref<64x384xi32, #tpu.memory_space<vmem>>, vector<16xi32>,
      %get3A_765 = arith.index_cast %scan3A_70 : i32 to index
      %get3A_766 = arith.constant 368 : index
      %get3A_767 = tpu.vector_load %arg7[%get3A_765, %get3A_766] {strides = array<i32>} : memref<64x384xi32, #tpu.memory_space<vmem>>, vector<16xi32>,
      %shift_left3A_768 = arith.constant 16 : i32
      %shift_left3A_769 = vector.broadcast %shift_left3A_768 : i32 to vector<16xi32>
      %shift_left3A_770 = arith.shli %get3A_764, %shift_left3A_769 : vector<16xi32>
      %bitcast3A_771 = vector.bitcast %shift_left3A_770 : vector<16xi32> to vector<16xf32>
      %shift_left3A_772 = arith.constant 16 : i32
      %shift_left3A_773 = vector.broadcast %shift_left3A_772 : i32 to vector<16xi32>
      %shift_left3A_774 = arith.shli %get3A_767, %shift_left3A_773 : vector<16xi32>
      %bitcast3A_775 = vector.bitcast %shift_left3A_774 : vector<16xi32> to vector<16xf32>
      %and3A_776 = arith.andi %get3A_764, %broadcast_in_dim3A_63 : vector<16xi32>
      %bitcast3A_777 = vector.bitcast %and3A_776 : vector<16xi32> to vector<16xf32>
      %and3A_778 = arith.andi %get3A_767, %broadcast_in_dim3A_63 : vector<16xi32>
      %bitcast3A_779 = vector.bitcast %and3A_778 : vector<16xi32> to vector<16xf32>
      %mul3A_780 = arith.mulf %bitcast3A_771, %gather3A_73 : vector<16xf32>
      %mul3A_781 = arith.mulf %bitcast3A_775, %gather3A_75 : vector<16xf32>
      %add3A_782 = arith.addf %mul3A_780, %mul3A_781 : vector<16xf32>
      %swap3A_783 = arith.index_cast %scan3A_70 : i32 to index
      %swap3A_784 = arith.constant 368 : index
      %swap3A_785 = tpu.vector_load %arg8[%swap3A_783, %swap3A_784] {strides = array<i32>} : memref<64x768xf32, #tpu.memory_space<vmem>>, vector<16xf32>,
      tpu.vector_store %arg8[%swap3A_783, %swap3A_784], %add3A_782 {strides = array<i32>} : memref<64x768xf32, #tpu.memory_space<vmem>>, vector<16xf32>,
      %mul3A_786 = arith.mulf %bitcast3A_777, %gather3A_73 : vector<16xf32>
      %mul3A_787 = arith.mulf %bitcast3A_779, %gather3A_75 : vector<16xf32>
      %add3A_788 = arith.addf %mul3A_786, %mul3A_787 : vector<16xf32>
      %swap3A_789 = arith.index_cast %scan3A_70 : i32 to index
      %swap3A_790 = arith.constant 752 : index
      %swap3A_791 = tpu.vector_load %arg8[%swap3A_789, %swap3A_790] {strides = array<i32>} : memref<64x768xf32, #tpu.memory_space<vmem>>, vector<16xf32>,
      tpu.vector_store %arg8[%swap3A_789, %swap3A_790], %add3A_788 {strides = array<i32>} : memref<64x768xf32, #tpu.memory_space<vmem>>, vector<16xf32>,
      %scan3A_792 = arith.constant 0 : i32
      scf.yield %scan3A_792 : i32
    }
    %scan3A_69 = arith.constant 64 : i32
    "tpu.region"() ({
      %run_scoped3A = tpu.sem_alloc : memref<!tpu.dma_semaphore, #tpu.memory_space<semaphore_mem>>
      %dma_start3A_70 = arith.constant 0 : i32
      %dma_start3A_71 = tpu.memref_slice %arg5[%mul3A_2, %dma_start3A_70] : memref<2048x768xf32, #tpu.memory_space<hbm>> -> memref<64x768xf32, #tpu.memory_space<hbm>>
      %dma_start3A_72 = arith.constant 0 : i32
      %dma_start3A_73 = tpu.memref_slice %arg5[%mul3A_2, %dma_start3A_72] : memref<2048x768xf32, #tpu.memory_space<hbm>> -> memref<64x768xf32, #tpu.memory_space<hbm>>
      tpu.enqueue_dma source(%arg8 : memref<64x768xf32, #tpu.memory_space<vmem>>) target(%dma_start3A_73 : memref<64x768xf32, #tpu.memory_space<hbm>>) target_semaphore(%run_scoped3A : memref<!tpu.dma_semaphore, #tpu.memory_space<semaphore_mem>>)
      %dma_wait3A_74 = arith.constant 0 : i32
      %dma_wait3A_75 = tpu.memref_slice %arg5[%mul3A_2, %dma_wait3A_74] : memref<2048x768xf32, #tpu.memory_space<hbm>> -> memref<64x768xf32, #tpu.memory_space<hbm>>
      %dma_wait3A_76 = arith.constant 0 : i32
      %dma_wait3A_77 = tpu.memref_slice %arg5[%mul3A_2, %dma_wait3A_76] : memref<2048x768xf32, #tpu.memory_space<hbm>> -> memref<64x768xf32, #tpu.memory_space<hbm>>
      tpu.wait_dma2 semaphore(%run_scoped3A : memref<!tpu.dma_semaphore, #tpu.memory_space<semaphore_mem>>) src(%arg8 : memref<64x768xf32, #tpu.memory_space<vmem>>) dst(%dma_wait3A_77 : memref<64x768xf32, #tpu.memory_space<hbm>>)
      tpu.yield
    }) : () -> ()
    return
  }
}

module attributes {stable_mosaic.version = 14 : i64} {
  func.func @_route_body(%arg0: memref<2048x768xf32, #tpu.memory_space<vmem>>, %arg1: memref<16x768xf32, #tpu.memory_space<vmem>>, %arg2: memref<2048x2xi32, #tpu.memory_space<vmem>>, %arg3: memref<2048x2xf32, #tpu.memory_space<vmem>>, %arg4: memref<48x1xi32, #tpu.memory_space<vmem>>, %arg5: memref<48x1xi32, #tpu.memory_space<vmem>>, %arg6: memref<48x1xi32, #tpu.memory_space<vmem>>, %arg7: memref<48x1xi32, #tpu.memory_space<vmem>>, %arg8: memref<48x1xi32, #tpu.memory_space<vmem>>, %arg9: memref<16x1xi32, #tpu.memory_space<vmem>>, %arg10: memref<16x1xi32, #tpu.memory_space<vmem>>, %arg11: memref<2048x384xi32, #tpu.memory_space<vmem>>) attributes {dimension_semantics = [], scalar_prefetch = 0 : i64, scratch_operands = 0 : i64, tpu.core_type = #tpu.core_type<tc>} {
    %get3A = arith.constant 0 : index
    %get3A_0 = arith.constant 0 : index
    %get3A_1 = vector.load %arg0[%get3A, %get3A_0] : memref<2048x768xf32, #tpu.memory_space<vmem>>, vector<2048x768xf32>
    %bitcast_convert_type3A = tpu.bitcast %get3A_1 : vector<2048x768xf32> -> vector<2048x768xi32>
    %add3A = arith.constant 32767 : i32
    %add3A_2 = vector.broadcast %add3A : i32 to vector<2048x768xi32>
    %add3A_3 = arith.addi %bitcast_convert_type3A, %add3A_2 : vector<2048x768xi32>
    %shift_right_logical3A = arith.constant 16 : i32
    %shift_right_logical3A_4 = vector.broadcast %shift_right_logical3A : i32 to vector<2048x768xi32>
    %shift_right_logical3A_5 = arith.shrui %bitcast_convert_type3A, %shift_right_logical3A_4 : vector<2048x768xi32>
    %and3A = arith.constant 1 : i32
    %and3A_6 = vector.broadcast %and3A : i32 to vector<2048x768xi32>
    %and3A_7 = arith.andi %shift_right_logical3A_5, %and3A_6 : vector<2048x768xi32>
    %add3A_8 = arith.addi %add3A_3, %and3A_7 : vector<2048x768xi32>
    %shift_right_logical3A_9 = arith.constant 16 : i32
    %shift_right_logical3A_10 = vector.broadcast %shift_right_logical3A_9 : i32 to vector<2048x768xi32>
    %shift_right_logical3A_11 = arith.shrui %add3A_8, %shift_right_logical3A_10 : vector<2048x768xi32>
    %slice3A = vector.extract_strided_slice %shift_right_logical3A_11 {offsets = [0, 0], sizes = [2048, 384], strides = [1, 1]} : vector<2048x768xi32> to vector<2048x384xi32>
    %slice3A_12 = vector.extract_strided_slice %shift_right_logical3A_11 {offsets = [0, 384], sizes = [2048, 384], strides = [1, 1]} : vector<2048x768xi32> to vector<2048x384xi32>
    %shift_left3A = arith.constant 16 : i32
    %shift_left3A_13 = vector.broadcast %shift_left3A : i32 to vector<2048x384xi32>
    %shift_left3A_14 = arith.shli %slice3A_12, %shift_left3A_13 : vector<2048x384xi32>
    %or3A = arith.ori %slice3A, %shift_left3A_14 : vector<2048x384xi32>
    %swap3A = arith.constant 0 : index
    %swap3A_15 = arith.constant 0 : index
    %swap3A_16 = vector.load %arg11[%swap3A, %swap3A_15] : memref<2048x384xi32, #tpu.memory_space<vmem>>, vector<2048x384xi32>
    tpu.vector_store %arg11[%swap3A, %swap3A_15], %or3A {strides = array<i32>} : memref<2048x384xi32, #tpu.memory_space<vmem>>, vector<2048x384xi32>,
    %iota3A = tpu.iota {dimensions = array<i32: 1>} : vector<2048x16xi32>
    %get3A_17 = arith.constant 0 : index
    %get3A_18 = arith.constant 0 : index
    %get3A_19 = vector.load %arg1[%get3A_17, %get3A_18] : memref<16x768xf32, #tpu.memory_space<vmem>>, vector<16x768xf32>
    %dot_general3A = arith.constant dense<0.000000e+00> : vector<2048x16xf32>
    %dot_general3A_20 = tpu.matmul %get3A_1, %get3A_19, %dot_general3A {dimension_numbers = #tpu.dot_dimension_numbers<[1], [1], [0], [0], [0, 0, 1, 0], [], []>, transpose_lhs_hint = false} : vector<2048x768xf32>, vector<16x768xf32>, vector<2048x16xf32> -> vector<2048x16xf32>
    %reduce_max3A = arith.constant dense<0xFF800000> : vector<2048xf32>
    %reduce_max3A_21 = vector.multi_reduction <maximumf>, %dot_general3A_20, %reduce_max3A [1] : vector<2048x16xf32> to vector<2048xf32>
    %broadcast_in_dim3A = vector.shape_cast %reduce_max3A_21 : vector<2048xf32> to vector<2048x1xf32>
    %sub3A = vector.broadcast %broadcast_in_dim3A : vector<2048x1xf32> to vector<2048x16xf32>
    %sub3A_22 = arith.subf %dot_general3A_20, %sub3A : vector<2048x16xf32>
    %exp3A = math.exp %sub3A_22 : vector<2048x16xf32>
    %reduce_sum3A = arith.constant dense<0.000000e+00> : vector<2048xf32>
    %reduce_sum3A_23 = vector.multi_reduction <add>, %exp3A, %reduce_sum3A [1] : vector<2048x16xf32> to vector<2048xf32>
    %broadcast_in_dim3A_24 = vector.shape_cast %reduce_sum3A_23 : vector<2048xf32> to vector<2048x1xf32>
    %div3A = vector.broadcast %broadcast_in_dim3A_24 : vector<2048x1xf32> to vector<2048x16xf32>
    %div3A_25 = arith.divf %exp3A, %div3A : vector<2048x16xf32>
    %reduce_max3A_26 = arith.constant dense<0xFF800000> : vector<2048xf32>
    %reduce_max3A_27 = vector.multi_reduction <maximumf>, %div3A_25, %reduce_max3A_26 [1] : vector<2048x16xf32> to vector<2048xf32>
    %broadcast_in_dim3A_28 = vector.shape_cast %reduce_max3A_27 : vector<2048xf32> to vector<2048x1xf32>
    %eq3A = vector.broadcast %broadcast_in_dim3A_28 : vector<2048x1xf32> to vector<2048x16xf32>
    %eq3A_29 = arith.cmpf oeq, %div3A_25, %eq3A : vector<2048x16xf32>
    %jit3A = arith.constant 16 : i32
    %broadcast_in_dim3A_30 = vector.broadcast %jit3A : i32 to vector<2048x16xi32>
    %select_n3A = arith.select %eq3A_29, %iota3A, %broadcast_in_dim3A_30 : vector<2048x16xi1>, vector<2048x16xi32>
    %reduce_min3A = arith.constant dense<2147483647> : vector<2048xi32>
    %reduce_min3A_31 = vector.multi_reduction <minsi>, %select_n3A, %reduce_min3A [1] : vector<2048x16xi32> to vector<2048xi32>
    %broadcast_in_dim3A_32 = vector.shape_cast %reduce_min3A_31 : vector<2048xi32> to vector<2048x1xi32>
    %eq3A_33 = vector.broadcast %broadcast_in_dim3A_32 : vector<2048x1xi32> to vector<2048x16xi32>
    %eq3A_34 = arith.cmpi eq, %iota3A, %eq3A_33 : vector<2048x16xi32>
    %jit3A_35 = arith.constant -1.000000e+00 : f32
    %broadcast_in_dim3A_36 = vector.broadcast %jit3A_35 : f32 to vector<2048x16xf32>
    %select_n3A_37 = arith.select %eq3A_34, %broadcast_in_dim3A_36, %div3A_25 : vector<2048x16xi1>, vector<2048x16xf32>
    %reduce_max3A_38 = arith.constant dense<0xFF800000> : vector<2048xf32>
    %reduce_max3A_39 = vector.multi_reduction <maximumf>, %select_n3A_37, %reduce_max3A_38 [1] : vector<2048x16xf32> to vector<2048xf32>
    %broadcast_in_dim3A_40 = vector.shape_cast %reduce_max3A_39 : vector<2048xf32> to vector<2048x1xf32>
    %eq3A_41 = vector.broadcast %broadcast_in_dim3A_40 : vector<2048x1xf32> to vector<2048x16xf32>
    %eq3A_42 = arith.cmpf oeq, %select_n3A_37, %eq3A_41 : vector<2048x16xf32>
    %jit3A_43 = arith.constant 16 : i32
    %broadcast_in_dim3A_44 = vector.broadcast %jit3A_43 : i32 to vector<2048x16xi32>
    %select_n3A_45 = arith.select %eq3A_42, %iota3A, %broadcast_in_dim3A_44 : vector<2048x16xi1>, vector<2048x16xi32>
    %reduce_min3A_46 = arith.constant dense<2147483647> : vector<2048xi32>
    %reduce_min3A_47 = vector.multi_reduction <minsi>, %select_n3A_45, %reduce_min3A_46 [1] : vector<2048x16xi32> to vector<2048xi32>
    %broadcast_in_dim3A_48 = vector.shape_cast %reduce_min3A_47 : vector<2048xi32> to vector<2048x1xi32>
    %add3A_49 = arith.addf %broadcast_in_dim3A_28, %broadcast_in_dim3A_40 : vector<2048x1xf32>
    %add3A_50 = arith.constant 9.99999968E-21 : f32
    %add3A_51 = vector.broadcast %add3A_50 : f32 to vector<2048x1xf32>
    %add3A_52 = arith.addf %add3A_49, %add3A_51 : vector<2048x1xf32>
    %div3A_53 = arith.divf %broadcast_in_dim3A_28, %add3A_52 : vector<2048x1xf32>
    %div3A_54 = arith.divf %broadcast_in_dim3A_40, %add3A_52 : vector<2048x1xf32>
    %concatenate3A = tpu.concatenate %div3A_53, %div3A_54 in 1 : vector<2048x1xf32>, vector<2048x1xf32> -> vector<2048x2xf32>
    %swap3A_55 = arith.constant 0 : index
    %swap3A_56 = arith.constant 0 : index
    %swap3A_57 = vector.load %arg3[%swap3A_55, %swap3A_56] : memref<2048x2xf32, #tpu.memory_space<vmem>>, vector<2048x2xf32>
    tpu.vector_store %arg3[%swap3A_55, %swap3A_56], %concatenate3A {strides = array<i32>} : memref<2048x2xf32, #tpu.memory_space<vmem>>, vector<2048x2xf32>,
    %eq3A_58 = vector.broadcast %broadcast_in_dim3A_32 : vector<2048x1xi32> to vector<2048x16xi32>
    %eq3A_59 = arith.cmpi eq, %iota3A, %eq3A_58 : vector<2048x16xi32>
    %jit3A_60 = arith.constant 1.000000e+00 : f32
    %jit3A_61 = arith.constant 0.000000e+00 : f32
    %broadcast_in_dim3A_62 = vector.broadcast %jit3A_60 : f32 to vector<2048x16xf32>
    %broadcast_in_dim3A_63 = vector.broadcast %jit3A_61 : f32 to vector<2048x16xf32>
    %select_n3A_64 = arith.select %eq3A_59, %broadcast_in_dim3A_62, %broadcast_in_dim3A_63 : vector<2048x16xi1>, vector<2048x16xf32>
    %eq3A_65 = vector.broadcast %broadcast_in_dim3A_48 : vector<2048x1xi32> to vector<2048x16xi32>
    %eq3A_66 = arith.cmpi eq, %iota3A, %eq3A_65 : vector<2048x16xi32>
    %jit3A_67 = arith.constant 1.000000e+00 : f32
    %jit3A_68 = arith.constant 0.000000e+00 : f32
    %broadcast_in_dim3A_69 = vector.broadcast %jit3A_67 : f32 to vector<2048x16xf32>
    %broadcast_in_dim3A_70 = vector.broadcast %jit3A_68 : f32 to vector<2048x16xf32>
    %select_n3A_71 = arith.select %eq3A_66, %broadcast_in_dim3A_69, %broadcast_in_dim3A_70 : vector<2048x16xi1>, vector<2048x16xf32>
    %add3A_72 = arith.addf %select_n3A_64, %select_n3A_71 : vector<2048x16xf32>
    %iota3A_73 = tpu.iota {dimensions = array<i32: 0>} : vector<512x512xi32>
    %iota3A_74 = tpu.iota {dimensions = array<i32: 1>} : vector<512x512xi32>
    %ge3A = arith.cmpi sge, %iota3A_73, %iota3A_74 : vector<512x512xi32>
    %jit3A_75 = arith.constant 1.000000e+00 : f32
    %jit3A_76 = arith.constant 0.000000e+00 : f32
    %broadcast_in_dim3A_77 = vector.broadcast %jit3A_75 : f32 to vector<512x512xf32>
    %broadcast_in_dim3A_78 = vector.broadcast %jit3A_76 : f32 to vector<512x512xf32>
    %select_n3A_79 = arith.select %ge3A, %broadcast_in_dim3A_77, %broadcast_in_dim3A_78 : vector<512x512xi1>, vector<512x512xf32>
    %broadcast_in_dim3A_80 = arith.constant 0.000000e+00 : f32
    %broadcast_in_dim3A_81 = vector.broadcast %broadcast_in_dim3A_80 : f32 to vector<1x16xf32>
    %slice3A_82 = vector.extract_strided_slice %add3A_72 {offsets = [0, 0], sizes = [512, 16], strides = [1, 1]} : vector<2048x16xf32> to vector<512x16xf32>
    %dot_general3A_83 = arith.constant dense<0.000000e+00> : vector<512x16xf32>
    %dot_general3A_84 = tpu.matmul %select_n3A_79, %slice3A_82, %dot_general3A_83 {dimension_numbers = #tpu.dot_dimension_numbers<[1], [0], [0], [1], [0, 0, 1, 1], [], []>, transpose_lhs_hint = false} : vector<512x512xf32>, vector<512x16xf32>, vector<512x16xf32> -> vector<512x16xf32>
    %add3A_85 = vector.broadcast %broadcast_in_dim3A_81 : vector<1x16xf32> to vector<512x16xf32>
    %add3A_86 = arith.addf %dot_general3A_84, %add3A_85 : vector<512x16xf32>
    %sub3A_87 = arith.subf %add3A_86, %slice3A_82 : vector<512x16xf32>
    %slice3A_88 = vector.extract_strided_slice %add3A_86 {offsets = [511, 0], sizes = [1, 16], strides = [1, 1]} : vector<512x16xf32> to vector<1x16xf32>
    %slice3A_89 = vector.extract_strided_slice %add3A_72 {offsets = [512, 0], sizes = [512, 16], strides = [1, 1]} : vector<2048x16xf32> to vector<512x16xf32>
    %dot_general3A_90 = arith.constant dense<0.000000e+00> : vector<512x16xf32>
    %dot_general3A_91 = tpu.matmul %select_n3A_79, %slice3A_89, %dot_general3A_90 {dimension_numbers = #tpu.dot_dimension_numbers<[1], [0], [0], [1], [0, 0, 1, 1], [], []>, transpose_lhs_hint = false} : vector<512x512xf32>, vector<512x16xf32>, vector<512x16xf32> -> vector<512x16xf32>
    %add3A_92 = vector.broadcast %slice3A_88 : vector<1x16xf32> to vector<512x16xf32>
    %add3A_93 = arith.addf %dot_general3A_91, %add3A_92 : vector<512x16xf32>
    %sub3A_94 = arith.subf %add3A_93, %slice3A_89 : vector<512x16xf32>
    %slice3A_95 = vector.extract_strided_slice %add3A_93 {offsets = [511, 0], sizes = [1, 16], strides = [1, 1]} : vector<512x16xf32> to vector<1x16xf32>
    %slice3A_96 = vector.extract_strided_slice %add3A_72 {offsets = [1024, 0], sizes = [512, 16], strides = [1, 1]} : vector<2048x16xf32> to vector<512x16xf32>
    %dot_general3A_97 = arith.constant dense<0.000000e+00> : vector<512x16xf32>
    %dot_general3A_98 = tpu.matmul %select_n3A_79, %slice3A_96, %dot_general3A_97 {dimension_numbers = #tpu.dot_dimension_numbers<[1], [0], [0], [1], [0, 0, 1, 1], [], []>, transpose_lhs_hint = false} : vector<512x512xf32>, vector<512x16xf32>, vector<512x16xf32> -> vector<512x16xf32>
    %add3A_99 = vector.broadcast %slice3A_95 : vector<1x16xf32> to vector<512x16xf32>
    %add3A_100 = arith.addf %dot_general3A_98, %add3A_99 : vector<512x16xf32>
    %sub3A_101 = arith.subf %add3A_100, %slice3A_96 : vector<512x16xf32>
    %slice3A_102 = vector.extract_strided_slice %add3A_100 {offsets = [511, 0], sizes = [1, 16], strides = [1, 1]} : vector<512x16xf32> to vector<1x16xf32>
    %slice3A_103 = vector.extract_strided_slice %add3A_72 {offsets = [1536, 0], sizes = [512, 16], strides = [1, 1]} : vector<2048x16xf32> to vector<512x16xf32>
    %dot_general3A_104 = arith.constant dense<0.000000e+00> : vector<512x16xf32>
    %dot_general3A_105 = tpu.matmul %select_n3A_79, %slice3A_103, %dot_general3A_104 {dimension_numbers = #tpu.dot_dimension_numbers<[1], [0], [0], [1], [0, 0, 1, 1], [], []>, transpose_lhs_hint = false} : vector<512x512xf32>, vector<512x16xf32>, vector<512x16xf32> -> vector<512x16xf32>
    %add3A_106 = vector.broadcast %slice3A_102 : vector<1x16xf32> to vector<512x16xf32>
    %add3A_107 = arith.addf %dot_general3A_105, %add3A_106 : vector<512x16xf32>
    %sub3A_108 = arith.subf %add3A_107, %slice3A_103 : vector<512x16xf32>
    %slice3A_109 = vector.extract_strided_slice %add3A_107 {offsets = [511, 0], sizes = [1, 16], strides = [1, 1]} : vector<512x16xf32> to vector<1x16xf32>
    %concatenate3A_110 = tpu.concatenate %sub3A_87, %sub3A_94, %sub3A_101, %sub3A_108 in 0 : vector<512x16xf32>, vector<512x16xf32>, vector<512x16xf32>, vector<512x16xf32> -> vector<2048x16xf32>
    %convert_element_type3A = arith.fptosi %slice3A_109 : vector<1x16xf32> to vector<1x16xi32>
    %add3A_111 = arith.constant 127 : i32
    %add3A_112 = vector.broadcast %add3A_111 : i32 to vector<1x16xi32>
    %add3A_113 = arith.addi %convert_element_type3A, %add3A_112 : vector<1x16xi32>
    %jit3A_114 = arith.constant 128 : i32
    %div3A_115 = vector.broadcast %jit3A_114 : i32 to vector<1x16xi32>
    %div3A_116 = arith.divsi %add3A_113, %div3A_115 : vector<1x16xi32>
    %sign3A = arith.constant 0 : i32
    %sign3A_117 = vector.broadcast %sign3A : i32 to vector<1x16xi32>
    %sign3A_118 = arith.cmpi sgt, %add3A_113, %sign3A_117 : vector<1x16xi32>
    %sign3A_119 = arith.extui %sign3A_118 : vector<1x16xi1> to vector<1x16xi32>
    %sign3A_120 = arith.constant 0 : i32
    %sign3A_121 = vector.broadcast %sign3A_120 : i32 to vector<1x16xi32>
    %sign3A_122 = arith.cmpi slt, %add3A_113, %sign3A_121 : vector<1x16xi32>
    %sign3A_123 = arith.extui %sign3A_122 : vector<1x16xi1> to vector<1x16xi32>
    %sign3A_124 = arith.subi %sign3A_119, %sign3A_123 : vector<1x16xi32>
    %sign3A_125 = arith.constant 0 : i32
    %sign3A_126 = arith.cmpi sgt, %jit3A_114, %sign3A_125 : i32
    %sign3A_127 = arith.extui %sign3A_126 : i1 to i32
    %sign3A_128 = arith.constant 0 : i32
    %sign3A_129 = arith.cmpi slt, %jit3A_114, %sign3A_128 : i32
    %sign3A_130 = arith.extui %sign3A_129 : i1 to i32
    %sign3A_131 = arith.subi %sign3A_127, %sign3A_130 : i32
    %ne3A = vector.broadcast %sign3A_131 : i32 to vector<1x16xi32>
    %ne3A_132 = arith.cmpi ne, %sign3A_124, %ne3A : vector<1x16xi32>
    %rem3A = vector.broadcast %jit3A_114 : i32 to vector<1x16xi32>
    %rem3A_133 = arith.remsi %add3A_113, %rem3A : vector<1x16xi32>
    %ne3A_134 = arith.constant 0 : i32
    %ne3A_135 = vector.broadcast %ne3A_134 : i32 to vector<1x16xi32>
    %ne3A_136 = arith.cmpi ne, %rem3A_133, %ne3A_135 : vector<1x16xi32>
    %and3A_137 = arith.andi %ne3A_132, %ne3A_136 : vector<1x16xi1>
    %sub3A_138 = arith.constant 1 : i32
    %sub3A_139 = vector.broadcast %sub3A_138 : i32 to vector<1x16xi32>
    %sub3A_140 = arith.subi %div3A_116, %sub3A_139 : vector<1x16xi32>
    %select_n3A_141 = arith.select %and3A_137, %sub3A_140, %div3A_116 : vector<1x16xi1>, vector<1x16xi32>
    %convert_element_type3A_142 = arith.sitofp %select_n3A_141 : vector<1x16xi32> to vector<1x16xf32>
    %iota3A_143 = tpu.iota {dimensions = array<i32: 0>} : vector<16x16xi32>
    %iota3A_144 = tpu.iota {dimensions = array<i32: 1>} : vector<16x16xi32>
    %lt3A = arith.cmpi slt, %iota3A_143, %iota3A_144 : vector<16x16xi32>
    %jit3A_145 = arith.constant 1.000000e+00 : f32
    %jit3A_146 = arith.constant 0.000000e+00 : f32
    %broadcast_in_dim3A_147 = vector.broadcast %jit3A_145 : f32 to vector<16x16xf32>
    %broadcast_in_dim3A_148 = vector.broadcast %jit3A_146 : f32 to vector<16x16xf32>
    %select_n3A_149 = arith.select %lt3A, %broadcast_in_dim3A_147, %broadcast_in_dim3A_148 : vector<16x16xi1>, vector<16x16xf32>
    %dot_general3A_150 = arith.constant dense<0.000000e+00> : vector<1x16xf32>
    %dot_general3A_151 = tpu.matmul %convert_element_type3A_142, %select_n3A_149, %dot_general3A_150 {dimension_numbers = #tpu.dot_dimension_numbers<[1], [0], [0], [1], [0, 0, 1, 1], [], []>, transpose_lhs_hint = false} : vector<1x16xf32>, vector<16x16xf32>, vector<1x16xf32> -> vector<1x16xf32>
    %mul3A = arith.constant 1.280000e+02 : f32
    %mul3A_152 = vector.broadcast %mul3A : f32 to vector<1x16xf32>
    %mul3A_153 = arith.mulf %dot_general3A_151, %mul3A_152 : vector<1x16xf32>
    %broadcast_in_dim3A_154 = vector.shape_cast %mul3A_153 : vector<1x16xf32> to vector<1x16xf32>
    %broadcast_in_dim3A_155 = vector.broadcast %broadcast_in_dim3A_154 : vector<1x16xf32> to vector<2048x16xf32>
    %eq3A_156 = vector.broadcast %broadcast_in_dim3A_32 : vector<2048x1xi32> to vector<2048x16xi32>
    %eq3A_157 = arith.cmpi eq, %iota3A, %eq3A_156 : vector<2048x16xi32>
    %jit3A_158 = arith.constant 0.000000e+00 : f32
    %broadcast_in_dim3A_159 = vector.broadcast %jit3A_158 : f32 to vector<2048x16xf32>
    %select_n3A_160 = arith.select %eq3A_157, %broadcast_in_dim3A_155, %broadcast_in_dim3A_159 : vector<2048x16xi1>, vector<2048x16xf32>
    %reduce_sum3A_161 = arith.constant dense<0.000000e+00> : vector<2048xf32>
    %reduce_sum3A_162 = vector.multi_reduction <add>, %select_n3A_160, %reduce_sum3A_161 [1] : vector<2048x16xf32> to vector<2048xf32>
    %broadcast_in_dim3A_163 = vector.shape_cast %reduce_sum3A_162 : vector<2048xf32> to vector<2048x1xf32>
    %eq3A_164 = vector.broadcast %broadcast_in_dim3A_32 : vector<2048x1xi32> to vector<2048x16xi32>
    %eq3A_165 = arith.cmpi eq, %iota3A, %eq3A_164 : vector<2048x16xi32>
    %jit3A_166 = arith.constant 0.000000e+00 : f32
    %broadcast_in_dim3A_167 = vector.broadcast %jit3A_166 : f32 to vector<2048x16xf32>
    %select_n3A_168 = arith.select %eq3A_165, %concatenate3A_110, %broadcast_in_dim3A_167 : vector<2048x16xi1>, vector<2048x16xf32>
    %reduce_sum3A_169 = arith.constant dense<0.000000e+00> : vector<2048xf32>
    %reduce_sum3A_170 = vector.multi_reduction <add>, %select_n3A_168, %reduce_sum3A_169 [1] : vector<2048x16xf32> to vector<2048xf32>
    %broadcast_in_dim3A_171 = vector.shape_cast %reduce_sum3A_170 : vector<2048xf32> to vector<2048x1xf32>
    %add3A_172 = arith.addf %broadcast_in_dim3A_163, %broadcast_in_dim3A_171 : vector<2048x1xf32>
    %broadcast_in_dim3A_173 = vector.shape_cast %mul3A_153 : vector<1x16xf32> to vector<1x16xf32>
    %broadcast_in_dim3A_174 = vector.broadcast %broadcast_in_dim3A_173 : vector<1x16xf32> to vector<2048x16xf32>
    %eq3A_175 = vector.broadcast %broadcast_in_dim3A_48 : vector<2048x1xi32> to vector<2048x16xi32>
    %eq3A_176 = arith.cmpi eq, %iota3A, %eq3A_175 : vector<2048x16xi32>
    %jit3A_177 = arith.constant 0.000000e+00 : f32
    %broadcast_in_dim3A_178 = vector.broadcast %jit3A_177 : f32 to vector<2048x16xf32>
    %select_n3A_179 = arith.select %eq3A_176, %broadcast_in_dim3A_174, %broadcast_in_dim3A_178 : vector<2048x16xi1>, vector<2048x16xf32>
    %reduce_sum3A_180 = arith.constant dense<0.000000e+00> : vector<2048xf32>
    %reduce_sum3A_181 = vector.multi_reduction <add>, %select_n3A_179, %reduce_sum3A_180 [1] : vector<2048x16xf32> to vector<2048xf32>
    %broadcast_in_dim3A_182 = vector.shape_cast %reduce_sum3A_181 : vector<2048xf32> to vector<2048x1xf32>
    %eq3A_183 = vector.broadcast %broadcast_in_dim3A_48 : vector<2048x1xi32> to vector<2048x16xi32>
    %eq3A_184 = arith.cmpi eq, %iota3A, %eq3A_183 : vector<2048x16xi32>
    %jit3A_185 = arith.constant 0.000000e+00 : f32
    %broadcast_in_dim3A_186 = vector.broadcast %jit3A_185 : f32 to vector<2048x16xf32>
    %select_n3A_187 = arith.select %eq3A_184, %concatenate3A_110, %broadcast_in_dim3A_186 : vector<2048x16xi1>, vector<2048x16xf32>
    %reduce_sum3A_188 = arith.constant dense<0.000000e+00> : vector<2048xf32>
    %reduce_sum3A_189 = vector.multi_reduction <add>, %select_n3A_187, %reduce_sum3A_188 [1] : vector<2048x16xf32> to vector<2048xf32>
    %broadcast_in_dim3A_190 = vector.shape_cast %reduce_sum3A_189 : vector<2048xf32> to vector<2048x1xf32>
    %add3A_191 = arith.addf %broadcast_in_dim3A_182, %broadcast_in_dim3A_190 : vector<2048x1xf32>
    %concatenate3A_192 = tpu.concatenate %add3A_172, %add3A_191 in 1 : vector<2048x1xf32>, vector<2048x1xf32> -> vector<2048x2xf32>
    %convert_element_type3A_193 = arith.fptosi %concatenate3A_192 : vector<2048x2xf32> to vector<2048x2xi32>
    %swap3A_194 = arith.constant 0 : index
    %swap3A_195 = arith.constant 0 : index
    %swap3A_196 = vector.load %arg2[%swap3A_194, %swap3A_195] : memref<2048x2xi32, #tpu.memory_space<vmem>>, vector<2048x2xi32>
    tpu.vector_store %arg2[%swap3A_194, %swap3A_195], %convert_element_type3A_193 {strides = array<i32>} : memref<2048x2xi32, #tpu.memory_space<vmem>>, vector<2048x2xi32>,
    %iota3A_197 = tpu.iota {dimensions = array<i32: 0>} : vector<48x16xi32>
    %convert_element_type3A_198 = arith.sitofp %iota3A_197 : vector<48x16xi32> to vector<48x16xf32>
    %iota3A_199 = tpu.iota {dimensions = array<i32: 1>} : vector<48x16xi32>
    %convert_element_type3A_200 = arith.sitofp %iota3A_199 : vector<48x16xi32> to vector<48x16xf32>
    %broadcast_in_dim3A_201 = vector.shape_cast %dot_general3A_151 : vector<1x16xf32> to vector<1x16xf32>
    %broadcast_in_dim3A_202 = vector.broadcast %broadcast_in_dim3A_201 : vector<1x16xf32> to vector<48x16xf32>
    %broadcast_in_dim3A_203 = vector.shape_cast %convert_element_type3A_142 : vector<1x16xf32> to vector<1x16xf32>
    %broadcast_in_dim3A_204 = vector.broadcast %broadcast_in_dim3A_203 : vector<1x16xf32> to vector<48x16xf32>
    %ge3A_205 = arith.cmpf oge, %convert_element_type3A_198, %broadcast_in_dim3A_202 : vector<48x16xf32>
    %add3A_206 = arith.addf %broadcast_in_dim3A_202, %broadcast_in_dim3A_204 : vector<48x16xf32>
    %lt3A_207 = arith.cmpf olt, %convert_element_type3A_198, %add3A_206 : vector<48x16xf32>
    %and3A_208 = arith.andi %ge3A_205, %lt3A_207 : vector<48x16xi1>
    %jit3A_209 = arith.constant 0.000000e+00 : f32
    %broadcast_in_dim3A_210 = vector.broadcast %jit3A_209 : f32 to vector<48x16xf32>
    %select_n3A_211 = arith.select %and3A_208, %convert_element_type3A_200, %broadcast_in_dim3A_210 : vector<48x16xi1>, vector<48x16xf32>
    %reduce_sum3A_212 = arith.constant dense<0.000000e+00> : vector<48xf32>
    %reduce_sum3A_213 = vector.multi_reduction <add>, %select_n3A_211, %reduce_sum3A_212 [1] : vector<48x16xf32> to vector<48xf32>
    %broadcast_in_dim3A_214 = vector.shape_cast %reduce_sum3A_213 : vector<48xf32> to vector<48x1xf32>
    %reduce_sum3A_215 = vector.shape_cast %convert_element_type3A_142 : vector<1x16xf32> to vector<1x1x16xf32>
    %reduce_sum3A_216 = arith.constant dense<0.000000e+00> : vector<1xf32>
    %reduce_sum3A_217 = vector.multi_reduction <add>, %reduce_sum3A_215, %reduce_sum3A_216 [1, 2] : vector<1x1x16xf32> to vector<1xf32>
    %reduce_sum3A_218 = vector.shape_cast %reduce_sum3A_217 : vector<1xf32> to vector<1x1x1xf32>
    %reduce_sum3A_219 = vector.extract %reduce_sum3A_218[0, 0, 0] : f32 from vector<1x1x1xf32>
    %iota3A_220 = tpu.iota {dimensions = array<i32: 1>} : vector<1x16xi32>
    %convert_element_type3A_221 = arith.sitofp %iota3A_220 : vector<1x16xi32> to vector<1x16xf32>
    %gt3A = arith.constant 0.000000e+00 : f32
    %gt3A_222 = vector.broadcast %gt3A : f32 to vector<1x16xf32>
    %gt3A_223 = arith.cmpf ogt, %convert_element_type3A_142, %gt3A_222 : vector<1x16xf32>
    %jit3A_224 = arith.constant 0.000000e+00 : f32
    %broadcast_in_dim3A_225 = vector.broadcast %jit3A_224 : f32 to vector<1x16xf32>
    %select_n3A_226 = arith.select %gt3A_223, %convert_element_type3A_221, %broadcast_in_dim3A_225 : vector<1x16xi1>, vector<1x16xf32>
    %reduce_max3A_227 = vector.shape_cast %select_n3A_226 : vector<1x16xf32> to vector<1x1x16xf32>
    %reduce_max3A_228 = arith.constant dense<0xFF800000> : vector<1xf32>
    %reduce_max3A_229 = vector.multi_reduction <maximumf>, %reduce_max3A_227, %reduce_max3A_228 [1, 2] : vector<1x1x16xf32> to vector<1xf32>
    %reduce_max3A_230 = vector.shape_cast %reduce_max3A_229 : vector<1xf32> to vector<1x1x1xf32>
    %reduce_max3A_231 = vector.extract %reduce_max3A_230[0, 0, 0] : f32 from vector<1x1x1xf32>
    %slice3A_232 = vector.extract_strided_slice %convert_element_type3A_198 {offsets = [0, 0], sizes = [48, 1], strides = [1, 1]} : vector<48x16xf32> to vector<48x1xf32>
    %lt3A_233 = vector.broadcast %reduce_sum3A_219 : f32 to vector<48x1xf32>
    %lt3A_234 = arith.cmpf olt, %slice3A_232, %lt3A_233 : vector<48x1xf32>
    %broadcast_in_dim3A_235 = vector.broadcast %reduce_max3A_231 : f32 to vector<48x1xf32>
    %select_n3A_236 = arith.select %lt3A_234, %broadcast_in_dim3A_214, %broadcast_in_dim3A_235 : vector<48x1xi1>, vector<48x1xf32>
    %convert_element_type3A_237 = arith.fptosi %select_n3A_236 : vector<48x1xf32> to vector<48x1xi32>
    %swap3A_238 = arith.constant 0 : index
    %swap3A_239 = arith.constant 0 : index
    %swap3A_240 = vector.load %arg4[%swap3A_238, %swap3A_239] : memref<48x1xi32, #tpu.memory_space<vmem>>, vector<48x1xi32>
    tpu.vector_store %arg4[%swap3A_238, %swap3A_239], %convert_element_type3A_237 {strides = array<i32>} : memref<48x1xi32, #tpu.memory_space<vmem>>, vector<48x1xi32>,
    %convert_element_type3A_241 = arith.extui %lt3A_234 : vector<48x1xi1> to vector<48x1xi32>
    %swap3A_242 = arith.constant 0 : index
    %swap3A_243 = arith.constant 0 : index
    %swap3A_244 = vector.load %arg5[%swap3A_242, %swap3A_243] : memref<48x1xi32, #tpu.memory_space<vmem>>, vector<48x1xi32>
    tpu.vector_store %arg5[%swap3A_242, %swap3A_243], %convert_element_type3A_241 {strides = array<i32>} : memref<48x1xi32, #tpu.memory_space<vmem>>, vector<48x1xi32>,
    %slice3A_245 = vector.extract_strided_slice %convert_element_type3A_198 {offsets = [0, 0], sizes = [48, 1], strides = [1, 1]} : vector<48x16xf32> to vector<48x1xf32>
    %sub3A_246 = arith.constant 1.000000e+00 : f32
    %sub3A_247 = arith.subf %reduce_sum3A_219, %sub3A_246 : f32
    %broadcast_in_dim3A_248 = vector.broadcast %sub3A_247 : f32 to vector<48x1xf32>
    %select_n3A_249 = arith.select %lt3A_234, %slice3A_245, %broadcast_in_dim3A_248 : vector<48x1xi1>, vector<48x1xf32>
    %convert_element_type3A_250 = arith.fptosi %select_n3A_249 : vector<48x1xf32> to vector<48x1xi32>
    %swap3A_251 = arith.constant 0 : index
    %swap3A_252 = arith.constant 0 : index
    %swap3A_253 = vector.load %arg6[%swap3A_251, %swap3A_252] : memref<48x1xi32, #tpu.memory_space<vmem>>, vector<48x1xi32>
    tpu.vector_store %arg6[%swap3A_251, %swap3A_252], %convert_element_type3A_250 {strides = array<i32>} : memref<48x1xi32, #tpu.memory_space<vmem>>, vector<48x1xi32>,
    %gt3A_254 = arith.constant 0.000000e+00 : f32
    %gt3A_255 = vector.broadcast %gt3A_254 : f32 to vector<1x16xf32>
    %gt3A_256 = arith.cmpf ogt, %slice3A_109, %gt3A_255 : vector<1x16xf32>
    %jit3A_257 = arith.constant 1.000000e+00 : f32
    %jit3A_258 = arith.constant 0.000000e+00 : f32
    %broadcast_in_dim3A_259 = vector.broadcast %jit3A_257 : f32 to vector<1x16xf32>
    %broadcast_in_dim3A_260 = vector.broadcast %jit3A_258 : f32 to vector<1x16xf32>
    %select_n3A_261 = arith.select %gt3A_256, %broadcast_in_dim3A_259, %broadcast_in_dim3A_260 : vector<1x16xi1>, vector<1x16xf32>
    %dot_general3A_262 = arith.constant dense<0.000000e+00> : vector<1x16xf32>
    %dot_general3A_263 = tpu.matmul %select_n3A_261, %select_n3A_149, %dot_general3A_262 {dimension_numbers = #tpu.dot_dimension_numbers<[1], [0], [0], [1], [0, 0, 1, 1], [], []>, transpose_lhs_hint = false} : vector<1x16xf32>, vector<16x16xf32>, vector<1x16xf32> -> vector<1x16xf32>
    %reduce_sum3A_264 = vector.shape_cast %select_n3A_261 : vector<1x16xf32> to vector<1x1x16xf32>
    %reduce_sum3A_265 = arith.constant dense<0.000000e+00> : vector<1xf32>
    %reduce_sum3A_266 = vector.multi_reduction <add>, %reduce_sum3A_264, %reduce_sum3A_265 [1, 2] : vector<1x1x16xf32> to vector<1xf32>
    %reduce_sum3A_267 = vector.shape_cast %reduce_sum3A_266 : vector<1xf32> to vector<1x1x1xf32>
    %reduce_sum3A_268 = vector.extract %reduce_sum3A_267[0, 0, 0] : f32 from vector<1x1x1xf32>
    %iota3A_269 = tpu.iota {dimensions = array<i32: 0>} : vector<16x16xi32>
    %convert_element_type3A_270 = arith.sitofp %iota3A_269 : vector<16x16xi32> to vector<16x16xf32>
    %iota3A_271 = tpu.iota {dimensions = array<i32: 1>} : vector<16x16xi32>
    %convert_element_type3A_272 = arith.sitofp %iota3A_271 : vector<16x16xi32> to vector<16x16xf32>
    %broadcast_in_dim3A_273 = vector.shape_cast %dot_general3A_263 : vector<1x16xf32> to vector<1x16xf32>
    %broadcast_in_dim3A_274 = vector.broadcast %broadcast_in_dim3A_273 : vector<1x16xf32> to vector<16x16xf32>
    %eq3A_275 = arith.cmpf oeq, %broadcast_in_dim3A_274, %convert_element_type3A_270 : vector<16x16xf32>
    %broadcast_in_dim3A_276 = vector.shape_cast %select_n3A_261 : vector<1x16xf32> to vector<1x16xf32>
    %broadcast_in_dim3A_277 = vector.broadcast %broadcast_in_dim3A_276 : vector<1x16xf32> to vector<16x16xf32>
    %gt3A_278 = arith.constant 0.000000e+00 : f32
    %gt3A_279 = vector.broadcast %gt3A_278 : f32 to vector<16x16xf32>
    %gt3A_280 = arith.cmpf ogt, %broadcast_in_dim3A_277, %gt3A_279 : vector<16x16xf32>
    %and3A_281 = arith.andi %eq3A_275, %gt3A_280 : vector<16x16xi1>
    %jit3A_282 = arith.constant 0.000000e+00 : f32
    %broadcast_in_dim3A_283 = vector.broadcast %jit3A_282 : f32 to vector<16x16xf32>
    %select_n3A_284 = arith.select %and3A_281, %convert_element_type3A_272, %broadcast_in_dim3A_283 : vector<16x16xi1>, vector<16x16xf32>
    %reduce_sum3A_285 = arith.constant dense<0.000000e+00> : vector<16xf32>
    %reduce_sum3A_286 = vector.multi_reduction <add>, %select_n3A_284, %reduce_sum3A_285 [1] : vector<16x16xf32> to vector<16xf32>
    %broadcast_in_dim3A_287 = vector.shape_cast %reduce_sum3A_286 : vector<16xf32> to vector<16x1xf32>
    %convert_element_type3A_288 = arith.fptosi %broadcast_in_dim3A_287 : vector<16x1xf32> to vector<16x1xi32>
    %swap3A_289 = arith.constant 0 : index
    %swap3A_290 = arith.constant 0 : index
    %swap3A_291 = vector.load %arg9[%swap3A_289, %swap3A_290] : memref<16x1xi32, #tpu.memory_space<vmem>>, vector<16x1xi32>
    tpu.vector_store %arg9[%swap3A_289, %swap3A_290], %convert_element_type3A_288 {strides = array<i32>} : memref<16x1xi32, #tpu.memory_space<vmem>>, vector<16x1xi32>,
    %slice3A_292 = vector.extract_strided_slice %convert_element_type3A_270 {offsets = [0, 0], sizes = [16, 1], strides = [1, 1]} : vector<16x16xf32> to vector<16x1xf32>
    %lt3A_293 = vector.broadcast %reduce_sum3A_268 : f32 to vector<16x1xf32>
    %lt3A_294 = arith.cmpf olt, %slice3A_292, %lt3A_293 : vector<16x1xf32>
    %convert_element_type3A_295 = arith.extui %lt3A_294 : vector<16x1xi1> to vector<16x1xi32>
    %swap3A_296 = arith.constant 0 : index
    %swap3A_297 = arith.constant 0 : index
    %swap3A_298 = vector.load %arg10[%swap3A_296, %swap3A_297] : memref<16x1xi32, #tpu.memory_space<vmem>>, vector<16x1xi32>
    tpu.vector_store %arg10[%swap3A_296, %swap3A_297], %convert_element_type3A_295 {strides = array<i32>} : memref<16x1xi32, #tpu.memory_space<vmem>>, vector<16x1xi32>,
    %broadcast_in_dim3A_299 = vector.shape_cast %dot_general3A_263 : vector<1x16xf32> to vector<1x16xf32>
    %broadcast_in_dim3A_300 = vector.broadcast %broadcast_in_dim3A_299 : vector<1x16xf32> to vector<48x16xf32>
    %jit3A_301 = arith.constant 0.000000e+00 : f32
    %broadcast_in_dim3A_302 = vector.broadcast %jit3A_301 : f32 to vector<48x16xf32>
    %select_n3A_303 = arith.select %and3A_208, %broadcast_in_dim3A_300, %broadcast_in_dim3A_302 : vector<48x16xi1>, vector<48x16xf32>
    %reduce_sum3A_304 = arith.constant dense<0.000000e+00> : vector<48xf32>
    %reduce_sum3A_305 = vector.multi_reduction <add>, %select_n3A_303, %reduce_sum3A_304 [1] : vector<48x16xf32> to vector<48xf32>
    %broadcast_in_dim3A_306 = vector.shape_cast %reduce_sum3A_305 : vector<48xf32> to vector<48x1xf32>
    %convert_element_type3A_307 = arith.fptosi %broadcast_in_dim3A_306 : vector<48x1xf32> to vector<48x1xi32>
    %swap3A_308 = arith.constant 0 : index
    %swap3A_309 = arith.constant 0 : index
    %swap3A_310 = vector.load %arg7[%swap3A_308, %swap3A_309] : memref<48x1xi32, #tpu.memory_space<vmem>>, vector<48x1xi32>
    tpu.vector_store %arg7[%swap3A_308, %swap3A_309], %convert_element_type3A_307 {strides = array<i32>} : memref<48x1xi32, #tpu.memory_space<vmem>>, vector<48x1xi32>,
    %eq3A_311 = arith.cmpf oeq, %convert_element_type3A_198, %broadcast_in_dim3A_202 : vector<48x16xf32>
    %and3A_312 = arith.andi %and3A_208, %eq3A_311 : vector<48x16xi1>
    %jit3A_313 = arith.constant 1.000000e+00 : f32
    %jit3A_314 = arith.constant 0.000000e+00 : f32
    %broadcast_in_dim3A_315 = vector.broadcast %jit3A_313 : f32 to vector<48x16xf32>
    %broadcast_in_dim3A_316 = vector.broadcast %jit3A_314 : f32 to vector<48x16xf32>
    %select_n3A_317 = arith.select %and3A_312, %broadcast_in_dim3A_315, %broadcast_in_dim3A_316 : vector<48x16xi1>, vector<48x16xf32>
    %reduce_sum3A_318 = arith.constant dense<0.000000e+00> : vector<48xf32>
    %reduce_sum3A_319 = vector.multi_reduction <add>, %select_n3A_317, %reduce_sum3A_318 [1] : vector<48x16xf32> to vector<48xf32>
    %broadcast_in_dim3A_320 = vector.shape_cast %reduce_sum3A_319 : vector<48xf32> to vector<48x1xf32>
    %convert_element_type3A_321 = arith.fptosi %broadcast_in_dim3A_320 : vector<48x1xf32> to vector<48x1xi32>
    %swap3A_322 = arith.constant 0 : index
    %swap3A_323 = arith.constant 0 : index
    %swap3A_324 = vector.load %arg8[%swap3A_322, %swap3A_323] : memref<48x1xi32, #tpu.memory_space<vmem>>, vector<48x1xi32>
    tpu.vector_store %arg8[%swap3A_322, %swap3A_323], %convert_element_type3A_321 {strides = array<i32>} : memref<48x1xi32, #tpu.memory_space<vmem>>, vector<48x1xi32>,
    return
  }
}

module attributes {stable_mosaic.version = 14 : i64} {
  func.func @_gmm_body(%arg0: i32, %arg1: memref<48xi32, #tpu.memory_space<smem>>, %arg2: memref<48xi32, #tpu.memory_space<smem>>, %arg3: memref<48xi32, #tpu.memory_space<smem>>, %arg4: memref<48xi32, #tpu.memory_space<smem>>, %arg5: memref<16xi32, #tpu.memory_space<smem>>, %arg6: memref<16xi32, #tpu.memory_space<smem>>, %arg7: memref<128x384xi32, #tpu.memory_space<vmem>>, %arg8: memref<16x768x768xf32, #tpu.memory_space<any>>, %arg9: memref<16x768x384xf32, #tpu.memory_space<any>>, %arg10: memref<128x384xi32, #tpu.memory_space<vmem>>, %arg11: memref<4x768x768xf32, #tpu.memory_space<vmem>>, %arg12: memref<4x768x384xf32, #tpu.memory_space<vmem>>, %arg13: memref<4x!tpu.dma_semaphore, #tpu.memory_space<semaphore_mem>>, %arg14: memref<4x!tpu.dma_semaphore, #tpu.memory_space<semaphore_mem>>) attributes {dimension_semantics = [#tpu.dimension_semantics<arbitrary>], iteration_bounds = array<i64: 48>, scalar_prefetch = 6 : i64, scratch_operands = 4 : i64, tpu.core_type = #tpu.core_type<tc>, window_params = [{transform_indices = @transform_0, window_bounds = array<i64: 128, 384>}, {}, {}, {transform_indices = @transform_3, window_bounds = array<i64: 128, 384>}]} {
    %eq3A = arith.constant 0 : i32
    %eq3A_0 = arith.cmpi eq, %arg0, %eq3A : i32
    %convert_element_type3A = arith.extui %eq3A_0 : i1 to i32
    %cond3A = arith.constant 0 : i32
    %cond3A_1 = arith.cmpi ne, %convert_element_type3A, %cond3A : i32
    scf.if %cond3A_1 {
      %min3A = arith.constant 0 : i32
      %min3A_7 = arith.constant 15 : i32
      %min3A_8 = arith.minsi %min3A, %min3A_7 : i32
      %get3A_9 = arith.index_cast %min3A_8 : i32 to index
      %get3A_10 = memref.load %arg5[%get3A_9] : memref<16xi32, #tpu.memory_space<smem>>
      %rem3A = arith.constant 4 : i32
      %rem3A_11 = arith.remsi %min3A_8, %rem3A : i32
      %lt3A = arith.constant 0 : i32
      %lt3A_12 = arith.constant 16 : i32
      %lt3A_13 = arith.cmpi slt, %lt3A, %lt3A_12 : i32
      %get3A_14 = arith.index_cast %min3A_8 : i32 to index
      %get3A_15 = memref.load %arg6[%get3A_14] : memref<16xi32, #tpu.memory_space<smem>>
      %eq3A_16 = arith.constant 1 : i32
      %eq3A_17 = arith.cmpi eq, %get3A_15, %eq3A_16 : i32
      %and3A = arith.andi %lt3A_13, %eq3A_17 : i1
      %convert_element_type3A_18 = arith.extui %and3A : i1 to i32
      %cond3A_19 = arith.constant 0 : i32
      %cond3A_20 = arith.cmpi ne, %convert_element_type3A_18, %cond3A_19 : i32
      scf.if %cond3A_20 {
        %dma_start3A = tpu.memref_slice %arg13[%rem3A_11] : memref<4x!tpu.dma_semaphore, #tpu.memory_space<semaphore_mem>> -> memref<1x!tpu.dma_semaphore, #tpu.memory_space<semaphore_mem>>
        %dma_start3A_57 = tpu.memref_squeeze %dma_start3A : memref<1x!tpu.dma_semaphore, #tpu.memory_space<semaphore_mem>> -> memref<!tpu.dma_semaphore, #tpu.memory_space<semaphore_mem>>
        %dma_start3A_58 = arith.constant 0 : i32
        %dma_start3A_59 = arith.constant 0 : i32
        %dma_start3A_60 = tpu.memref_slice %arg11[%rem3A_11, %dma_start3A_58, %dma_start3A_59] : memref<4x768x768xf32, #tpu.memory_space<vmem>> -> memref<1x768x768xf32, #tpu.memory_space<vmem>>
        %dma_start3A_61 = tpu.memref_squeeze %dma_start3A_60 : memref<1x768x768xf32, #tpu.memory_space<vmem>> -> memref<768x768xf32, #tpu.memory_space<vmem>>
        %dma_start3A_62 = arith.constant 0 : i32
        %dma_start3A_63 = arith.constant 0 : i32
        %dma_start3A_64 = tpu.memref_slice %arg8[%get3A_10, %dma_start3A_62, %dma_start3A_63] : memref<16x768x768xf32, #tpu.memory_space<any>> -> memref<1x768x768xf32, #tpu.memory_space<any>>
        %dma_start3A_65 = tpu.memref_squeeze %dma_start3A_64 : memref<1x768x768xf32, #tpu.memory_space<any>> -> memref<768x768xf32, #tpu.memory_space<any>>
        tpu.enqueue_dma source(%dma_start3A_65 : memref<768x768xf32, #tpu.memory_space<any>>) target(%dma_start3A_61 : memref<768x768xf32, #tpu.memory_space<vmem>>) target_semaphore(%dma_start3A_57 : memref<!tpu.dma_semaphore, #tpu.memory_space<semaphore_mem>>)
        %dma_start3A_66 = tpu.memref_slice %arg14[%rem3A_11] : memref<4x!tpu.dma_semaphore, #tpu.memory_space<semaphore_mem>> -> memref<1x!tpu.dma_semaphore, #tpu.memory_space<semaphore_mem>>
        %dma_start3A_67 = tpu.memref_squeeze %dma_start3A_66 : memref<1x!tpu.dma_semaphore, #tpu.memory_space<semaphore_mem>> -> memref<!tpu.dma_semaphore, #tpu.memory_space<semaphore_mem>>
        %dma_start3A_68 = arith.constant 0 : i32
        %dma_start3A_69 = arith.constant 0 : i32
        %dma_start3A_70 = tpu.memref_slice %arg12[%rem3A_11, %dma_start3A_68, %dma_start3A_69] : memref<4x768x384xf32, #tpu.memory_space<vmem>> -> memref<1x768x384xf32, #tpu.memory_space<vmem>>
        %dma_start3A_71 = tpu.memref_squeeze %dma_start3A_70 : memref<1x768x384xf32, #tpu.memory_space<vmem>> -> memref<768x384xf32, #tpu.memory_space<vmem>>
        %dma_start3A_72 = arith.constant 0 : i32
        %dma_start3A_73 = arith.constant 0 : i32
        %dma_start3A_74 = tpu.memref_slice %arg9[%get3A_10, %dma_start3A_72, %dma_start3A_73] : memref<16x768x384xf32, #tpu.memory_space<any>> -> memref<1x768x384xf32, #tpu.memory_space<any>>
        %dma_start3A_75 = tpu.memref_squeeze %dma_start3A_74 : memref<1x768x384xf32, #tpu.memory_space<any>> -> memref<768x384xf32, #tpu.memory_space<any>>
        tpu.enqueue_dma source(%dma_start3A_75 : memref<768x384xf32, #tpu.memory_space<any>>) target(%dma_start3A_71 : memref<768x384xf32, #tpu.memory_space<vmem>>) target_semaphore(%dma_start3A_67 : memref<!tpu.dma_semaphore, #tpu.memory_space<semaphore_mem>>)
      } else {
      }
      %min3A_21 = arith.constant 1 : i32
      %min3A_22 = arith.constant 15 : i32
      %min3A_23 = arith.minsi %min3A_21, %min3A_22 : i32
      %get3A_24 = arith.index_cast %min3A_23 : i32 to index
      %get3A_25 = memref.load %arg5[%get3A_24] : memref<16xi32, #tpu.memory_space<smem>>
      %rem3A_26 = arith.constant 4 : i32
      %rem3A_27 = arith.remsi %min3A_23, %rem3A_26 : i32
      %lt3A_28 = arith.constant 1 : i32
      %lt3A_29 = arith.constant 16 : i32
      %lt3A_30 = arith.cmpi slt, %lt3A_28, %lt3A_29 : i32
      %get3A_31 = arith.index_cast %min3A_23 : i32 to index
      %get3A_32 = memref.load %arg6[%get3A_31] : memref<16xi32, #tpu.memory_space<smem>>
      %eq3A_33 = arith.constant 1 : i32
      %eq3A_34 = arith.cmpi eq, %get3A_32, %eq3A_33 : i32
      %and3A_35 = arith.andi %lt3A_30, %eq3A_34 : i1
      %convert_element_type3A_36 = arith.extui %and3A_35 : i1 to i32
      %cond3A_37 = arith.constant 0 : i32
      %cond3A_38 = arith.cmpi ne, %convert_element_type3A_36, %cond3A_37 : i32
      scf.if %cond3A_38 {
        %dma_start3A = tpu.memref_slice %arg13[%rem3A_27] : memref<4x!tpu.dma_semaphore, #tpu.memory_space<semaphore_mem>> -> memref<1x!tpu.dma_semaphore, #tpu.memory_space<semaphore_mem>>
        %dma_start3A_57 = tpu.memref_squeeze %dma_start3A : memref<1x!tpu.dma_semaphore, #tpu.memory_space<semaphore_mem>> -> memref<!tpu.dma_semaphore, #tpu.memory_space<semaphore_mem>>
        %dma_start3A_58 = arith.constant 0 : i32
        %dma_start3A_59 = arith.constant 0 : i32
        %dma_start3A_60 = tpu.memref_slice %arg11[%rem3A_27, %dma_start3A_58, %dma_start3A_59] : memref<4x768x768xf32, #tpu.memory_space<vmem>> -> memref<1x768x768xf32, #tpu.memory_space<vmem>>
        %dma_start3A_61 = tpu.memref_squeeze %dma_start3A_60 : memref<1x768x768xf32, #tpu.memory_space<vmem>> -> memref<768x768xf32, #tpu.memory_space<vmem>>
        %dma_start3A_62 = arith.constant 0 : i32
        %dma_start3A_63 = arith.constant 0 : i32
        %dma_start3A_64 = tpu.memref_slice %arg8[%get3A_25, %dma_start3A_62, %dma_start3A_63] : memref<16x768x768xf32, #tpu.memory_space<any>> -> memref<1x768x768xf32, #tpu.memory_space<any>>
        %dma_start3A_65 = tpu.memref_squeeze %dma_start3A_64 : memref<1x768x768xf32, #tpu.memory_space<any>> -> memref<768x768xf32, #tpu.memory_space<any>>
        tpu.enqueue_dma source(%dma_start3A_65 : memref<768x768xf32, #tpu.memory_space<any>>) target(%dma_start3A_61 : memref<768x768xf32, #tpu.memory_space<vmem>>) target_semaphore(%dma_start3A_57 : memref<!tpu.dma_semaphore, #tpu.memory_space<semaphore_mem>>)
        %dma_start3A_66 = tpu.memref_slice %arg14[%rem3A_27] : memref<4x!tpu.dma_semaphore, #tpu.memory_space<semaphore_mem>> -> memref<1x!tpu.dma_semaphore, #tpu.memory_space<semaphore_mem>>
        %dma_start3A_67 = tpu.memref_squeeze %dma_start3A_66 : memref<1x!tpu.dma_semaphore, #tpu.memory_space<semaphore_mem>> -> memref<!tpu.dma_semaphore, #tpu.memory_space<semaphore_mem>>
        %dma_start3A_68 = arith.constant 0 : i32
        %dma_start3A_69 = arith.constant 0 : i32
        %dma_start3A_70 = tpu.memref_slice %arg12[%rem3A_27, %dma_start3A_68, %dma_start3A_69] : memref<4x768x384xf32, #tpu.memory_space<vmem>> -> memref<1x768x384xf32, #tpu.memory_space<vmem>>
        %dma_start3A_71 = tpu.memref_squeeze %dma_start3A_70 : memref<1x768x384xf32, #tpu.memory_space<vmem>> -> memref<768x384xf32, #tpu.memory_space<vmem>>
        %dma_start3A_72 = arith.constant 0 : i32
        %dma_start3A_73 = arith.constant 0 : i32
        %dma_start3A_74 = tpu.memref_slice %arg9[%get3A_25, %dma_start3A_72, %dma_start3A_73] : memref<16x768x384xf32, #tpu.memory_space<any>> -> memref<1x768x384xf32, #tpu.memory_space<any>>
        %dma_start3A_75 = tpu.memref_squeeze %dma_start3A_74 : memref<1x768x384xf32, #tpu.memory_space<any>> -> memref<768x384xf32, #tpu.memory_space<any>>
        tpu.enqueue_dma source(%dma_start3A_75 : memref<768x384xf32, #tpu.memory_space<any>>) target(%dma_start3A_71 : memref<768x384xf32, #tpu.memory_space<vmem>>) target_semaphore(%dma_start3A_67 : memref<!tpu.dma_semaphore, #tpu.memory_space<semaphore_mem>>)
      } else {
      }
      %min3A_39 = arith.constant 2 : i32
      %min3A_40 = arith.constant 15 : i32
      %min3A_41 = arith.minsi %min3A_39, %min3A_40 : i32
      %get3A_42 = arith.index_cast %min3A_41 : i32 to index
      %get3A_43 = memref.load %arg5[%get3A_42] : memref<16xi32, #tpu.memory_space<smem>>
      %rem3A_44 = arith.constant 4 : i32
      %rem3A_45 = arith.remsi %min3A_41, %rem3A_44 : i32
      %lt3A_46 = arith.constant 2 : i32
      %lt3A_47 = arith.constant 16 : i32
      %lt3A_48 = arith.cmpi slt, %lt3A_46, %lt3A_47 : i32
      %get3A_49 = arith.index_cast %min3A_41 : i32 to index
      %get3A_50 = memref.load %arg6[%get3A_49] : memref<16xi32, #tpu.memory_space<smem>>
      %eq3A_51 = arith.constant 1 : i32
      %eq3A_52 = arith.cmpi eq, %get3A_50, %eq3A_51 : i32
      %and3A_53 = arith.andi %lt3A_48, %eq3A_52 : i1
      %convert_element_type3A_54 = arith.extui %and3A_53 : i1 to i32
      %cond3A_55 = arith.constant 0 : i32
      %cond3A_56 = arith.cmpi ne, %convert_element_type3A_54, %cond3A_55 : i32
      scf.if %cond3A_56 {
        %dma_start3A = tpu.memref_slice %arg13[%rem3A_45] : memref<4x!tpu.dma_semaphore, #tpu.memory_space<semaphore_mem>> -> memref<1x!tpu.dma_semaphore, #tpu.memory_space<semaphore_mem>>
        %dma_start3A_57 = tpu.memref_squeeze %dma_start3A : memref<1x!tpu.dma_semaphore, #tpu.memory_space<semaphore_mem>> -> memref<!tpu.dma_semaphore, #tpu.memory_space<semaphore_mem>>
        %dma_start3A_58 = arith.constant 0 : i32
        %dma_start3A_59 = arith.constant 0 : i32
        %dma_start3A_60 = tpu.memref_slice %arg11[%rem3A_45, %dma_start3A_58, %dma_start3A_59] : memref<4x768x768xf32, #tpu.memory_space<vmem>> -> memref<1x768x768xf32, #tpu.memory_space<vmem>>
        %dma_start3A_61 = tpu.memref_squeeze %dma_start3A_60 : memref<1x768x768xf32, #tpu.memory_space<vmem>> -> memref<768x768xf32, #tpu.memory_space<vmem>>
        %dma_start3A_62 = arith.constant 0 : i32
        %dma_start3A_63 = arith.constant 0 : i32
        %dma_start3A_64 = tpu.memref_slice %arg8[%get3A_43, %dma_start3A_62, %dma_start3A_63] : memref<16x768x768xf32, #tpu.memory_space<any>> -> memref<1x768x768xf32, #tpu.memory_space<any>>
        %dma_start3A_65 = tpu.memref_squeeze %dma_start3A_64 : memref<1x768x768xf32, #tpu.memory_space<any>> -> memref<768x768xf32, #tpu.memory_space<any>>
        tpu.enqueue_dma source(%dma_start3A_65 : memref<768x768xf32, #tpu.memory_space<any>>) target(%dma_start3A_61 : memref<768x768xf32, #tpu.memory_space<vmem>>) target_semaphore(%dma_start3A_57 : memref<!tpu.dma_semaphore, #tpu.memory_space<semaphore_mem>>)
        %dma_start3A_66 = tpu.memref_slice %arg14[%rem3A_45] : memref<4x!tpu.dma_semaphore, #tpu.memory_space<semaphore_mem>> -> memref<1x!tpu.dma_semaphore, #tpu.memory_space<semaphore_mem>>
        %dma_start3A_67 = tpu.memref_squeeze %dma_start3A_66 : memref<1x!tpu.dma_semaphore, #tpu.memory_space<semaphore_mem>> -> memref<!tpu.dma_semaphore, #tpu.memory_space<semaphore_mem>>
        %dma_start3A_68 = arith.constant 0 : i32
        %dma_start3A_69 = arith.constant 0 : i32
        %dma_start3A_70 = tpu.memref_slice %arg12[%rem3A_45, %dma_start3A_68, %dma_start3A_69] : memref<4x768x384xf32, #tpu.memory_space<vmem>> -> memref<1x768x384xf32, #tpu.memory_space<vmem>>
        %dma_start3A_71 = tpu.memref_squeeze %dma_start3A_70 : memref<1x768x384xf32, #tpu.memory_space<vmem>> -> memref<768x384xf32, #tpu.memory_space<vmem>>
        %dma_start3A_72 = arith.constant 0 : i32
        %dma_start3A_73 = arith.constant 0 : i32
        %dma_start3A_74 = tpu.memref_slice %arg9[%get3A_43, %dma_start3A_72, %dma_start3A_73] : memref<16x768x384xf32, #tpu.memory_space<any>> -> memref<1x768x384xf32, #tpu.memory_space<any>>
        %dma_start3A_75 = tpu.memref_squeeze %dma_start3A_74 : memref<1x768x384xf32, #tpu.memory_space<any>> -> memref<768x384xf32, #tpu.memory_space<any>>
        tpu.enqueue_dma source(%dma_start3A_75 : memref<768x384xf32, #tpu.memory_space<any>>) target(%dma_start3A_71 : memref<768x384xf32, #tpu.memory_space<vmem>>) target_semaphore(%dma_start3A_67 : memref<!tpu.dma_semaphore, #tpu.memory_space<semaphore_mem>>)
      } else {
      }
    } else {
    }
    %get3A = arith.index_cast %arg0 : i32 to index
    %get3A_2 = memref.load %arg1[%get3A] : memref<48xi32, #tpu.memory_space<smem>>
    %gt3A = arith.constant 0 : i32
    %gt3A_3 = arith.cmpi sgt, %get3A_2, %gt3A : i32
    %convert_element_type3A_4 = arith.extui %gt3A_3 : i1 to i32
    %cond3A_5 = arith.constant 0 : i32
    %cond3A_6 = arith.cmpi ne, %convert_element_type3A_4, %cond3A_5 : i32
    scf.if %cond3A_6 {
      %get3A_7 = arith.index_cast %arg0 : i32 to index
      %get3A_8 = memref.load %arg3[%get3A_7] : memref<48xi32, #tpu.memory_space<smem>>
      %rem3A = arith.constant 4 : i32
      %rem3A_9 = arith.remsi %get3A_8, %rem3A : i32
      %get3A_10 = arith.index_cast %get3A_8 : i32 to index
      %get3A_11 = memref.load %arg5[%get3A_10] : memref<16xi32, #tpu.memory_space<smem>>
      %get3A_12 = arith.index_cast %arg0 : i32 to index
      %get3A_13 = memref.load %arg4[%get3A_12] : memref<48xi32, #tpu.memory_space<smem>>
      %eq3A_14 = arith.constant 1 : i32
      %eq3A_15 = arith.cmpi eq, %get3A_13, %eq3A_14 : i32
      %convert_element_type3A_16 = arith.extui %eq3A_15 : i1 to i32
      %cond3A_17 = arith.constant 0 : i32
      %cond3A_18 = arith.cmpi ne, %convert_element_type3A_16, %cond3A_17 : i32
      scf.if %cond3A_18 {
        %dma_wait3A = tpu.memref_slice %arg13[%rem3A_9] : memref<4x!tpu.dma_semaphore, #tpu.memory_space<semaphore_mem>> -> memref<1x!tpu.dma_semaphore, #tpu.memory_space<semaphore_mem>>
        %dma_wait3A_64 = tpu.memref_squeeze %dma_wait3A : memref<1x!tpu.dma_semaphore, #tpu.memory_space<semaphore_mem>> -> memref<!tpu.dma_semaphore, #tpu.memory_space<semaphore_mem>>
        %dma_wait3A_65 = arith.constant 0 : i32
        %dma_wait3A_66 = arith.constant 0 : i32
        %dma_wait3A_67 = tpu.memref_slice %arg11[%rem3A_9, %dma_wait3A_65, %dma_wait3A_66] : memref<4x768x768xf32, #tpu.memory_space<vmem>> -> memref<1x768x768xf32, #tpu.memory_space<vmem>>
        %dma_wait3A_68 = tpu.memref_squeeze %dma_wait3A_67 : memref<1x768x768xf32, #tpu.memory_space<vmem>> -> memref<768x768xf32, #tpu.memory_space<vmem>>
        %dma_wait3A_69 = arith.constant 0 : i32
        %dma_wait3A_70 = arith.constant 0 : i32
        %dma_wait3A_71 = tpu.memref_slice %arg8[%get3A_11, %dma_wait3A_69, %dma_wait3A_70] : memref<16x768x768xf32, #tpu.memory_space<any>> -> memref<1x768x768xf32, #tpu.memory_space<any>>
        %dma_wait3A_72 = tpu.memref_squeeze %dma_wait3A_71 : memref<1x768x768xf32, #tpu.memory_space<any>> -> memref<768x768xf32, #tpu.memory_space<any>>
        tpu.wait_dma2 semaphore(%dma_wait3A_64 : memref<!tpu.dma_semaphore, #tpu.memory_space<semaphore_mem>>) src(%dma_wait3A_72 : memref<768x768xf32, #tpu.memory_space<any>>) dst(%dma_wait3A_68 : memref<768x768xf32, #tpu.memory_space<vmem>>)
        %dma_wait3A_73 = tpu.memref_slice %arg14[%rem3A_9] : memref<4x!tpu.dma_semaphore, #tpu.memory_space<semaphore_mem>> -> memref<1x!tpu.dma_semaphore, #tpu.memory_space<semaphore_mem>>
        %dma_wait3A_74 = tpu.memref_squeeze %dma_wait3A_73 : memref<1x!tpu.dma_semaphore, #tpu.memory_space<semaphore_mem>> -> memref<!tpu.dma_semaphore, #tpu.memory_space<semaphore_mem>>
        %dma_wait3A_75 = arith.constant 0 : i32
        %dma_wait3A_76 = arith.constant 0 : i32
        %dma_wait3A_77 = tpu.memref_slice %arg12[%rem3A_9, %dma_wait3A_75, %dma_wait3A_76] : memref<4x768x384xf32, #tpu.memory_space<vmem>> -> memref<1x768x384xf32, #tpu.memory_space<vmem>>
        %dma_wait3A_78 = tpu.memref_squeeze %dma_wait3A_77 : memref<1x768x384xf32, #tpu.memory_space<vmem>> -> memref<768x384xf32, #tpu.memory_space<vmem>>
        %dma_wait3A_79 = arith.constant 0 : i32
        %dma_wait3A_80 = arith.constant 0 : i32
        %dma_wait3A_81 = tpu.memref_slice %arg9[%get3A_11, %dma_wait3A_79, %dma_wait3A_80] : memref<16x768x384xf32, #tpu.memory_space<any>> -> memref<1x768x384xf32, #tpu.memory_space<any>>
        %dma_wait3A_82 = tpu.memref_squeeze %dma_wait3A_81 : memref<1x768x384xf32, #tpu.memory_space<any>> -> memref<768x384xf32, #tpu.memory_space<any>>
        tpu.wait_dma2 semaphore(%dma_wait3A_74 : memref<!tpu.dma_semaphore, #tpu.memory_space<semaphore_mem>>) src(%dma_wait3A_82 : memref<768x384xf32, #tpu.memory_space<any>>) dst(%dma_wait3A_78 : memref<768x384xf32, #tpu.memory_space<vmem>>)
        %add3A_83 = arith.constant 4 : i32
        %add3A_84 = arith.addi %get3A_8, %add3A_83 : i32
        %sub3A = arith.constant 1 : i32
        %sub3A_85 = arith.subi %add3A_84, %sub3A : i32
        %min3A = arith.constant 15 : i32
        %min3A_86 = arith.minsi %sub3A_85, %min3A : i32
        %get3A_87 = arith.index_cast %min3A_86 : i32 to index
        %get3A_88 = memref.load %arg5[%get3A_87] : memref<16xi32, #tpu.memory_space<smem>>
        %rem3A_89 = arith.constant 4 : i32
        %rem3A_90 = arith.remsi %min3A_86, %rem3A_89 : i32
        %lt3A = arith.constant 16 : i32
        %lt3A_91 = arith.cmpi slt, %sub3A_85, %lt3A : i32
        %get3A_92 = arith.index_cast %min3A_86 : i32 to index
        %get3A_93 = memref.load %arg6[%get3A_92] : memref<16xi32, #tpu.memory_space<smem>>
        %eq3A_94 = arith.constant 1 : i32
        %eq3A_95 = arith.cmpi eq, %get3A_93, %eq3A_94 : i32
        %and3A_96 = arith.andi %lt3A_91, %eq3A_95 : i1
        %convert_element_type3A_97 = arith.extui %and3A_96 : i1 to i32
        %cond3A_98 = arith.constant 0 : i32
        %cond3A_99 = arith.cmpi ne, %convert_element_type3A_97, %cond3A_98 : i32
        scf.if %cond3A_99 {
          %dma_start3A = tpu.memref_slice %arg13[%rem3A_90] : memref<4x!tpu.dma_semaphore, #tpu.memory_space<semaphore_mem>> -> memref<1x!tpu.dma_semaphore, #tpu.memory_space<semaphore_mem>>
          %dma_start3A_100 = tpu.memref_squeeze %dma_start3A : memref<1x!tpu.dma_semaphore, #tpu.memory_space<semaphore_mem>> -> memref<!tpu.dma_semaphore, #tpu.memory_space<semaphore_mem>>
          %dma_start3A_101 = arith.constant 0 : i32
          %dma_start3A_102 = arith.constant 0 : i32
          %dma_start3A_103 = tpu.memref_slice %arg11[%rem3A_90, %dma_start3A_101, %dma_start3A_102] : memref<4x768x768xf32, #tpu.memory_space<vmem>> -> memref<1x768x768xf32, #tpu.memory_space<vmem>>
          %dma_start3A_104 = tpu.memref_squeeze %dma_start3A_103 : memref<1x768x768xf32, #tpu.memory_space<vmem>> -> memref<768x768xf32, #tpu.memory_space<vmem>>
          %dma_start3A_105 = arith.constant 0 : i32
          %dma_start3A_106 = arith.constant 0 : i32
          %dma_start3A_107 = tpu.memref_slice %arg8[%get3A_88, %dma_start3A_105, %dma_start3A_106] : memref<16x768x768xf32, #tpu.memory_space<any>> -> memref<1x768x768xf32, #tpu.memory_space<any>>
          %dma_start3A_108 = tpu.memref_squeeze %dma_start3A_107 : memref<1x768x768xf32, #tpu.memory_space<any>> -> memref<768x768xf32, #tpu.memory_space<any>>
          tpu.enqueue_dma source(%dma_start3A_108 : memref<768x768xf32, #tpu.memory_space<any>>) target(%dma_start3A_104 : memref<768x768xf32, #tpu.memory_space<vmem>>) target_semaphore(%dma_start3A_100 : memref<!tpu.dma_semaphore, #tpu.memory_space<semaphore_mem>>)
          %dma_start3A_109 = tpu.memref_slice %arg14[%rem3A_90] : memref<4x!tpu.dma_semaphore, #tpu.memory_space<semaphore_mem>> -> memref<1x!tpu.dma_semaphore, #tpu.memory_space<semaphore_mem>>
          %dma_start3A_110 = tpu.memref_squeeze %dma_start3A_109 : memref<1x!tpu.dma_semaphore, #tpu.memory_space<semaphore_mem>> -> memref<!tpu.dma_semaphore, #tpu.memory_space<semaphore_mem>>
          %dma_start3A_111 = arith.constant 0 : i32
          %dma_start3A_112 = arith.constant 0 : i32
          %dma_start3A_113 = tpu.memref_slice %arg12[%rem3A_90, %dma_start3A_111, %dma_start3A_112] : memref<4x768x384xf32, #tpu.memory_space<vmem>> -> memref<1x768x384xf32, #tpu.memory_space<vmem>>
          %dma_start3A_114 = tpu.memref_squeeze %dma_start3A_113 : memref<1x768x384xf32, #tpu.memory_space<vmem>> -> memref<768x384xf32, #tpu.memory_space<vmem>>
          %dma_start3A_115 = arith.constant 0 : i32
          %dma_start3A_116 = arith.constant 0 : i32
          %dma_start3A_117 = tpu.memref_slice %arg9[%get3A_88, %dma_start3A_115, %dma_start3A_116] : memref<16x768x384xf32, #tpu.memory_space<any>> -> memref<1x768x384xf32, #tpu.memory_space<any>>
          %dma_start3A_118 = tpu.memref_squeeze %dma_start3A_117 : memref<1x768x384xf32, #tpu.memory_space<any>> -> memref<768x384xf32, #tpu.memory_space<any>>
          tpu.enqueue_dma source(%dma_start3A_118 : memref<768x384xf32, #tpu.memory_space<any>>) target(%dma_start3A_114 : memref<768x384xf32, #tpu.memory_space<vmem>>) target_semaphore(%dma_start3A_110 : memref<!tpu.dma_semaphore, #tpu.memory_space<semaphore_mem>>)
        } else {
        }
      } else {
      }
      %get3A_19 = arith.index_cast %rem3A_9 : i32 to index
      %get3A_20 = arith.constant 0 : index
      %get3A_21 = arith.constant 0 : index
      %get3A_22 = vector.load %arg11[%get3A_19, %get3A_20, %get3A_21] : memref<4x768x768xf32, #tpu.memory_space<vmem>>, vector<1x768x768xf32>
      %squeeze3A = vector.shape_cast %get3A_22 : vector<1x768x768xf32> to vector<768x768xf32>
      %get3A_23 = arith.index_cast %rem3A_9 : i32 to index
      %get3A_24 = arith.constant 0 : index
      %get3A_25 = arith.constant 0 : index
      %get3A_26 = vector.load %arg12[%get3A_23, %get3A_24, %get3A_25] : memref<4x768x384xf32, #tpu.memory_space<vmem>>, vector<1x768x384xf32>
      %squeeze3A_27 = vector.shape_cast %get3A_26 : vector<1x768x384xf32> to vector<768x384xf32>
      %get3A_28 = arith.constant 0 : index
      %get3A_29 = arith.constant 0 : index
      %get3A_30 = vector.load %arg7[%get3A_28, %get3A_29] : memref<128x384xi32, #tpu.memory_space<vmem>>, vector<128x384xi32>
      %shift_left3A = arith.constant 16 : i32
      %shift_left3A_31 = vector.broadcast %shift_left3A : i32 to vector<128x384xi32>
      %shift_left3A_32 = arith.shli %get3A_30, %shift_left3A_31 : vector<128x384xi32>
      %bitcast_convert_type3A = tpu.bitcast %shift_left3A_32 : vector<128x384xi32> -> vector<128x384xf32>
      %and3A = arith.constant -65536 : i32
      %and3A_33 = vector.broadcast %and3A : i32 to vector<128x384xi32>
      %and3A_34 = arith.andi %get3A_30, %and3A_33 : vector<128x384xi32>
      %bitcast_convert_type3A_35 = tpu.bitcast %and3A_34 : vector<128x384xi32> -> vector<128x384xf32>
      %concatenate3A = tpu.concatenate %bitcast_convert_type3A, %bitcast_convert_type3A_35 in 1 : vector<128x384xf32>, vector<128x384xf32> -> vector<128x768xf32>
      %dot_general3A = arith.constant dense<0.000000e+00> : vector<128x768xf32>
      %dot_general3A_36 = tpu.matmul %concatenate3A, %squeeze3A, %dot_general3A {dimension_numbers = #tpu.dot_dimension_numbers<[1], [1], [0], [0], [0, 0, 1, 0], [], []>, transpose_lhs_hint = false} : vector<128x768xf32>, vector<768x768xf32>, vector<128x768xf32> -> vector<128x768xf32>
      %slice3A = vector.extract_strided_slice %dot_general3A_36 {offsets = [0, 0], sizes = [128, 384], strides = [1, 1]} : vector<128x768xf32> to vector<128x384xf32>
      %slice3A_37 = vector.extract_strided_slice %dot_general3A_36 {offsets = [0, 384], sizes = [128, 384], strides = [1, 1]} : vector<128x768xf32> to vector<128x384xf32>
      %neg3A = arith.constant 0.000000e+00 : f32
      %neg3A_38 = vector.broadcast %neg3A : f32 to vector<128x384xf32>
      %neg3A_39 = arith.subf %neg3A_38, %slice3A : vector<128x384xf32>
      %exp3A = math.exp %neg3A_39 : vector<128x384xf32>
      %add3A = arith.constant 1.000000e+00 : f32
      %add3A_40 = vector.broadcast %add3A : f32 to vector<128x384xf32>
      %add3A_41 = arith.addf %add3A_40, %exp3A : vector<128x384xf32>
      %div3A = arith.divf %slice3A, %add3A_41 : vector<128x384xf32>
      %mul3A = arith.mulf %div3A, %slice3A_37 : vector<128x384xf32>
      %dot_general3A_42 = arith.constant dense<0.000000e+00> : vector<128x768xf32>
      %dot_general3A_43 = tpu.matmul %mul3A, %squeeze3A_27, %dot_general3A_42 {dimension_numbers = #tpu.dot_dimension_numbers<[1], [1], [0], [0], [0, 0, 1, 0], [], []>, transpose_lhs_hint = false} : vector<128x384xf32>, vector<768x384xf32>, vector<128x768xf32> -> vector<128x768xf32>
      %bitcast_convert_type3A_44 = tpu.bitcast %dot_general3A_43 : vector<128x768xf32> -> vector<128x768xi32>
      %add3A_45 = arith.constant 32767 : i32
      %add3A_46 = vector.broadcast %add3A_45 : i32 to vector<128x768xi32>
      %add3A_47 = arith.addi %bitcast_convert_type3A_44, %add3A_46 : vector<128x768xi32>
      %shift_right_logical3A = arith.constant 16 : i32
      %shift_right_logical3A_48 = vector.broadcast %shift_right_logical3A : i32 to vector<128x768xi32>
      %shift_right_logical3A_49 = arith.shrui %bitcast_convert_type3A_44, %shift_right_logical3A_48 : vector<128x768xi32>
      %and3A_50 = arith.constant 1 : i32
      %and3A_51 = vector.broadcast %and3A_50 : i32 to vector<128x768xi32>
      %and3A_52 = arith.andi %shift_right_logical3A_49, %and3A_51 : vector<128x768xi32>
      %add3A_53 = arith.addi %add3A_47, %and3A_52 : vector<128x768xi32>
      %shift_right_logical3A_54 = arith.constant 16 : i32
      %shift_right_logical3A_55 = vector.broadcast %shift_right_logical3A_54 : i32 to vector<128x768xi32>
      %shift_right_logical3A_56 = arith.shrui %add3A_53, %shift_right_logical3A_55 : vector<128x768xi32>
      %slice3A_57 = vector.extract_strided_slice %shift_right_logical3A_56 {offsets = [0, 0], sizes = [128, 384], strides = [1, 1]} : vector<128x768xi32> to vector<128x384xi32>
      %slice3A_58 = vector.extract_strided_slice %shift_right_logical3A_56 {offsets = [0, 384], sizes = [128, 384], strides = [1, 1]} : vector<128x768xi32> to vector<128x384xi32>
      %shift_left3A_59 = arith.constant 16 : i32
      %shift_left3A_60 = vector.broadcast %shift_left3A_59 : i32 to vector<128x384xi32>
      %shift_left3A_61 = arith.shli %slice3A_58, %shift_left3A_60 : vector<128x384xi32>
      %or3A = arith.ori %slice3A_57, %shift_left3A_61 : vector<128x384xi32>
      %swap3A = arith.constant 0 : index
      %swap3A_62 = arith.constant 0 : index
      %swap3A_63 = vector.load %arg10[%swap3A, %swap3A_62] : memref<128x384xi32, #tpu.memory_space<vmem>>, vector<128x384xi32>
      tpu.vector_store %arg10[%swap3A, %swap3A_62], %or3A {strides = array<i32>} : memref<128x384xi32, #tpu.memory_space<vmem>>, vector<128x384xi32>,
    } else {
    }
    return
  }
  func.func @transform_0(%arg0: i32, %arg1: memref<48xi32, #tpu.memory_space<smem>>, %arg2: memref<48xi32, #tpu.memory_space<smem>>, %arg3: memref<48xi32, #tpu.memory_space<smem>>, %arg4: memref<48xi32, #tpu.memory_space<smem>>, %arg5: memref<16xi32, #tpu.memory_space<smem>>, %arg6: memref<16xi32, #tpu.memory_space<smem>>) -> (i32, i32) {
    %get3A = arith.index_cast %arg0 : i32 to index
    %get3A_0 = memref.load %arg2[%get3A] : memref<48xi32, #tpu.memory_space<smem>>
    %c0_i32 = arith.constant 0 : i32
    %c0_i32_1 = arith.constant 0 : i32
    return %get3A_0, %c0_i32 : i32, i32
  }
  func.func @transform_3(%arg0: i32, %arg1: memref<48xi32, #tpu.memory_space<smem>>, %arg2: memref<48xi32, #tpu.memory_space<smem>>, %arg3: memref<48xi32, #tpu.memory_space<smem>>, %arg4: memref<48xi32, #tpu.memory_space<smem>>, %arg5: memref<16xi32, #tpu.memory_space<smem>>, %arg6: memref<16xi32, #tpu.memory_space<smem>>) -> (i32, i32) {
    %get3A = arith.index_cast %arg0 : i32 to index
    %get3A_0 = memref.load %arg2[%get3A] : memref<48xi32, #tpu.memory_space<smem>>
    %c0_i32 = arith.constant 0 : i32
    %c0_i32_1 = arith.constant 0 : i32
    return %get3A_0, %c0_i32 : i32, i32
  }
}

</mosaic_0001>

<sc_bundles>
// kernel: kernel.6.cloned.1.call-start
scs
__scs_entry_jumppad:
0x0: {  	(pc) =	sbr.rel $0x88, $3  }
0x1: {  	(tag) =	ssettag $0x0;
	lr =	simm.s32 $0x1  }
0x2: {  	[smem:$0x3F9D] =	sst lr;
	_ =	strace $0xD0000000  }
0x3: {  	_ = 	snop  }
0x4: {  	_ = 	snop  }
0x5: {  	_ = 	snop  }
0x6: {  	_ = 	snop  }
0x7: {  	_ = 	snop  }
__scs_overlays_trampoline_lowered:
0x8: {  	[smem:$0x3FAC] =	sst s0  }
0x9: {  	[smem:$0x3FAD] =	sst s1  }
0xa: {  	[smem:$0x3FAE] =	sst s2  }
0xb: {  	[smem:$0x3FAF] =	sst s3  }
0xc: {  	[smem:$0x3FB0] =	sst s4  }
0xd: {  	[smem:$0x3FB1] =	sst s5  }
0xe: {  	[smem:$0x3FB2] =	sst s6  }
0xf: {  	[smem:$0x3FB3] =	sst s7  }
0x10: {  	[smem:$0x3FB4] =	sst s8  }
0x11: {  	[smem:$0x3FB5] =	sst s9;
	s0 =	simm.s32 @!p0 $0x0  }
0x12: {  	s1 =	sld [smem:$0x3F9B];
	s0 =	simm.s32 @p0 $0x1  }
0x13: {  	[smem:$0x3FB6] =	sst s0;
	s0 =	simm.s32 @!p1 $0x0  }
0x14: {  	s2 =	sld [smem:$0x3F9A];
	s0 =	simm.s32 @p1 $0x1  }
0x15: {  	[smem:$0x3FB7] =	sst s0;
	s0 =	simm.s32 @!p2 $0x0  }
0x16: {  	s3 =	sld [smem:$0x3FDB];
	s0 =	simm.s32 @p2 $0x1  }
0x17: {  	s4 =	simm.s32 $0x1BF5;
	[smem:$0x3FB9] =	sst s0  }
0x18: {  	s0 =	sld [smem:$0x3F9C];
	_ =	swait.ge [sflag:s4], $0x0  }
0x19: {  	s7 =	sld [smem:$0x3F9D]  }
0x1a: {  	s8 =	sadd.s32 $0xFFFFE003, lr  }
0x1b: {  	s9 =	sadd.s32 $0xFFFFFEF7, lr;
	s5 =	simm.s32 $0xFFFFFFFF;
	p2 =	slt.u32 s8, $0xFFFFF086  }
0x1c: {  	p1 =	slt.u32 s9, $0xF7A;
	s5 =	simm.s32 @!p2 $0x0  }
0x1d: {  	s5 =	simm.s32 @p1 $0x1;
	p0 =	seq.s32 s7, s2  }
0x1e: {  	s7 =	smul.u32 @!p0 $0xF7A, s2;
	p2 =	seq.s32 @!p0 s5, $0x0  }
0x1f: {  	s9 =	smul.u32 $0xF7A, s1;
	s8 =	simm.s32 @!p0 $0x1BF5;
	p2 =	por !p2, p0  }
0x20: {  	[sflag:s8] =	ssyncset.s32 @!p0 $0xFFFFF086;
	s6 =	sadd.s32 @!p0 s3, s7;
	s7 =	simm.s32 @!p0 $0x108  }
0x21: {  	s3 =	sadd.s32 s3, s9;
	s6 =	sadd.s32 @!p0 $0x88, s6;
	s7 =	simm.s32 @p2 $0x1082  }
0x22: {  	[simem:s7], [sflag:s8] =	dma.local @!p0 [hbm:s6], $0xF7A  }
0x23: {  	s9 =	sor.u32 $0xD0000000, s2;
	s6 =	simm.s32 $0x108;
	_ =	swait.ge @!p0 [sflag:s8], $0x0  }
0x24: {  	s3 =	sadd.s32 $0x88, s3;
	s6 =	simm.s32 @!p1 $0x1082;
	[sflag:s4] =	ssyncset.s32 $0xFFFFF086  }
0x25: {  	[simem:s6], [sflag:s4] =	dma.local [hbm:s3], $0xF7A  }
0x26: {  	[smem:$0x3F9D] =	sst s1;
	(tag) =	ssettag s2;
	_ =	strace s9  }
0x27: {  	s1 =	sld [smem:$0x3FAD]  }
0x28: {  	s2 =	sld [smem:$0x3FAE]  }
0x29: {  	s4 =	sld [smem:$0x3FB0]  }
0x2a: {  	p0 =	seq.s32 s5, $0x0;
	s5 =	sld [smem:$0x3FB1]  }
0x2b: {  	s6 =	sld [smem:$0x3FB2]  }
0x2c: {  	s7 =	sld [smem:$0x3FB3]  }
0x2d: {  	s3 =	simm.s32 $0x108;
	s8 =	sld [smem:$0x3FB4]  }
0x2e: {  	s3 =	simm.s32 @!p0 $0x1082;
	s9 =	sld [smem:$0x3FB5]  }
0x2f: {  	lr =	sadd.s32 s0, s3;
	s0 =	sld [smem:$0x3FAC]  }
0x30: {  	s3 =	sld [smem:$0x3FAF]  }
0x31: {  	[smem:$0x3FB8] =	sst s10  }
0x32: {  	s10 =	sld [smem:$0x3FB6];
	_ =	sdelay $0x3  }
0x33: {  	p0 =	seq.s32 s10, $0x1;
	s10 =	sld [smem:$0x3FB8];
	_ =	sdelay $0x3  }
0x34: {  	[smem:$0x3FB8] =	sst s10  }
0x35: {  	s10 =	sld [smem:$0x3FB7];
	_ =	sdelay $0x3  }
0x36: {  	p1 =	seq.s32 s10, $0x1;
	s10 =	sld [smem:$0x3FB8];
	_ =	sdelay $0x3  }
0x37: {  	[smem:$0x3FB8] =	sst s10  }
0x38: {  	s10 =	sld [smem:$0x3FB9]  }
0x39: {  	_ = 	snop;
	(pc) =	sbr.ind lr, $3  }
0x3a: {  	_ = 	snop  }
0x3b: {  	_ = 	snop  }
0x3c: {  	p2 =	seq.s32 s10, $0x1;
	s10 =	sld [smem:$0x3FB8]  }
0x3d: {  	_ =	shalt  }
0x3e: {  	_ =	shalt  }
0x3f: {  	_ =	shalt  }
0x40: {  	_ =	shalt  }
0x41: {  	_ =	shalt  }
0x42: {  	_ =	shalt  }
0x43: {  	_ =	shalt  }
0x44: {  	_ =	shalt  }
0x45: {  	_ =	shalt  }
0x46: {  	_ =	shalt  }
0x47: {  	_ =	shalt  }
0x48: {  	_ =	shalt  }
0x49: {  	_ =	shalt  }
0x4a: {  	_ =	shalt  }
0x4b: {  	_ =	shalt  }
0x4c: {  	_ =	shalt  }
0x4d: {  	_ =	shalt  }
0x4e: {  	_ =	shalt  }
0x4f: {  	_ =	shalt  }
0x50: {  	_ =	shalt  }
0x51: {  	_ =	shalt  }
0x52: {  	_ =	shalt  }
0x53: {  	_ =	shalt  }
0x54: {  	_ =	shalt  }
0x55: {  	_ =	shalt  }
0x56: {  	_ =	shalt  }
0x57: {  	_ =	shalt  }
0x58: {  	_ =	shalt  }
0x59: {  	_ =	shalt  }
0x5a: {  	_ =	shalt  }
0x5b: {  	_ =	shalt  }
0x5c: {  	_ =	shalt  }
0x5d: {  	_ =	shalt  }
0x5e: {  	_ =	shalt  }
0x5f: {  	_ =	shalt  }
0x60: {  	_ =	shalt  }
0x61: {  	_ =	shalt  }
0x62: {  	_ =	shalt  }
0x63: {  	_ =	shalt  }
0x64: {  	_ =	shalt  }
0x65: {  	_ =	shalt  }
0x66: {  	_ =	shalt  }
0x67: {  	_ =	shalt  }
0x68: {  	_ =	shalt  }
0x69: {  	_ =	shalt  }
0x6a: {  	_ =	shalt  }
0x6b: {  	_ =	shalt  }
0x6c: {  	_ =	shalt  }
0x6d: {  	_ =	shalt  }
0x6e: {  	_ =	shalt  }
0x6f: {  	_ =	shalt  }
0x70: {  	_ =	shalt  }
0x71: {  	_ =	shalt  }
0x72: {  	_ =	shalt  }
0x73: {  	_ =	shalt  }
0x74: {  	_ =	shalt  }
0x75: {  	_ =	shalt  }
0x76: {  	_ =	shalt  }
0x77: {  	_ =	shalt  }
0x78: {  	_ =	shalt  }
0x79: {  	_ =	shalt  }
0x7a: {  	_ =	shalt  }
0x7b: {  	_ =	shalt  }
0x7c: {  	_ =	shalt  }
0x7d: {  	_ =	shalt  }
0x7e: {  	_ =	shalt  }
0x7f: {  	_ =	shalt  }
0x80: {  	_ =	shalt  }
0x81: {  	_ =	shalt  }
0x82: {  	_ =	shalt  }
0x83: {  	_ =	shalt  }
0x84: {  	_ =	shalt  }
0x85: {  	_ =	shalt  }
0x86: {  	_ =	shalt  }
0x87: {  	_ =	shalt  }
.Lfunc_end0:
.L_simem_size_0:
called_computation_lowered:
.L_overlay_start_0:
0x88: {  	s2 =	sld [smem:$0x3FD9]  }
0x89: {  	s3 =	sld [smem:$0x3FFE];
	_ =	sdelay $0x1  }
0x8a: {  	s1 =	srdreg.scid  }
0x8b: {  	s0 =	sand.u32 $0x1, s1  }
0x8c: {  	s17 =	sshll.u32 s0, $0xA;
	s2 =	sadd.s32 s3, s2  }
0x8d: {  	s2 =	sadd.s32 s2, s17  }
0x8e: {  	[smem:$0x3FC4] =	sst s2  }
0x8f: {  	_ = 	snop  }
0x90: {  	s2 =	sld [smem:$0x3FD0];
	(tm) =	ssettm $0x1  }
0x91: {  	s18 =	sld [smem:$0x3FFB];
	_ =	sdelay $0x3  }
0x92: {  	_ =	strace s18  }
0x93: {  	s3 =	sld [smem:$0x3FFC];
	_ =	sdelay $0x3  }
0x94: {  	_ =	strace s3  }
0x95: {  	s3 =	sld [smem:$0x3FFD];
	_ =	sdelay $0x3  }
0x96: {  	_ =	strace s3  }
0x97: {  	_ =	strace $0x8FFFFFFF  }
0x98: {  	s19 =	sld [smem:$0x3FDB];
	_ =	sdelay $0x1  }
0x99: {  	s4 =	simm.s32 $_scs_section_size  }
0x9a: {  	s5 =	simm.s32 $_size__tile_overlayer_lowered;
	s6 =	simm.s32 $_tile_overlayer_lowered  }
0x9b: {  	s22 =	simm.s32 $0x1BFF;
	s21 =	sshll.u32 s6, $0x1;
	s3 =	sadd.s32 s4, s19  }
0x9c: {  	s7 =	simm.s32 $0x0;
	s20 =	sshll.u32 s5, $0x1;
	s5 =	sadd.s32 s21, s3  }
0x9d: {  	[timem:s7], [sflag:s22] =	dma.local [hbm:s5], s20  }
0x9e: {  	_ =	swait.ge [sflag:s22], s20  }
0x9f: {  	s4 =	ssub.s32 $0x0, s20;
	[sflag:s22] =	ssyncset.done $0x0  }
0xa0: {  	[sflag:s22] =	ssyncadd.s32 s4;
	_ =	sdelay $0x1  }
0xa1: {  	s23 =	simm.s32 $0x1B8B  }
0xa2: {  	_ =	swait.ge [sflag:s23], $0x1  }
0xa3: {  	[sflag:s23] =	ssyncset.done $0x0  }
0xa4: {  	s25 =	simm.s32 $0x1B8E;
	s24 =	sld [smem:$0x3FFE];
	[sflag:s23] =	ssyncadd.s32 $0xFFFFFFFF  }
0xa5: {  	s26 =	simm.s32 $execute0_lowered;
	[smem:$0x3FD2] =	sst s25  }
0xa6: {  	s5 =	sshll.u32 s26, $0x1;
	_ =	strace $0x80000046;
	[dreg:$0x1] =	wrdreg $0xFFFFFFFF  }
0xa7: {  	s28 =	simm.s32 $_size_execute0_lowered;
	s3 =	sadd.s32 s3, s5;
	[dreg:$0x0] =	wrdreg $0x0  }
0xa8: {  	s5 =	sshll.u32 s28, $0x1;
	[dreg:$0x2] =	wrdreg s3  }
0xa9: {  	[dreg:$0x3] =	wrdreg s5  }
0xaa: {  	[dreg:$0x4] =	wrdreg $0xC0  }
0xab: {  	_ =	task [dreg:s7], $0x5FFFF  }
0xac: {  	[dreg:$0x1] =	wrdreg $0xFFFFFFFF  }
0xad: {  	[dreg:$0x0] =	wrdreg $0x60  }
0xae: {  	[dreg:$0x2] =	wrdreg s2  }
0xaf: {  	[dreg:$0x3] =	wrdreg s24  }
0xb0: {  	[dreg:$0x4] =	wrdreg $0x9  }
0xb1: {  	_ =	task.clear_ibuf [dreg:s7], $0x5FFFF;
	_ =	strace $0x90000046  }
0xb2: {  	s29 =	simm.s32 $0x9;
	_ =	strace $0x80000048  }
0xb3: {  	_ =	swait.ge [sflag:s29], $0x1  }
0xb4: {  	[sflag:s29] =	ssyncadd.s32 $0xFFFFFFFF  }
0xb5: {  	_ =	strace $0x90000048  }
0xb6: {  	_ =	sfence  }
0xb7: {  	s30 =	sld [smem:$0x0];
	_ =	sdelay $0x2  }
0xb8: {  	s31 =	sshll.u32 s1, $0xD;
	s1 =	sshrl.u32 s1, $0x2  }
0xb9: {  	s3 =	sand.u32 $0x4000, s31;
	s1 =	sadd.s32 s1, s30  }
0xba: {  	s0 =	sor.u32 s3, s0;
	s1 =	sshll.u32 s1, $0x11  }
0xbb: {  	s0 =	sor.u32 s1, s0  }
0xbc: {  	s0 =	sadd.s32 $0x8F2B, s0  }
0xbd: {  	[sflag:s0] =	ssyncadd.remote.s32 $0x1  }
0xbe: {  	_ =	sfence.sel $0xFFFF  }
0xbf: {  	[dreg:$0x0] =	wrdreg $0xFFFFFFFF;
	(pc) =	sbr.abs _section_cstart, $3  }
0xc0: {  	[dreg:$0x1] =	wrdreg $0xFFFFFFFF  }
0xc1: {  	_ =	task.clear_ibuf [dreg:s7], $0x2FFFF;
	_ =	strace $0x9FFFFFFF  }
0xc2: {  	(tm) =	ssettm $0x7FFFFFFF  }
0xc3: {  	_ =	shalt  }
tec
execute0_lowered:
.L_overlay_start_1:
0x0: {  	(tag) =	ssettag $0x1  }
0x1: {  	s1 =	srdreg.scid  }
0x2: {  	s4 =	rddreg [dreg:$0x0];
	s0 =	stileid.u32  }
0x3: {  	s6 =	rddreg [dreg:$0x1];
	s2 =	simm.s32 $0x0;
	s10 =	simm.s32 $0x800  }
0x4: {  	s11 =	simm.s32 $0xC00;
	s12 =	simm.s32 $0x1400;
	s13 =	simm.s32 $0x1800  }
0x5: {  	s14 =	simm.s32 $0x2000;
	s15 =	simm.s32 $0x2400;
	s16 =	simm.s32 $0x2C00  }
0x6: {  	s17 =	simm.s32 $0x3000;
	s18 =	simm.s32 $0x3800;
	s19 =	simm.s32 $0x3C00  }
0x7: {  	s20 =	simm.s32 $0x4400;
	s21 =	simm.s32 $0x4800;
	s22 =	simm.s32 $0x5000  }
0x8: {  	s23 =	simm.s32 $0x5400;
	s24 =	simm.s32 $0x5C00;
	s25 =	simm.s32 $0x1  }
0x9: {  	s26 =	simm.s32 $0x2;
	s3 =	sand.u32 $0x1, s1;
	s1 =	rddreg [dreg:$0x2]  }
0xa: {  	v10 =	vlaneseq.u32;
	s5 =	sshll.u32 s0, $0x7;
	[smem:$0x7FF] =	sst s2;
	s7 =	sshll.u32 s3, $0x6  }
0xb: {  	vm0 =	vmmov $0xffff;
	v0 =	vmul.u32 $0x80, v10;
	_ =	strace $0x80000047;
	s8 =	ssub.s32 $0x2, s3;
	s5 =	sor.u32 s7, s5  }
0xc: {  	vm1 =	vmmov $0xff;
	v8 =	vand.u32 $0x7, v10;
	v9 =	vshrl.u32 v10, $0x3;
	s3 =	sadd.s32 $0x10000, s6;
	s9 =	sshrl.u32 s8, $0x1;
	s7 =	sshrl.u32 s5, $0x3  }
0xd: {  	v10 =	vor.u32 $0x8, v10;
	v9 =	vmul.u32 $0x8, v9;
	v1 =	vor.u32 $0x1, v0;
	s5 =	sshll.u32 s5, $0x4;
	s8 =	ssub.s32 s8, s9;
	s7 =	smul.u32 $0x180, s7  }
0xe: {  	v2 =	vor.u32 $0x800, v0;
	v3 =	vor.u32 $0x801, v0;
	v4 =	vor.u32 $0x1000, v0;
	s9 =	simm.s32 $0x6000;
	s5 =	sadd.s32 s6, s5;
	s6 =	sadd.s32 $0x10100, s6  }
0xf: {  	v5 =	vor.u32 $0x1001, v0;
	v6 =	vor.u32 $0x1800, v0;
	v7 =	vor.u32 $0x1801, v0;
	s4 =	sadd.s32 s4, s7;
	s7 =	smax.u32 s8, $0x1;
	s8 =	simm.s32 $0x3  }
.LBB2_1:
0x10: {  	[tilespmem:s2], [sflag:$0x3] =	stream.linear.gather [hbm4b:s4+s2], $0x6000, $0x38;
	[tilespmem:$0x8100] =	vst v63  }
0x11: {  	_ =	swait.ge [sflag:s8], $0x6000  }
0x12: {  	[sflag:s8] =	ssyncset.done $0x0  }
0x13: {  	[sflag:s8] =	ssyncadd.s32 $0xFFFFA000  }
0x14: {  	[tilespmem:s9], [sflag:$0x3] =	stream.linear.gather [hbm4b:s5+s2], $0x2000, $0x38;
	[tilespmem:$0x8100] =	vst v63  }
0x15: {  	_ =	swait.ge [sflag:s8], $0x2000  }
0x16: {  	[sflag:s8] =	ssyncset.done $0x0  }
0x17: {  	[sflag:s8] =	ssyncadd.s32 $0xFFFFE000  }
0x18: {  	v11 =	vld.idx.msk [tilespmem:v0+s9+$0x0], $0xffff;
	_ =	sdelay $0x4  }
0x19: {  	[tilespmem:$0x8000] =	vst v11  }
0x1a: {  	v11 =	vld.idx.msk [tilespmem:v1+s9+$0x0], $0xffff;
	_ =	sdelay $0x4  }
0x1b: {  	[tilespmem:$0x8080] =	vst v11  }
0x1c: {  	v11 =	vld.idx.msk [tilespmem:v2+s9+$0x0], $0xffff;
	_ =	sdelay $0x4  }
0x1d: {  	[tilespmem:$0x8010] =	vst v11  }
0x1e: {  	v11 =	vld.idx.msk [tilespmem:v3+s9+$0x0], $0xffff;
	_ =	sdelay $0x4  }
0x1f: {  	[tilespmem:$0x8090] =	vst v11  }
0x20: {  	v11 =	vld.idx.msk [tilespmem:v4+s9+$0x0], $0xffff;
	_ =	sdelay $0x4  }
0x21: {  	[tilespmem:$0x8020] =	vst v11  }
0x22: {  	v11 =	vld.idx.msk [tilespmem:v5+s9+$0x0], $0xffff;
	_ =	sdelay $0x1  }
0x23: {  	v12 =	vld [tilespmem:$0x8000];
	_ =	sdelay $0x2  }
0x24: {  	[tilespmem:$0x80A0] =	vst v11  }
0x25: {  	v11 =	vld.idx.msk [tilespmem:v6+s9+$0x0], $0xffff  }
0x26: {  	v13 =	vshrl.u32 v12, $0x3  }
0x27: {  	v13 =	vmul.u32 $0x18, v13  }
0x28: {  	v12 =	vand.u32 $0x7, v12  }
0x29: {  	v12 =	vor.u32 v12, v13  }
0x2a: {  	[tilespmem:$0x8030] =	vst v11;
	v11 =	vperm.xlane v12, v8  }
0x2b: {  	v56 =	vld.idx.msk [tilespmem:v7+s9+$0x0], $0xffff  }
0x2c: {  	v11 =	vadd.s32 v9, v11;
	_ =	sdelay $0x1  }
0x2d: {  	v12 =	vperm.xlane v12, v10;
	_ =	sdelay $0x1  }
0x2e: {  	v12 =	vadd.s32 v9, v12;
	[tilespmem:$0x80B0] =	vst v56  }
0x2f: {  	[hbm4b:s3+s2] =	stream.indirect_vreg.scatter [tilespmem:s2], [sflag:$0x1], $0x80, v11, vm0, $0xb8;
	[tilespmem:$0x8100] =	vst v63  }
0x30: {  	_ = 	snop  }
0x31: {  	[hbm4b:s6+s2] =	stream.indirect_vreg.scatter [tilespmem:s10], [sflag:$0x1], $0x80, v11, vm1, $0xb8;
	[tilespmem:$0x8100] =	vst v63  }
0x32: {  	_ = 	snop  }
0x33: {  	[hbm4b:s3+s2] =	stream.indirect_vreg.scatter [tilespmem:s11], [sflag:$0x1], $0x80, v12, vm0, $0xb8;
	[tilespmem:$0x8100] =	vst v63  }
0x34: {  	_ = 	snop  }
0x35: {  	[hbm4b:s6+s2] =	stream.indirect_vreg.scatter [tilespmem:s12], [sflag:$0x1], $0x80, v12, vm1, $0xb8;
	[tilespmem:$0x8100] =	vst v63  }
0x36: {  	v11 =	vld [tilespmem:$0x8010];
	_ =	sdelay $0x4  }
0x37: {  	v57 =	vshrl.u32 v11, $0x3  }
0x38: {  	v12 =	vmul.u32 $0x18, v57  }
0x39: {  	v11 =	vand.u32 $0x7, v11  }
0x3a: {  	v11 =	vor.u32 v11, v12  }
0x3b: {  	v12 =	vperm.xlane v11, v8;
	_ =	sdelay $0x1  }
0x3c: {  	v12 =	vadd.s32 v9, v12;
	_ =	sdelay $0x1  }
0x3d: {  	v11 =	vperm.xlane v11, v10;
	_ =	sdelay $0x1  }
0x3e: {  	v11 =	vadd.s32 v9, v11  }
0x3f: {  	[hbm4b:s3+s2] =	stream.indirect_vreg.scatter [tilespmem:s13], [sflag:$0x1], $0x80, v12, vm0, $0xb8;
	[tilespmem:$0x8100] =	vst v63  }
0x40: {  	_ = 	snop  }
0x41: {  	[hbm4b:s6+s2] =	stream.indirect_vreg.scatter [tilespmem:s14], [sflag:$0x1], $0x80, v12, vm1, $0xb8;
	[tilespmem:$0x8100] =	vst v63  }
0x42: {  	_ = 	snop  }
0x43: {  	[hbm4b:s3+s2] =	stream.indirect_vreg.scatter [tilespmem:s15], [sflag:$0x1], $0x80, v11, vm0, $0xb8;
	[tilespmem:$0x8100] =	vst v63  }
0x44: {  	_ = 	snop  }
0x45: {  	[hbm4b:s6+s2] =	stream.indirect_vreg.scatter [tilespmem:s16], [sflag:$0x1], $0x80, v11, vm1, $0xb8;
	[tilespmem:$0x8100] =	vst v63  }
0x46: {  	v11 =	vld [tilespmem:$0x8020];
	_ =	sdelay $0x4  }
0x47: {  	v58 =	vshrl.u32 v11, $0x3  }
0x48: {  	v12 =	vmul.u32 $0x18, v58  }
0x49: {  	v11 =	vand.u32 $0x7, v11  }
0x4a: {  	v11 =	vor.u32 v11, v12  }
0x4b: {  	v12 =	vperm.xlane v11, v8;
	_ =	sdelay $0x1  }
0x4c: {  	v12 =	vadd.s32 v9, v12;
	_ =	sdelay $0x1  }
0x4d: {  	v11 =	vperm.xlane v11, v10;
	_ =	sdelay $0x1  }
0x4e: {  	v11 =	vadd.s32 v9, v11  }
0x4f: {  	[hbm4b:s3+s2] =	stream.indirect_vreg.scatter [tilespmem:s17], [sflag:$0x1], $0x80, v12, vm0, $0xb8;
	[tilespmem:$0x8100] =	vst v63  }
0x50: {  	_ = 	snop  }
0x51: {  	[hbm4b:s6+s2] =	stream.indirect_vreg.scatter [tilespmem:s18], [sflag:$0x1], $0x80, v12, vm1, $0xb8;
	[tilespmem:$0x8100] =	vst v63  }
0x52: {  	_ = 	snop  }
0x53: {  	[hbm4b:s3+s2] =	stream.indirect_vreg.scatter [tilespmem:s19], [sflag:$0x1], $0x80, v11, vm0, $0xb8;
	[tilespmem:$0x8100] =	vst v63  }
0x54: {  	_ = 	snop  }
0x55: {  	[hbm4b:s6+s2] =	stream.indirect_vreg.scatter [tilespmem:s20], [sflag:$0x1], $0x80, v11, vm1, $0xb8;
	[tilespmem:$0x8100] =	vst v63  }
0x56: {  	v11 =	vld [tilespmem:$0x8030];
	_ =	sdelay $0x4  }
0x57: {  	v59 =	vshrl.u32 v11, $0x3  }
0x58: {  	v12 =	vmul.u32 $0x18, v59  }
0x59: {  	v11 =	vand.u32 $0x7, v11  }
0x5a: {  	v11 =	vor.u32 v11, v12  }
0x5b: {  	v12 =	vperm.xlane v11, v8;
	_ =	sdelay $0x1  }
0x5c: {  	v12 =	vadd.s32 v9, v12;
	_ =	sdelay $0x1  }
0x5d: {  	v11 =	vperm.xlane v11, v10;
	_ =	sdelay $0x1  }
0x5e: {  	v11 =	vadd.s32 v9, v11  }
0x5f: {  	[hbm4b:s3+s2] =	stream.indirect_vreg.scatter [tilespmem:s21], [sflag:$0x1], $0x80, v12, vm0, $0xb8;
	[tilespmem:$0x8100] =	vst v63  }
0x60: {  	_ = 	snop  }
0x61: {  	[hbm4b:s6+s2] =	stream.indirect_vreg.scatter [tilespmem:s22], [sflag:$0x1], $0x80, v12, vm1, $0xb8;
	[tilespmem:$0x8100] =	vst v63  }
0x62: {  	_ = 	snop  }
0x63: {  	[hbm4b:s3+s2] =	stream.indirect_vreg.scatter [tilespmem:s23], [sflag:$0x1], $0x80, v11, vm0, $0xb8;
	[tilespmem:$0x8100] =	vst v63  }
0x64: {  	_ = 	snop  }
0x65: {  	[hbm4b:s6+s2] =	stream.indirect_vreg.scatter [tilespmem:s24], [sflag:$0x1], $0x80, v11, vm1, $0xb8;
	[tilespmem:$0x8100] =	vst v63  }
0x66: {  	v11 =	vld [tilespmem:$0x8080];
	_ =	sdelay $0x4  }
0x67: {  	v60 =	vshrl.u32 v11, $0x3  }
0x68: {  	v12 =	vmul.u32 $0x18, v60  }
0x69: {  	v11 =	vand.u32 $0x7, v11  }
0x6a: {  	v11 =	vor.u32 v11, v12  }
0x6b: {  	v12 =	vperm.xlane v11, v8;
	_ =	sdelay $0x1  }
0x6c: {  	v12 =	vadd.s32 v9, v12;
	_ =	sdelay $0x1  }
0x6d: {  	v11 =	vperm.xlane v11, v10;
	_ =	sdelay $0x1  }
0x6e: {  	v11 =	vadd.s32 v9, v11  }
0x6f: {  	[hbm4b:s3+s2] =	stream.indirect_vreg.scatter [tilespmem:s2], [sflag:$0x2], $0x80, v12, vm0, $0xb8;
	[tilespmem:$0x8100] =	vst v63  }
0x70: {  	_ = 	snop  }
0x71: {  	[hbm4b:s6+s2] =	stream.indirect_vreg.scatter [tilespmem:s10], [sflag:$0x2], $0x80, v12, vm1, $0xb8;
	[tilespmem:$0x8100] =	vst v63  }
0x72: {  	_ = 	snop  }
0x73: {  	[hbm4b:s3+s2] =	stream.indirect_vreg.scatter [tilespmem:s11], [sflag:$0x2], $0x80, v11, vm0, $0xb8;
	[tilespmem:$0x8100] =	vst v63  }
0x74: {  	_ = 	snop  }
0x75: {  	[hbm4b:s6+s2] =	stream.indirect_vreg.scatter [tilespmem:s12], [sflag:$0x2], $0x80, v11, vm1, $0xb8;
	[tilespmem:$0x8100] =	vst v63  }
0x76: {  	v11 =	vld [tilespmem:$0x8090];
	_ =	sdelay $0x4  }
0x77: {  	v61 =	vshrl.u32 v11, $0x3  }
0x78: {  	v12 =	vmul.u32 $0x18, v61  }
0x79: {  	v11 =	vand.u32 $0x7, v11  }
0x7a: {  	v11 =	vor.u32 v11, v12  }
0x7b: {  	v12 =	vperm.xlane v11, v8;
	_ =	sdelay $0x1  }
0x7c: {  	v12 =	vadd.s32 v9, v12;
	_ =	sdelay $0x1  }
0x7d: {  	v11 =	vperm.xlane v11, v10;
	_ =	sdelay $0x1  }
0x7e: {  	v11 =	vadd.s32 v9, v11  }
0x7f: {  	[hbm4b:s3+s2] =	stream.indirect_vreg.scatter [tilespmem:s13], [sflag:$0x2], $0x80, v12, vm0, $0xb8;
	[tilespmem:$0x8100] =	vst v63  }
0x80: {  	_ = 	snop  }
0x81: {  	[hbm4b:s6+s2] =	stream.indirect_vreg.scatter [tilespmem:s14], [sflag:$0x2], $0x80, v12, vm1, $0xb8;
	[tilespmem:$0x8100] =	vst v63  }
0x82: {  	_ = 	snop  }
0x83: {  	[hbm4b:s3+s2] =	stream.indirect_vreg.scatter [tilespmem:s15], [sflag:$0x2], $0x80, v11, vm0, $0xb8;
	[tilespmem:$0x8100] =	vst v63  }
0x84: {  	_ = 	snop  }
0x85: {  	[hbm4b:s6+s2] =	stream.indirect_vreg.scatter [tilespmem:s16], [sflag:$0x2], $0x80, v11, vm1, $0xb8;
	[tilespmem:$0x8100] =	vst v63  }
0x86: {  	v11 =	vld [tilespmem:$0x80A0];
	_ =	sdelay $0x4  }
0x87: {  	v62 =	vshrl.u32 v11, $0x3  }
0x88: {  	v12 =	vmul.u32 $0x18, v62  }
0x89: {  	v11 =	vand.u32 $0x7, v11  }
0x8a: {  	v11 =	vor.u32 v11, v12  }
0x8b: {  	v12 =	vperm.xlane v11, v8;
	_ =	sdelay $0x1  }
0x8c: {  	v12 =	vadd.s32 v9, v12;
	_ =	sdelay $0x1  }
0x8d: {  	v11 =	vperm.xlane v11, v10;
	_ =	sdelay $0x1  }
0x8e: {  	v11 =	vadd.s32 v9, v11  }
0x8f: {  	[hbm4b:s3+s2] =	stream.indirect_vreg.scatter [tilespmem:s17], [sflag:$0x2], $0x80, v12, vm0, $0xb8;
	[tilespmem:$0x8100] =	vst v63  }
0x90: {  	_ = 	snop  }
0x91: {  	[hbm4b:s6+s2] =	stream.indirect_vreg.scatter [tilespmem:s18], [sflag:$0x2], $0x80, v12, vm1, $0xb8;
	[tilespmem:$0x8100] =	vst v63  }
0x92: {  	_ = 	snop  }
0x93: {  	[hbm4b:s3+s2] =	stream.indirect_vreg.scatter [tilespmem:s19], [sflag:$0x2], $0x80, v11, vm0, $0xb8;
	[tilespmem:$0x8100] =	vst v63  }
0x94: {  	_ = 	snop  }
0x95: {  	[hbm4b:s6+s2] =	stream.indirect_vreg.scatter [tilespmem:s20], [sflag:$0x2], $0x80, v11, vm1, $0xb8;
	[tilespmem:$0x8100] =	vst v63  }
0x96: {  	v11 =	vld [tilespmem:$0x80B0];
	_ =	sdelay $0x4  }
0x97: {  	v63 =	vshrl.u32 v11, $0x3  }
0x98: {  	v12 =	vmul.u32 $0x18, v63  }
0x99: {  	v11 =	vand.u32 $0x7, v11  }
0x9a: {  	v11 =	vor.u32 v11, v12  }
0x9b: {  	v12 =	vperm.xlane v11, v8;
	_ =	sdelay $0x1  }
0x9c: {  	v12 =	vadd.s32 v9, v12;
	_ =	sdelay $0x1  }
0x9d: {  	v11 =	vperm.xlane v11, v10;
	_ =	sdelay $0x1  }
0x9e: {  	v11 =	vadd.s32 v9, v11  }
0x9f: {  	[hbm4b:s3+s2] =	stream.indirect_vreg.scatter [tilespmem:s21], [sflag:$0x2], $0x80, v12, vm0, $0xb8;
	[tilespmem:$0x8100] =	vst v63  }
0xa0: {  	_ = 	snop  }
0xa1: {  	[hbm4b:s6+s2] =	stream.indirect_vreg.scatter [tilespmem:s22], [sflag:$0x2], $0x80, v12, vm1, $0xb8;
	[tilespmem:$0x8100] =	vst v63  }
0xa2: {  	_ = 	snop  }
0xa3: {  	[hbm4b:s3+s2] =	stream.indirect_vreg.scatter [tilespmem:s23], [sflag:$0x2], $0x80, v11, vm0, $0xb8;
	[tilespmem:$0x8100] =	vst v63  }
0xa4: {  	_ = 	snop  }
0xa5: {  	[hbm4b:s6+s2] =	stream.indirect_vreg.scatter [tilespmem:s24], [sflag:$0x2], $0x80, v11, vm1, $0xb8;
	[tilespmem:$0x8100] =	vst v63  }
0xa6: {  	p0 =	sne.s32 s7, $0x1;
	_ =	swait.ge [sflag:s25], $0x6000  }
.Ltmp0:
0xa7: {  	[sflag:s25] =	ssyncset.done $0x0;
	(pc) =	sbr.rel @p0 .LBB2_1-.Ltmp0, $4  }
0xa8: {  	[sflag:s25] =	ssyncadd.s32 $0xFFFFA000  }
0xa9: {  	_ =	swait.ge [sflag:s26], $0x6000  }
0xaa: {  	[sflag:s26] =	ssyncset.done $0x0  }
0xab: {  	s7 =	sadd.s32 $0xFFFFFFFF, s7;
	[sflag:s26] =	ssyncadd.s32 $0xFFFFA000  }
0xac: {  	_ =	sfence.sel $0x180000  }
0xad: {  	[bflag:$0x0] =	sbarrier.arrive $0xFFFF  }
0xae: {  	p0 =	sne.s32 s0, $0x0;
	_ =	strace $0x90000047  }
0xaf: {  	s0 =	sadd.s32 @!p0 $0x100000, s1;
	[bflag:$0x2] =	sbarrier.arrive $0xFFFF  }
0xb0: {  	[sflag:s0] =	ssyncadd.tile.s32 @!p0 $0x1;
	_ =	shalt  }
.Lfunc_end2:
_tile_overlayer_lowered:
.L_overlay_start_2:
0xb1: {  	(tag) =	ssettag $0x2  }
0xb2: {  	s0 =	rddreg [dreg:$0x0];
	s2 =	stileid.u32  }
0xb3: {  	s1 =	rddreg [dreg:$0x1];
	p0 =	sne.s32 s2, $0x0  }
0xb4: {  	s3 =	rddreg [dreg:$0x2];
	[bflag:$0x3] =	sbarrier.arrive $0xFFFF;
	s2 =	simm.s32 @!p0 $0x1C03  }
0xb5: {  	[timem:s3], [sflag:s2] =	dma.local @!p0 [hbm:s0], s1  }
0xb6: {  	s0 =	simm.s32 @!p0 $0x3  }
0xb7: {  	_ =	swait.ge @!p0 [sflag:s0], s1  }
0xb8: {  	s1 =	ssub.s32 @!p0 $0x0, s1;
	[sflag:s0] =	ssyncset.done @!p0 $0x0  }
0xb9: {  	[sflag:s0] =	ssyncadd.s32 @!p0 s1  }
0xba: {  	[bflag:$0x3] =	sbarrier.arrive $0xFFFF  }
0xbb: {  	_ =	shalt  }

// kernel: kernel.9.cloned.1.call-start
scs
__scs_entry_jumppad:
0x0: {  	(pc) =	sbr.rel $0x88, $3  }
0x1: {  	(tag) =	ssettag $0x0;
	lr =	simm.s32 $0x1  }
0x2: {  	[smem:$0x3F9D] =	sst lr;
	_ =	strace $0xD0000000  }
0x3: {  	_ = 	snop  }
0x4: {  	_ = 	snop  }
0x5: {  	_ = 	snop  }
0x6: {  	_ = 	snop  }
0x7: {  	_ = 	snop  }
__scs_overlays_trampoline_lowered:
0x8: {  	[smem:$0x3FAC] =	sst s0  }
0x9: {  	[smem:$0x3FAD] =	sst s1  }
0xa: {  	[smem:$0x3FAE] =	sst s2  }
0xb: {  	[smem:$0x3FAF] =	sst s3  }
0xc: {  	[smem:$0x3FB0] =	sst s4  }
0xd: {  	[smem:$0x3FB1] =	sst s5  }
0xe: {  	[smem:$0x3FB2] =	sst s6  }
0xf: {  	[smem:$0x3FB3] =	sst s7  }
0x10: {  	[smem:$0x3FB4] =	sst s8  }
0x11: {  	[smem:$0x3FB5] =	sst s9;
	s0 =	simm.s32 @!p0 $0x0  }
0x12: {  	s1 =	sld [smem:$0x3F9B];
	s0 =	simm.s32 @p0 $0x1  }
0x13: {  	[smem:$0x3FB6] =	sst s0;
	s0 =	simm.s32 @!p1 $0x0  }
0x14: {  	s2 =	sld [smem:$0x3F9A];
	s0 =	simm.s32 @p1 $0x1  }
0x15: {  	[smem:$0x3FB7] =	sst s0;
	s0 =	simm.s32 @!p2 $0x0  }
0x16: {  	s3 =	sld [smem:$0x3FDB];
	s0 =	simm.s32 @p2 $0x1  }
0x17: {  	s4 =	simm.s32 $0x1BF5;
	[smem:$0x3FB9] =	sst s0  }
0x18: {  	s0 =	sld [smem:$0x3F9C];
	_ =	swait.ge [sflag:s4], $0x0  }
0x19: {  	s7 =	sld [smem:$0x3F9D]  }
0x1a: {  	s8 =	sadd.s32 $0xFFFFE003, lr  }
0x1b: {  	s9 =	sadd.s32 $0xFFFFFEF7, lr;
	s5 =	simm.s32 $0xFFFFFFFF;
	p2 =	slt.u32 s8, $0xFFFFF086  }
0x1c: {  	p1 =	slt.u32 s9, $0xF7A;
	s5 =	simm.s32 @!p2 $0x0  }
0x1d: {  	s5 =	simm.s32 @p1 $0x1;
	p0 =	seq.s32 s7, s2  }
0x1e: {  	s7 =	smul.u32 @!p0 $0xF7A, s2;
	p2 =	seq.s32 @!p0 s5, $0x0  }
0x1f: {  	s9 =	smul.u32 $0xF7A, s1;
	s8 =	simm.s32 @!p0 $0x1BF5;
	p2 =	por !p2, p0  }
0x20: {  	[sflag:s8] =	ssyncset.s32 @!p0 $0xFFFFF086;
	s6 =	sadd.s32 @!p0 s3, s7;
	s7 =	simm.s32 @!p0 $0x108  }
0x21: {  	s3 =	sadd.s32 s3, s9;
	s6 =	sadd.s32 @!p0 $0x88, s6;
	s7 =	simm.s32 @p2 $0x1082  }
0x22: {  	[simem:s7], [sflag:s8] =	dma.local @!p0 [hbm:s6], $0xF7A  }
0x23: {  	s9 =	sor.u32 $0xD0000000, s2;
	s6 =	simm.s32 $0x108;
	_ =	swait.ge @!p0 [sflag:s8], $0x0  }
0x24: {  	s3 =	sadd.s32 $0x88, s3;
	s6 =	simm.s32 @!p1 $0x1082;
	[sflag:s4] =	ssyncset.s32 $0xFFFFF086  }
0x25: {  	[simem:s6], [sflag:s4] =	dma.local [hbm:s3], $0xF7A  }
0x26: {  	[smem:$0x3F9D] =	sst s1;
	(tag) =	ssettag s2;
	_ =	strace s9  }
0x27: {  	s1 =	sld [smem:$0x3FAD]  }
0x28: {  	s2 =	sld [smem:$0x3FAE]  }
0x29: {  	s4 =	sld [smem:$0x3FB0]  }
0x2a: {  	p0 =	seq.s32 s5, $0x0;
	s5 =	sld [smem:$0x3FB1]  }
0x2b: {  	s6 =	sld [smem:$0x3FB2]  }
0x2c: {  	s7 =	sld [smem:$0x3FB3]  }
0x2d: {  	s3 =	simm.s32 $0x108;
	s8 =	sld [smem:$0x3FB4]  }
0x2e: {  	s3 =	simm.s32 @!p0 $0x1082;
	s9 =	sld [smem:$0x3FB5]  }
0x2f: {  	lr =	sadd.s32 s0, s3;
	s0 =	sld [smem:$0x3FAC]  }
0x30: {  	s3 =	sld [smem:$0x3FAF]  }
0x31: {  	[smem:$0x3FB8] =	sst s10  }
0x32: {  	s10 =	sld [smem:$0x3FB6];
	_ =	sdelay $0x3  }
0x33: {  	p0 =	seq.s32 s10, $0x1;
	s10 =	sld [smem:$0x3FB8];
	_ =	sdelay $0x3  }
0x34: {  	[smem:$0x3FB8] =	sst s10  }
0x35: {  	s10 =	sld [smem:$0x3FB7];
	_ =	sdelay $0x3  }
0x36: {  	p1 =	seq.s32 s10, $0x1;
	s10 =	sld [smem:$0x3FB8];
	_ =	sdelay $0x3  }
0x37: {  	[smem:$0x3FB8] =	sst s10  }
0x38: {  	s10 =	sld [smem:$0x3FB9]  }
0x39: {  	_ = 	snop;
	(pc) =	sbr.ind lr, $3  }
0x3a: {  	_ = 	snop  }
0x3b: {  	_ = 	snop  }
0x3c: {  	p2 =	seq.s32 s10, $0x1;
	s10 =	sld [smem:$0x3FB8]  }
0x3d: {  	_ =	shalt  }
0x3e: {  	_ =	shalt  }
0x3f: {  	_ =	shalt  }
0x40: {  	_ =	shalt  }
0x41: {  	_ =	shalt  }
0x42: {  	_ =	shalt  }
0x43: {  	_ =	shalt  }
0x44: {  	_ =	shalt  }
0x45: {  	_ =	shalt  }
0x46: {  	_ =	shalt  }
0x47: {  	_ =	shalt  }
0x48: {  	_ =	shalt  }
0x49: {  	_ =	shalt  }
0x4a: {  	_ =	shalt  }
0x4b: {  	_ =	shalt  }
0x4c: {  	_ =	shalt  }
0x4d: {  	_ =	shalt  }
0x4e: {  	_ =	shalt  }
0x4f: {  	_ =	shalt  }
0x50: {  	_ =	shalt  }
0x51: {  	_ =	shalt  }
0x52: {  	_ =	shalt  }
0x53: {  	_ =	shalt  }
0x54: {  	_ =	shalt  }
0x55: {  	_ =	shalt  }
0x56: {  	_ =	shalt  }
0x57: {  	_ =	shalt  }
0x58: {  	_ =	shalt  }
0x59: {  	_ =	shalt  }
0x5a: {  	_ =	shalt  }
0x5b: {  	_ =	shalt  }
0x5c: {  	_ =	shalt  }
0x5d: {  	_ =	shalt  }
0x5e: {  	_ =	shalt  }
0x5f: {  	_ =	shalt  }
0x60: {  	_ =	shalt  }
0x61: {  	_ =	shalt  }
0x62: {  	_ =	shalt  }
0x63: {  	_ =	shalt  }
0x64: {  	_ =	shalt  }
0x65: {  	_ =	shalt  }
0x66: {  	_ =	shalt  }
0x67: {  	_ =	shalt  }
0x68: {  	_ =	shalt  }
0x69: {  	_ =	shalt  }
0x6a: {  	_ =	shalt  }
0x6b: {  	_ =	shalt  }
0x6c: {  	_ =	shalt  }
0x6d: {  	_ =	shalt  }
0x6e: {  	_ =	shalt  }
0x6f: {  	_ =	shalt  }
0x70: {  	_ =	shalt  }
0x71: {  	_ =	shalt  }
0x72: {  	_ =	shalt  }
0x73: {  	_ =	shalt  }
0x74: {  	_ =	shalt  }
0x75: {  	_ =	shalt  }
0x76: {  	_ =	shalt  }
0x77: {  	_ =	shalt  }
0x78: {  	_ =	shalt  }
0x79: {  	_ =	shalt  }
0x7a: {  	_ =	shalt  }
0x7b: {  	_ =	shalt  }
0x7c: {  	_ =	shalt  }
0x7d: {  	_ =	shalt  }
0x7e: {  	_ =	shalt  }
0x7f: {  	_ =	shalt  }
0x80: {  	_ =	shalt  }
0x81: {  	_ =	shalt  }
0x82: {  	_ =	shalt  }
0x83: {  	_ =	shalt  }
0x84: {  	_ =	shalt  }
0x85: {  	_ =	shalt  }
0x86: {  	_ =	shalt  }
0x87: {  	_ =	shalt  }
.Lfunc_end0:
.L_simem_size_0:
called_computation.1_lowered:
.L_overlay_start_0:
0x88: {  	s2 =	sld [smem:$0x3FD9]  }
0x89: {  	s3 =	sld [smem:$0x3FFE];
	_ =	sdelay $0x1  }
0x8a: {  	s1 =	srdreg.scid  }
0x8b: {  	s0 =	sand.u32 $0x1, s1  }
0x8c: {  	s17 =	sshll.u32 s0, $0xA;
	s2 =	sadd.s32 s3, s2  }
0x8d: {  	s2 =	sadd.s32 s2, s17  }
0x8e: {  	[smem:$0x3FC4] =	sst s2  }
0x8f: {  	_ = 	snop  }
0x90: {  	s2 =	sld [smem:$0x3FD0];
	(tm) =	ssettm $0x1  }
0x91: {  	s18 =	sld [smem:$0x3FFB];
	_ =	sdelay $0x3  }
0x92: {  	_ =	strace s18  }
0x93: {  	s3 =	sld [smem:$0x3FFC];
	_ =	sdelay $0x3  }
0x94: {  	_ =	strace s3  }
0x95: {  	s3 =	sld [smem:$0x3FFD];
	_ =	sdelay $0x3  }
0x96: {  	_ =	strace s3  }
0x97: {  	_ =	strace $0x8FFFFFFF  }
0x98: {  	s19 =	sld [smem:$0x3FDB];
	_ =	sdelay $0x1  }
0x99: {  	s4 =	simm.s32 $_scs_section_size  }
0x9a: {  	s5 =	simm.s32 $_size__tile_overlayer_lowered;
	s6 =	simm.s32 $_tile_overlayer_lowered  }
0x9b: {  	s22 =	simm.s32 $0x1BFF;
	s21 =	sshll.u32 s6, $0x1;
	s3 =	sadd.s32 s4, s19  }
0x9c: {  	s7 =	simm.s32 $0x0;
	s20 =	sshll.u32 s5, $0x1;
	s5 =	sadd.s32 s21, s3  }
0x9d: {  	[timem:s7], [sflag:s22] =	dma.local [hbm:s5], s20  }
0x9e: {  	_ =	swait.ge [sflag:s22], s20  }
0x9f: {  	s4 =	ssub.s32 $0x0, s20;
	[sflag:s22] =	ssyncset.done $0x0  }
0xa0: {  	[sflag:s22] =	ssyncadd.s32 s4;
	_ =	sdelay $0x1  }
0xa1: {  	s23 =	simm.s32 $0x1B8B  }
0xa2: {  	_ =	swait.ge [sflag:s23], $0x1  }
0xa3: {  	[sflag:s23] =	ssyncset.done $0x0  }
0xa4: {  	s25 =	simm.s32 $0x1B8E;
	s24 =	sld [smem:$0x3FFE];
	[sflag:s23] =	ssyncadd.s32 $0xFFFFFFFF  }
0xa5: {  	s26 =	simm.s32 $execute0_lowered;
	[smem:$0x3FD2] =	sst s25  }
0xa6: {  	s5 =	sshll.u32 s26, $0x1;
	_ =	strace $0x80000049;
	[dreg:$0x1] =	wrdreg $0xFFFFFFFF  }
0xa7: {  	s28 =	simm.s32 $_size_execute0_lowered;
	s3 =	sadd.s32 s3, s5;
	[dreg:$0x0] =	wrdreg $0x0  }
0xa8: {  	s5 =	sshll.u32 s28, $0x1;
	[dreg:$0x2] =	wrdreg s3  }
0xa9: {  	[dreg:$0x3] =	wrdreg s5  }
0xaa: {  	[dreg:$0x4] =	wrdreg $0xC0  }
0xab: {  	_ =	task [dreg:s7], $0x5FFFF  }
0xac: {  	[dreg:$0x1] =	wrdreg $0xFFFFFFFF  }
0xad: {  	[dreg:$0x0] =	wrdreg $0x60  }
0xae: {  	[dreg:$0x2] =	wrdreg s24  }
0xaf: {  	[dreg:$0x3] =	wrdreg s2  }
0xb0: {  	[dreg:$0x4] =	wrdreg $0x9  }
0xb1: {  	_ =	task.clear_ibuf [dreg:s7], $0x5FFFF;
	_ =	strace $0x90000049  }
0xb2: {  	s29 =	simm.s32 $0x9;
	_ =	strace $0x8000004B  }
0xb3: {  	_ =	swait.ge [sflag:s29], $0x1  }
0xb4: {  	[sflag:s29] =	ssyncadd.s32 $0xFFFFFFFF  }
0xb5: {  	_ =	strace $0x9000004B  }
0xb6: {  	_ =	sfence  }
0xb7: {  	s30 =	sld [smem:$0x0];
	_ =	sdelay $0x2  }
0xb8: {  	s31 =	sshll.u32 s1, $0xD;
	s1 =	sshrl.u32 s1, $0x2  }
0xb9: {  	s3 =	sand.u32 $0x4000, s31;
	s1 =	sadd.s32 s1, s30  }
0xba: {  	s0 =	sor.u32 s3, s0;
	s1 =	sshll.u32 s1, $0x11  }
0xbb: {  	s0 =	sor.u32 s1, s0  }
0xbc: {  	s0 =	sadd.s32 $0x8F2B, s0  }
0xbd: {  	[sflag:s0] =	ssyncadd.remote.s32 $0x1  }
0xbe: {  	_ =	sfence.sel $0xFFFF  }
0xbf: {  	[dreg:$0x0] =	wrdreg $0xFFFFFFFF;
	(pc) =	sbr.abs _section_cstart, $3  }
0xc0: {  	[dreg:$0x1] =	wrdreg $0xFFFFFFFF  }
0xc1: {  	_ =	task.clear_ibuf [dreg:s7], $0x2FFFF;
	_ =	strace $0x9FFFFFFF  }
0xc2: {  	(tm) =	ssettm $0x7FFFFFFF  }
0xc3: {  	_ =	shalt  }
tec
execute0_lowered:
.L_overlay_start_1:
0x0: {  	(tag) =	ssettag $0x1  }
0x1: {  	s0 =	rddreg [dreg:$0x0]  }
0x2: {  	s1 =	rddreg [dreg:$0x1]  }
0x3: {  	s2 =	srdreg.scid;
	s4 =	stileid.u32;
	s9 =	simm.s32 $0x18000  }
0x4: {  	s10 =	simm.s32 $0x3;
	s11 =	simm.s32 $0x1A000;
	s12 =	simm.s32 $0x8400  }
0x5: {  	s13 =	simm.s32 $0x8C00;
	s14 =	simm.s32 $0x9000;
	s15 =	simm.s32 $0x9800  }
0x6: {  	s16 =	simm.s32 $0x9C00;
	s17 =	simm.s32 $0xA400;
	s18 =	simm.s32 $0xA800  }
0x7: {  	s19 =	simm.s32 $0xB000;
	s20 =	simm.s32 $0xB400;
	s21 =	simm.s32 $0xBC00  }
0x8: {  	s22 =	simm.s32 $0x1;
	s23 =	simm.s32 $0x2;
	s24 =	simm.s32 $0xC000  }
0x9: {  	s25 =	simm.s32 $0x0;
	s3 =	sand.u32 $0x1, s2;
	s2 =	simm.s32 $0x0  }
0xa: {  	v10 =	vlaneseq.u32;
	s4 =	sshll.u32 s4, $0x7;
	s5 =	sshll.u32 s3, $0x6;
	[smem:$0x7FF] =	sst s2  }
0xb: {  	vm0 =	vmmov $0xffff;
	v0 =	vmul.u32 $0x80, v10;
	s30 =	ssub.s32 $0x2, s3;
	s3 =	sadd.s32 $0x10000, s0;
	s4 =	sor.u32 s5, s4  }
0xc: {  	vm1 =	vmmov $0xff;
	v8 =	vand.u32 $0x7, v10;
	v9 =	vshrl.u32 v10, $0x3;
	_ =	strace $0x8000004A;
	s6 =	sshrl.u32 s30, $0x1;
	s31 =	sshrl.u32 s4, $0x3  }
0xd: {  	v10 =	vor.u32 $0x8, v10;
	v9 =	vmul.u32 $0x8, v9;
	v1 =	vor.u32 $0x1, v0;
	s4 =	sshll.u32 s4, $0x4;
	s8 =	ssub.s32 s30, s6;
	s7 =	smul.u32 $0x300, s31  }
0xe: {  	v2 =	vor.u32 $0x800, v0;
	v3 =	vor.u32 $0x801, v0;
	v4 =	vor.u32 $0x1000, v0;
	s6 =	sadd.s32 $0x10100, s0;
	s4 =	sadd.s32 s0, s4;
	s8 =	smax.u32 s8, $0x1  }
0xf: {  	v5 =	vor.u32 $0x1001, v0;
	v6 =	vor.u32 $0x1800, v0;
	v7 =	vor.u32 $0x1801, v0;
	s5 =	sadd.s32 $0x8000, s4;
	s7 =	sadd.s32 s1, s7;
	s1 =	simm.s32 $0x8000  }
.LBB2_1:
0x10: {  	[tilespmem:s9], [sflag:$0x3] =	stream.linear.gather [hbm4b:s4+s2], $0x2000, $0x38;
	[tilespmem:$0x1C100] =	vst v63  }
0x11: {  	_ =	swait.ge [sflag:s10], $0x2000  }
0x12: {  	[sflag:s10] =	ssyncset.done $0x0  }
0x13: {  	[sflag:s10] =	ssyncadd.s32 $0xFFFFE000  }
0x14: {  	[tilespmem:s11], [sflag:$0x3] =	stream.linear.gather [hbm4b:s5+s2], $0x2000, $0x38;
	[tilespmem:$0x1C100] =	vst v63  }
0x15: {  	_ =	swait.ge [sflag:s10], $0x2000  }
0x16: {  	[sflag:s10] =	ssyncset.done $0x0  }
0x17: {  	[sflag:s10] =	ssyncadd.s32 $0xFFFFE000  }
0x18: {  	v11 =	vld.idx.msk [tilespmem:v0+s9+$0x0], $0xffff;
	_ =	sdelay $0x4  }
0x19: {  	[tilespmem:$0x1C000] =	vst v11  }
0x1a: {  	v11 =	vld.idx.msk [tilespmem:v1+s9+$0x0], $0xffff;
	_ =	sdelay $0x4  }
0x1b: {  	[tilespmem:$0x1C080] =	vst v11  }
0x1c: {  	v11 =	vld.idx.msk [tilespmem:v2+s9+$0x0], $0xffff;
	_ =	sdelay $0x4  }
0x1d: {  	[tilespmem:$0x1C010] =	vst v11  }
0x1e: {  	v11 =	vld.idx.msk [tilespmem:v3+s9+$0x0], $0xffff;
	_ =	sdelay $0x4  }
0x1f: {  	[tilespmem:$0x1C090] =	vst v11  }
0x20: {  	v11 =	vld.idx.msk [tilespmem:v4+s9+$0x0], $0xffff;
	_ =	sdelay $0x4  }
0x21: {  	[tilespmem:$0x1C020] =	vst v11  }
0x22: {  	v11 =	vld.idx.msk [tilespmem:v5+s9+$0x0], $0xffff;
	_ =	sdelay $0x1  }
0x23: {  	v12 =	vld [tilespmem:$0x1C000];
	_ =	sdelay $0x2  }
0x24: {  	[tilespmem:$0x1C0A0] =	vst v11  }
0x25: {  	v11 =	vld.idx.msk [tilespmem:v6+s9+$0x0], $0xffff  }
0x26: {  	v13 =	vshrl.u32 v12, $0x3  }
0x27: {  	v13 =	vmul.u32 $0x18, v13  }
0x28: {  	v12 =	vand.u32 $0x7, v12  }
0x29: {  	v12 =	vor.u32 v12, v13  }
0x2a: {  	[tilespmem:$0x1C030] =	vst v11;
	v11 =	vperm.xlane v12, v8  }
0x2b: {  	v13 =	vld.idx.msk [tilespmem:v7+s9+$0x0], $0xffff  }
0x2c: {  	v11 =	vadd.s32 v9, v11;
	_ =	sdelay $0x1  }
0x2d: {  	v12 =	vperm.xlane v12, v10;
	_ =	sdelay $0x1  }
0x2e: {  	v12 =	vadd.s32 v9, v12;
	[tilespmem:$0x1C0B0] =	vst v13  }
0x2f: {  	[tilespmem:s2], [sflag:$0x1] =	stream.indirect_vreg.gather [hbm4b:s3+s2], $0x80, v11, vm0, $0xb8;
	[tilespmem:$0x1C100] =	vst v63  }
0x30: {  	s0 =	simm.s32 $0x800  }
0x31: {  	[tilespmem:s0], [sflag:$0x1] =	stream.indirect_vreg.gather [hbm4b:s6+s2], $0x80, v11, vm1, $0xb8;
	[tilespmem:$0x1C100] =	vst v63  }
0x32: {  	s26 =	simm.s32 $0xC00  }
0x33: {  	[tilespmem:s26], [sflag:$0x1] =	stream.indirect_vreg.gather [hbm4b:s3+s2], $0x80, v12, vm0, $0xb8;
	[tilespmem:$0x1C100] =	vst v63  }
0x34: {  	s31 =	simm.s32 $0x1400  }
0x35: {  	[tilespmem:s31], [sflag:$0x1] =	stream.indirect_vreg.gather [hbm4b:s6+s2], $0x80, v12, vm1, $0xb8;
	[tilespmem:$0x1C100] =	vst v63  }
0x36: {  	v11 =	vld [tilespmem:$0x1C010];
	_ =	sdelay $0x4  }
0x37: {  	v12 =	vshrl.u32 v11, $0x3  }
0x38: {  	v12 =	vmul.u32 $0x18, v12  }
0x39: {  	v11 =	vand.u32 $0x7, v11  }
0x3a: {  	v11 =	vor.u32 v11, v12  }
0x3b: {  	v12 =	vperm.xlane v11, v8;
	_ =	sdelay $0x1  }
0x3c: {  	v12 =	vadd.s32 v9, v12;
	_ =	sdelay $0x1  }
0x3d: {  	v11 =	vperm.xlane v11, v10;
	_ =	sdelay $0x1  }
0x3e: {  	s26 =	simm.s32 $0x1800;
	v11 =	vadd.s32 v9, v11  }
0x3f: {  	[tilespmem:s26], [sflag:$0x1] =	stream.indirect_vreg.gather [hbm4b:s3+s2], $0x80, v12, vm0, $0xb8;
	[tilespmem:$0x1C100] =	vst v63  }
0x40: {  	s31 =	simm.s32 $0x2000  }
0x41: {  	[tilespmem:s31], [sflag:$0x1] =	stream.indirect_vreg.gather [hbm4b:s6+s2], $0x80, v12, vm1, $0xb8;
	[tilespmem:$0x1C100] =	vst v63  }
0x42: {  	s26 =	simm.s32 $0x2400  }
0x43: {  	[tilespmem:s26], [sflag:$0x1] =	stream.indirect_vreg.gather [hbm4b:s3+s2], $0x80, v11, vm0, $0xb8;
	[tilespmem:$0x1C100] =	vst v63  }
0x44: {  	s31 =	simm.s32 $0x2C00  }
0x45: {  	[tilespmem:s31], [sflag:$0x1] =	stream.indirect_vreg.gather [hbm4b:s6+s2], $0x80, v11, vm1, $0xb8;
	[tilespmem:$0x1C100] =	vst v63  }
0x46: {  	v11 =	vld [tilespmem:$0x1C020];
	_ =	sdelay $0x4  }
0x47: {  	v12 =	vshrl.u32 v11, $0x3  }
0x48: {  	v12 =	vmul.u32 $0x18, v12  }
0x49: {  	v11 =	vand.u32 $0x7, v11  }
0x4a: {  	v11 =	vor.u32 v11, v12  }
0x4b: {  	v12 =	vperm.xlane v11, v8;
	_ =	sdelay $0x1  }
0x4c: {  	v12 =	vadd.s32 v9, v12;
	_ =	sdelay $0x1  }
0x4d: {  	v11 =	vperm.xlane v11, v10;
	_ =	sdelay $0x1  }
0x4e: {  	s26 =	simm.s32 $0x3000;
	v11 =	vadd.s32 v9, v11  }
0x4f: {  	[tilespmem:s26], [sflag:$0x1] =	stream.indirect_vreg.gather [hbm4b:s3+s2], $0x80, v12, vm0, $0xb8;
	[tilespmem:$0x1C100] =	vst v63  }
0x50: {  	s31 =	simm.s32 $0x3800  }
0x51: {  	[tilespmem:s31], [sflag:$0x1] =	stream.indirect_vreg.gather [hbm4b:s6+s2], $0x80, v12, vm1, $0xb8;
	[tilespmem:$0x1C100] =	vst v63  }
0x52: {  	s26 =	simm.s32 $0x3C00  }
0x53: {  	[tilespmem:s26], [sflag:$0x1] =	stream.indirect_vreg.gather [hbm4b:s3+s2], $0x80, v11, vm0, $0xb8;
	[tilespmem:$0x1C100] =	vst v63  }
0x54: {  	s31 =	simm.s32 $0x4400  }
0x55: {  	[tilespmem:s31], [sflag:$0x1] =	stream.indirect_vreg.gather [hbm4b:s6+s2], $0x80, v11, vm1, $0xb8;
	[tilespmem:$0x1C100] =	vst v63  }
0x56: {  	v11 =	vld [tilespmem:$0x1C030];
	_ =	sdelay $0x4  }
0x57: {  	v12 =	vshrl.u32 v11, $0x3  }
0x58: {  	v12 =	vmul.u32 $0x18, v12  }
0x59: {  	v11 =	vand.u32 $0x7, v11  }
0x5a: {  	v11 =	vor.u32 v11, v12  }
0x5b: {  	v12 =	vperm.xlane v11, v8;
	_ =	sdelay $0x1  }
0x5c: {  	v12 =	vadd.s32 v9, v12;
	_ =	sdelay $0x1  }
0x5d: {  	v11 =	vperm.xlane v11, v10;
	_ =	sdelay $0x1  }
0x5e: {  	s26 =	simm.s32 $0x4800;
	v11 =	vadd.s32 v9, v11  }
0x5f: {  	[tilespmem:s26], [sflag:$0x1] =	stream.indirect_vreg.gather [hbm4b:s3+s2], $0x80, v12, vm0, $0xb8;
	[tilespmem:$0x1C100] =	vst v63  }
0x60: {  	s31 =	simm.s32 $0x5000  }
0x61: {  	[tilespmem:s31], [sflag:$0x1] =	stream.indirect_vreg.gather [hbm4b:s6+s2], $0x80, v12, vm1, $0xb8;
	[tilespmem:$0x1C100] =	vst v63  }
0x62: {  	s26 =	simm.s32 $0x5400  }
0x63: {  	[tilespmem:s26], [sflag:$0x1] =	stream.indirect_vreg.gather [hbm4b:s3+s2], $0x80, v11, vm0, $0xb8;
	[tilespmem:$0x1C100] =	vst v63  }
0x64: {  	s31 =	simm.s32 $0x5C00  }
0x65: {  	[tilespmem:s31], [sflag:$0x1] =	stream.indirect_vreg.gather [hbm4b:s6+s2], $0x80, v11, vm1, $0xb8;
	[tilespmem:$0x1C100] =	vst v63  }
0x66: {  	v11 =	vld [tilespmem:$0x1C080];
	_ =	sdelay $0x4  }
0x67: {  	v12 =	vshrl.u32 v11, $0x3  }
0x68: {  	v12 =	vmul.u32 $0x18, v12  }
0x69: {  	v11 =	vand.u32 $0x7, v11  }
0x6a: {  	v11 =	vor.u32 v11, v12  }
0x6b: {  	v12 =	vperm.xlane v11, v8;
	_ =	sdelay $0x1  }
0x6c: {  	v12 =	vadd.s32 v9, v12;
	_ =	sdelay $0x1  }
0x6d: {  	v11 =	vperm.xlane v11, v10;
	_ =	sdelay $0x1  }
0x6e: {  	s26 =	simm.s32 $0x6000;
	v11 =	vadd.s32 v9, v11  }
0x6f: {  	[tilespmem:s26], [sflag:$0x2] =	stream.indirect_vreg.gather [hbm4b:s3+s2], $0x80, v12, vm0, $0xb8;
	[tilespmem:$0x1C100] =	vst v63  }
0x70: {  	s31 =	simm.s32 $0x6800  }
0x71: {  	[tilespmem:s31], [sflag:$0x2] =	stream.indirect_vreg.gather [hbm4b:s6+s2], $0x80, v12, vm1, $0xb8;
	[tilespmem:$0x1C100] =	vst v63  }
0x72: {  	s26 =	simm.s32 $0x6C00  }
0x73: {  	[tilespmem:s26], [sflag:$0x2] =	stream.indirect_vreg.gather [hbm4b:s3+s2], $0x80, v11, vm0, $0xb8;
	[tilespmem:$0x1C100] =	vst v63  }
0x74: {  	s31 =	simm.s32 $0x7400  }
0x75: {  	[tilespmem:s31], [sflag:$0x2] =	stream.indirect_vreg.gather [hbm4b:s6+s2], $0x80, v11, vm1, $0xb8;
	[tilespmem:$0x1C100] =	vst v63  }
0x76: {  	v11 =	vld [tilespmem:$0x1C090];
	_ =	sdelay $0x4  }
0x77: {  	v12 =	vshrl.u32 v11, $0x3  }
0x78: {  	v12 =	vmul.u32 $0x18, v12  }
0x79: {  	v11 =	vand.u32 $0x7, v11  }
0x7a: {  	v11 =	vor.u32 v11, v12  }
0x7b: {  	v12 =	vperm.xlane v11, v8;
	_ =	sdelay $0x1  }
0x7c: {  	v12 =	vadd.s32 v9, v12;
	_ =	sdelay $0x1  }
0x7d: {  	v11 =	vperm.xlane v11, v10;
	_ =	sdelay $0x1  }
0x7e: {  	s26 =	simm.s32 $0x7800;
	v11 =	vadd.s32 v9, v11  }
0x7f: {  	[tilespmem:s26], [sflag:$0x2] =	stream.indirect_vreg.gather [hbm4b:s3+s2], $0x80, v12, vm0, $0xb8;
	[tilespmem:$0x1C100] =	vst v63  }
0x80: {  	_ = 	snop  }
0x81: {  	[tilespmem:s1], [sflag:$0x2] =	stream.indirect_vreg.gather [hbm4b:s6+s2], $0x80, v12, vm1, $0xb8;
	[tilespmem:$0x1C100] =	vst v63  }
0x82: {  	_ = 	snop  }
0x83: {  	[tilespmem:s12], [sflag:$0x2] =	stream.indirect_vreg.gather [hbm4b:s3+s2], $0x80, v11, vm0, $0xb8;
	[tilespmem:$0x1C100] =	vst v63  }
0x84: {  	_ = 	snop  }
0x85: {  	[tilespmem:s13], [sflag:$0x2] =	stream.indirect_vreg.gather [hbm4b:s6+s2], $0x80, v11, vm1, $0xb8;
	[tilespmem:$0x1C100] =	vst v63  }
0x86: {  	v11 =	vld [tilespmem:$0x1C0A0];
	_ =	sdelay $0x4  }
0x87: {  	v12 =	vshrl.u32 v11, $0x3  }
0x88: {  	v12 =	vmul.u32 $0x18, v12  }
0x89: {  	v11 =	vand.u32 $0x7, v11  }
0x8a: {  	v11 =	vor.u32 v11, v12  }
0x8b: {  	v12 =	vperm.xlane v11, v8;
	_ =	sdelay $0x1  }
0x8c: {  	v12 =	vadd.s32 v9, v12;
	_ =	sdelay $0x1  }
0x8d: {  	v11 =	vperm.xlane v11, v10;
	_ =	sdelay $0x1  }
0x8e: {  	v11 =	vadd.s32 v9, v11  }
0x8f: {  	[tilespmem:s14], [sflag:$0x2] =	stream.indirect_vreg.gather [hbm4b:s3+s2], $0x80, v12, vm0, $0xb8;
	[tilespmem:$0x1C100] =	vst v63  }
0x90: {  	_ = 	snop  }
0x91: {  	[tilespmem:s15], [sflag:$0x2] =	stream.indirect_vreg.gather [hbm4b:s6+s2], $0x80, v12, vm1, $0xb8;
	[tilespmem:$0x1C100] =	vst v63  }
0x92: {  	_ = 	snop  }
0x93: {  	[tilespmem:s16], [sflag:$0x2] =	stream.indirect_vreg.gather [hbm4b:s3+s2], $0x80, v11, vm0, $0xb8;
	[tilespmem:$0x1C100] =	vst v63  }
0x94: {  	_ = 	snop  }
0x95: {  	[tilespmem:s17], [sflag:$0x2] =	stream.indirect_vreg.gather [hbm4b:s6+s2], $0x80, v11, vm1, $0xb8;
	[tilespmem:$0x1C100] =	vst v63  }
0x96: {  	v11 =	vld [tilespmem:$0x1C0B0];
	_ =	sdelay $0x4  }
0x97: {  	v12 =	vshrl.u32 v11, $0x3  }
0x98: {  	v12 =	vmul.u32 $0x18, v12  }
0x99: {  	v11 =	vand.u32 $0x7, v11  }
0x9a: {  	v11 =	vor.u32 v11, v12  }
0x9b: {  	v12 =	vperm.xlane v11, v8;
	_ =	sdelay $0x1  }
0x9c: {  	v12 =	vadd.s32 v9, v12;
	_ =	sdelay $0x1  }
0x9d: {  	v11 =	vperm.xlane v11, v10;
	_ =	sdelay $0x1  }
0x9e: {  	v11 =	vadd.s32 v9, v11  }
0x9f: {  	[tilespmem:s18], [sflag:$0x2] =	stream.indirect_vreg.gather [hbm4b:s3+s2], $0x80, v12, vm0, $0xb8;
	[tilespmem:$0x1C100] =	vst v63  }
0xa0: {  	_ = 	snop  }
0xa1: {  	[tilespmem:s19], [sflag:$0x2] =	stream.indirect_vreg.gather [hbm4b:s6+s2], $0x80, v12, vm1, $0xb8;
	[tilespmem:$0x1C100] =	vst v63  }
0xa2: {  	_ = 	snop  }
0xa3: {  	[tilespmem:s20], [sflag:$0x2] =	stream.indirect_vreg.gather [hbm4b:s3+s2], $0x80, v11, vm0, $0xb8;
	[tilespmem:$0x1C100] =	vst v63  }
0xa4: {  	_ = 	snop  }
0xa5: {  	[tilespmem:s21], [sflag:$0x2] =	stream.indirect_vreg.gather [hbm4b:s6+s2], $0x80, v11, vm1, $0xb8;
	[tilespmem:$0x1C100] =	vst v63  }
0xa6: {  	_ =	swait.ge [sflag:s22], $0x6000  }
0xa7: {  	[sflag:s22] =	ssyncset.done $0x0  }
0xa8: {  	s28 =	simm.s32 $0x0;
	s26 =	simm.s32 $0x0;
	[sflag:s22] =	ssyncadd.s32 $0xFFFFA000  }
0xa9: {  	s31 =	smul.u32 $0xC00, s28;
	v11 =	vmov s26;
	_ =	swait.ge [sflag:s23], $0x6000  }
0xaa: {  	s29 =	sand.u32 $0x380, s2;
	v12 =	vor.u32 $0x1, v11;
	[sflag:s23] =	ssyncset.done $0x0  }
0xab: {  	s26 =	sor.u32 s29, s31;
	[sflag:s23] =	ssyncadd.s32 $0xFFFFA000  }
0xac: {  	v13 =	vld [tilespmem:s26+$0x6000]  }
0xad: {  	v14 =	vld [tilespmem:s26+$0x0]  }
0xae: {  	v11 =	vld.idx.msk [tilespmem:v11+s11+$0x0], $0xffff  }
0xaf: {  	v12 =	vld.idx.msk [tilespmem:v12+s11+$0x0], $0xffff;
	_ =	sdelay $0x3  }
0xb0: {  	v15 =	vshll.u32 v14, $0x10;
	v14 =	vand.u32 $0xFFFF0000, v14;
	v16 =	vshll.u32 v13, $0x10  }
0xb1: {  	s28 =	smul.u32 $0x6000, s28;
	v13 =	vand.u32 $0xFFFF0000, v13;
	v15 =	vmul.f32 v15, v11;
	v16 =	vmul.f32 v16, v12  }
0xb2: {  	v14 =	vmul.f32 v14, v11;
	v13 =	vmul.f32 v13, v12  }
0xb3: {  	s28 =	sshra.s32 s28, $0x2;
	v15 =	vadd.f32 v16, v15  }
0xb4: {  	s28 =	sor.u32 s29, s28;
	v13 =	vadd.f32 v13, v14  }
0xb5: {  	[tilespmem:s28+$0xC000] =	vst v15  }
0xb6: {  	[tilespmem:s28+$0xCC00] =	vst v13  }
0xb7: {  	v13 =	vld [tilespmem:s26+$0x10]  }
0xb8: {  	v14 =	vld [tilespmem:s26+$0x6010];
	_ =	sdelay $0x4  }
0xb9: {  	v15 =	vshll.u32 v13, $0x10;
	v13 =	vand.u32 $0xFFFF0000, v13;
	v45 =	vshll.u32 v14, $0x10  }
0xba: {  	v14 =	vand.u32 $0xFFFF0000, v14;
	v15 =	vmul.f32 v15, v11;
	v16 =	vmul.f32 v45, v12  }
0xbb: {  	v14 =	vmul.f32 v14, v12;
	v13 =	vmul.f32 v13, v11  }
0xbc: {  	v15 =	vadd.f32 v16, v15  }
0xbd: {  	v13 =	vadd.f32 v14, v13  }
0xbe: {  	[tilespmem:s28+$0xC010] =	vst v15  }
0xbf: {  	[tilespmem:s28+$0xCC10] =	vst v13  }
0xc0: {  	v13 =	vld [tilespmem:s26+$0x20]  }
0xc1: {  	v14 =	vld [tilespmem:s26+$0x6020];
	_ =	sdelay $0x4  }
0xc2: {  	v15 =	vshll.u32 v13, $0x10;
	v13 =	vand.u32 $0xFFFF0000, v13;
	v46 =	vshll.u32 v14, $0x10  }
0xc3: {  	v14 =	vand.u32 $0xFFFF0000, v14;
	v16 =	vmul.f32 v46, v12;
	v15 =	vmul.f32 v15, v11  }
0xc4: {  	v13 =	vmul.f32 v13, v11;
	v14 =	vmul.f32 v14, v12  }
0xc5: {  	v15 =	vadd.f32 v16, v15  }
0xc6: {  	v13 =	vadd.f32 v14, v13  }
0xc7: {  	[tilespmem:s28+$0xC020] =	vst v15  }
0xc8: {  	[tilespmem:s28+$0xCC20] =	vst v13  }
0xc9: {  	v13 =	vld [tilespmem:s26+$0x30]  }
0xca: {  	v14 =	vld [tilespmem:s26+$0x6030];
	_ =	sdelay $0x4  }
0xcb: {  	v15 =	vshll.u32 v13, $0x10;
	v13 =	vand.u32 $0xFFFF0000, v13;
	v47 =	vshll.u32 v14, $0x10  }
0xcc: {  	v14 =	vand.u32 $0xFFFF0000, v14;
	v15 =	vmul.f32 v15, v11;
	v16 =	vmul.f32 v47, v12  }
0xcd: {  	v13 =	vmul.f32 v13, v11;
	v14 =	vmul.f32 v14, v12  }
0xce: {  	v15 =	vadd.f32 v16, v15  }
0xcf: {  	v13 =	vadd.f32 v14, v13  }
0xd0: {  	[tilespmem:s28+$0xC030] =	vst v15  }
0xd1: {  	[tilespmem:s28+$0xCC30] =	vst v13  }
0xd2: {  	v13 =	vld [tilespmem:s26+$0x40]  }
0xd3: {  	v14 =	vld [tilespmem:s26+$0x6040];
	_ =	sdelay $0x4  }
0xd4: {  	v15 =	vshll.u32 v13, $0x10;
	v13 =	vand.u32 $0xFFFF0000, v13;
	v48 =	vshll.u32 v14, $0x10  }
0xd5: {  	v14 =	vand.u32 $0xFFFF0000, v14;
	v15 =	vmul.f32 v15, v11;
	v16 =	vmul.f32 v48, v12  }
0xd6: {  	v13 =	vmul.f32 v13, v11;
	v14 =	vmul.f32 v14, v12  }
0xd7: {  	v15 =	vadd.f32 v16, v15  }
0xd8: {  	v13 =	vadd.f32 v14, v13  }
0xd9: {  	[tilespmem:s28+$0xC040] =	vst v15  }
0xda: {  	[tilespmem:s28+$0xCC40] =	vst v13  }
0xdb: {  	v13 =	vld [tilespmem:s26+$0x50]  }
0xdc: {  	v14 =	vld [tilespmem:s26+$0x6050];
	_ =	sdelay $0x4  }
0xdd: {  	v15 =	vshll.u32 v13, $0x10;
	v13 =	vand.u32 $0xFFFF0000, v13;
	v49 =	vshll.u32 v14, $0x10  }
0xde: {  	v14 =	vand.u32 $0xFFFF0000, v14;
	v15 =	vmul.f32 v15, v11;
	v16 =	vmul.f32 v49, v12  }
0xdf: {  	v13 =	vmul.f32 v13, v11;
	v14 =	vmul.f32 v14, v12  }
0xe0: {  	v15 =	vadd.f32 v16, v15  }
0xe1: {  	v13 =	vadd.f32 v14, v13  }
0xe2: {  	[tilespmem:s28+$0xC050] =	vst v15  }
0xe3: {  	[tilespmem:s28+$0xCC50] =	vst v13  }
0xe4: {  	v13 =	vld [tilespmem:s26+$0x60]  }
0xe5: {  	v14 =	vld [tilespmem:s26+$0x6060];
	_ =	sdelay $0x4  }
0xe6: {  	v15 =	vshll.u32 v13, $0x10;
	v13 =	vand.u32 $0xFFFF0000, v13;
	v50 =	vshll.u32 v14, $0x10  }
0xe7: {  	v14 =	vand.u32 $0xFFFF0000, v14;
	v15 =	vmul.f32 v15, v11;
	v16 =	vmul.f32 v50, v12  }
0xe8: {  	v13 =	vmul.f32 v13, v11;
	v14 =	vmul.f32 v14, v12  }
0xe9: {  	v15 =	vadd.f32 v16, v15  }
0xea: {  	v13 =	vadd.f32 v14, v13  }
0xeb: {  	[tilespmem:s28+$0xC060] =	vst v15  }
0xec: {  	[tilespmem:s28+$0xCC60] =	vst v13  }
0xed: {  	v13 =	vld [tilespmem:s26+$0x70]  }
0xee: {  	v14 =	vld [tilespmem:s26+$0x6070];
	_ =	sdelay $0x4  }
0xef: {  	v15 =	vshll.u32 v13, $0x10;
	v13 =	vand.u32 $0xFFFF0000, v13;
	v51 =	vshll.u32 v14, $0x10  }
0xf0: {  	v14 =	vand.u32 $0xFFFF0000, v14;
	v15 =	vmul.f32 v15, v11;
	v16 =	vmul.f32 v51, v12  }
0xf1: {  	v13 =	vmul.f32 v13, v11;
	v14 =	vmul.f32 v14, v12  }
0xf2: {  	v15 =	vadd.f32 v16, v15  }
0xf3: {  	v13 =	vadd.f32 v14, v13  }
0xf4: {  	[tilespmem:s28+$0xC070] =	vst v15  }
0xf5: {  	[tilespmem:s28+$0xCC70] =	vst v13  }
0xf6: {  	v13 =	vld [tilespmem:s26+$0x400]  }
0xf7: {  	v14 =	vld [tilespmem:s26+$0x6400];
	_ =	sdelay $0x4  }
0xf8: {  	v15 =	vshll.u32 v13, $0x10;
	v13 =	vand.u32 $0xFFFF0000, v13;
	v52 =	vshll.u32 v14, $0x10  }
0xf9: {  	v14 =	vand.u32 $0xFFFF0000, v14;
	v15 =	vmul.f32 v15, v11;
	v16 =	vmul.f32 v52, v12  }
0xfa: {  	v13 =	vmul.f32 v13, v11;
	v14 =	vmul.f32 v14, v12  }
0xfb: {  	v15 =	vadd.f32 v16, v15  }
0xfc: {  	v13 =	vadd.f32 v14, v13  }
0xfd: {  	[tilespmem:s28+$0xC400] =	vst v15  }
0xfe: {  	[tilespmem:s28+$0xD000] =	vst v13  }
0xff: {  	v13 =	vld [tilespmem:s26+$0x410]  }
0x100: {  	v14 =	vld [tilespmem:s26+$0x6410];
	_ =	sdelay $0x4  }
0x101: {  	v15 =	vshll.u32 v13, $0x10;
	v13 =	vand.u32 $0xFFFF0000, v13;
	v53 =	vshll.u32 v14, $0x10  }
0x102: {  	v14 =	vand.u32 $0xFFFF0000, v14;
	v15 =	vmul.f32 v15, v11;
	v16 =	vmul.f32 v53, v12  }
0x103: {  	v13 =	vmul.f32 v13, v11;
	v14 =	vmul.f32 v14, v12  }
0x104: {  	v15 =	vadd.f32 v16, v15  }
0x105: {  	v13 =	vadd.f32 v14, v13  }
0x106: {  	[tilespmem:s28+$0xC410] =	vst v15  }
0x107: {  	[tilespmem:s28+$0xD010] =	vst v13  }
0x108: {  	v13 =	vld [tilespmem:s26+$0x420]  }
0x109: {  	v14 =	vld [tilespmem:s26+$0x6420];
	_ =	sdelay $0x4  }
0x10a: {  	v15 =	vshll.u32 v13, $0x10;
	v13 =	vand.u32 $0xFFFF0000, v13;
	v54 =	vshll.u32 v14, $0x10  }
0x10b: {  	v14 =	vand.u32 $0xFFFF0000, v14;
	v15 =	vmul.f32 v15, v11;
	v16 =	vmul.f32 v54, v12  }
0x10c: {  	v13 =	vmul.f32 v13, v11;
	v14 =	vmul.f32 v14, v12  }
0x10d: {  	v15 =	vadd.f32 v16, v15  }
0x10e: {  	v13 =	vadd.f32 v14, v13  }
0x10f: {  	[tilespmem:s28+$0xC420] =	vst v15  }
0x110: {  	[tilespmem:s28+$0xD020] =	vst v13  }
0x111: {  	v13 =	vld [tilespmem:s26+$0x430]  }
0x112: {  	v14 =	vld [tilespmem:s26+$0x6430];
	_ =	sdelay $0x4  }
0x113: {  	v15 =	vshll.u32 v13, $0x10;
	v13 =	vand.u32 $0xFFFF0000, v13;
	v55 =	vshll.u32 v14, $0x10  }
0x114: {  	v14 =	vand.u32 $0xFFFF0000, v14;
	v15 =	vmul.f32 v15, v11;
	v16 =	vmul.f32 v55, v12  }
0x115: {  	v13 =	vmul.f32 v13, v11;
	v14 =	vmul.f32 v14, v12  }
0x116: {  	v15 =	vadd.f32 v16, v15  }
0x117: {  	v13 =	vadd.f32 v14, v13  }
0x118: {  	[tilespmem:s28+$0xC430] =	vst v15  }
0x119: {  	[tilespmem:s28+$0xD030] =	vst v13  }
0x11a: {  	v13 =	vld [tilespmem:s26+$0x440]  }
0x11b: {  	v14 =	vld [tilespmem:s26+$0x6440];
	_ =	sdelay $0x4  }
0x11c: {  	v15 =	vshll.u32 v13, $0x10;
	v13 =	vand.u32 $0xFFFF0000, v13;
	v56 =	vshll.u32 v14, $0x10  }
0x11d: {  	v14 =	vand.u32 $0xFFFF0000, v14;
	v15 =	vmul.f32 v15, v11;
	v16 =	vmul.f32 v56, v12  }
0x11e: {  	v13 =	vmul.f32 v13, v11;
	v14 =	vmul.f32 v14, v12  }
0x11f: {  	v15 =	vadd.f32 v16, v15  }
0x120: {  	v13 =	vadd.f32 v14, v13  }
0x121: {  	[tilespmem:s28+$0xC440] =	vst v15  }
0x122: {  	[tilespmem:s28+$0xD040] =	vst v13  }
0x123: {  	v13 =	vld [tilespmem:s26+$0x450]  }
0x124: {  	v14 =	vld [tilespmem:s26+$0x6450];
	_ =	sdelay $0x4  }
0x125: {  	v15 =	vshll.u32 v13, $0x10;
	v13 =	vand.u32 $0xFFFF0000, v13;
	v57 =	vshll.u32 v14, $0x10  }
0x126: {  	v14 =	vand.u32 $0xFFFF0000, v14;
	v15 =	vmul.f32 v15, v11;
	v16 =	vmul.f32 v57, v12  }
0x127: {  	v13 =	vmul.f32 v13, v11;
	v14 =	vmul.f32 v14, v12  }
0x128: {  	v15 =	vadd.f32 v16, v15  }
0x129: {  	v13 =	vadd.f32 v14, v13  }
0x12a: {  	[tilespmem:s28+$0xC450] =	vst v15  }
0x12b: {  	[tilespmem:s28+$0xD050] =	vst v13  }
0x12c: {  	v13 =	vld [tilespmem:s26+$0x460]  }
0x12d: {  	v14 =	vld [tilespmem:s26+$0x6460];
	_ =	sdelay $0x4  }
0x12e: {  	v15 =	vshll.u32 v13, $0x10;
	v13 =	vand.u32 $0xFFFF0000, v13;
	v58 =	vshll.u32 v14, $0x10  }
0x12f: {  	v14 =	vand.u32 $0xFFFF0000, v14;
	v15 =	vmul.f32 v15, v11;
	v16 =	vmul.f32 v58, v12  }
0x130: {  	v13 =	vmul.f32 v13, v11;
	v14 =	vmul.f32 v14, v12  }
0x131: {  	v15 =	vadd.f32 v16, v15  }
0x132: {  	v13 =	vadd.f32 v14, v13  }
0x133: {  	[tilespmem:s28+$0xC460] =	vst v15  }
0x134: {  	[tilespmem:s28+$0xD060] =	vst v13  }
0x135: {  	v13 =	vld [tilespmem:s26+$0x470]  }
0x136: {  	v14 =	vld [tilespmem:s26+$0x6470];
	_ =	sdelay $0x4  }
0x137: {  	v15 =	vshll.u32 v13, $0x10;
	v13 =	vand.u32 $0xFFFF0000, v13;
	v59 =	vshll.u32 v14, $0x10  }
0x138: {  	v14 =	vand.u32 $0xFFFF0000, v14;
	v15 =	vmul.f32 v15, v11;
	v16 =	vmul.f32 v59, v12  }
0x139: {  	v13 =	vmul.f32 v13, v11;
	v14 =	vmul.f32 v14, v12  }
0x13a: {  	v15 =	vadd.f32 v16, v15  }
0x13b: {  	v13 =	vadd.f32 v14, v13  }
0x13c: {  	[tilespmem:s28+$0xC470] =	vst v15  }
0x13d: {  	[tilespmem:s28+$0xD070] =	vst v13  }
0x13e: {  	v13 =	vld [tilespmem:s26+$0x800]  }
0x13f: {  	v14 =	vld [tilespmem:s26+$0x6800];
	_ =	sdelay $0x4  }
0x140: {  	v15 =	vshll.u32 v13, $0x10;
	v13 =	vand.u32 $0xFFFF0000, v13;
	v60 =	vshll.u32 v14, $0x10  }
0x141: {  	v14 =	vand.u32 $0xFFFF0000, v14;
	v15 =	vmul.f32 v15, v11;
	v16 =	vmul.f32 v60, v12  }
0x142: {  	v13 =	vmul.f32 v13, v11;
	v14 =	vmul.f32 v14, v12  }
0x143: {  	v15 =	vadd.f32 v16, v15  }
0x144: {  	v13 =	vadd.f32 v14, v13  }
0x145: {  	[tilespmem:s28+$0xC800] =	vst v15  }
0x146: {  	[tilespmem:s28+$0xD400] =	vst v13  }
0x147: {  	v13 =	vld [tilespmem:s26+$0x810]  }
0x148: {  	v14 =	vld [tilespmem:s26+$0x6810];
	_ =	sdelay $0x4  }
0x149: {  	v15 =	vshll.u32 v13, $0x10;
	v13 =	vand.u32 $0xFFFF0000, v13;
	v61 =	vshll.u32 v14, $0x10  }
0x14a: {  	v14 =	vand.u32 $0xFFFF0000, v14;
	v15 =	vmul.f32 v15, v11;
	v16 =	vmul.f32 v61, v12  }
0x14b: {  	v13 =	vmul.f32 v13, v11;
	v14 =	vmul.f32 v14, v12  }
0x14c: {  	v15 =	vadd.f32 v16, v15  }
0x14d: {  	v13 =	vadd.f32 v14, v13  }
0x14e: {  	[tilespmem:s28+$0xC810] =	vst v15  }
0x14f: {  	[tilespmem:s28+$0xD410] =	vst v13  }
0x150: {  	v13 =	vld [tilespmem:s26+$0x820]  }
0x151: {  	v14 =	vld [tilespmem:s26+$0x6820];
	_ =	sdelay $0x4  }
0x152: {  	v15 =	vshll.u32 v13, $0x10;
	v13 =	vand.u32 $0xFFFF0000, v13;
	v62 =	vshll.u32 v14, $0x10  }
0x153: {  	v14 =	vand.u32 $0xFFFF0000, v14;
	v15 =	vmul.f32 v15, v11;
	v16 =	vmul.f32 v62, v12  }
0x154: {  	v13 =	vmul.f32 v13, v11;
	v14 =	vmul.f32 v14, v12  }
0x155: {  	v15 =	vadd.f32 v16, v15  }
0x156: {  	v13 =	vadd.f32 v14, v13  }
0x157: {  	[tilespmem:s28+$0xC820] =	vst v15  }
0x158: {  	[tilespmem:s28+$0xD420] =	vst v13  }
0x159: {  	v13 =	vld [tilespmem:s26+$0x830]  }
0x15a: {  	v14 =	vld [tilespmem:s26+$0x6830];
	_ =	sdelay $0x4  }
0x15b: {  	v15 =	vshll.u32 v13, $0x10;
	v13 =	vand.u32 $0xFFFF0000, v13;
	v63 =	vshll.u32 v14, $0x10  }
0x15c: {  	v14 =	vand.u32 $0xFFFF0000, v14;
	v15 =	vmul.f32 v15, v11;
	v16 =	vmul.f32 v63, v12  }
0x15d: {  	v13 =	vmul.f32 v13, v11;
	v14 =	vmul.f32 v14, v12  }
0x15e: {  	v15 =	vadd.f32 v16, v15  }
0x15f: {  	v13 =	vadd.f32 v14, v13  }
0x160: {  	[tilespmem:s28+$0xC830] =	vst v15  }
0x161: {  	[tilespmem:s28+$0xD430] =	vst v13  }
0x162: {  	v14 =	vld [tilespmem:s26+$0x840]  }
0x163: {  	s30 =	simm.s32 $0x0;
	s29 =	simm.s32 $0x1;
	v13 =	vld [tilespmem:s26+$0x6840]  }
.LBB2_2:
0x164: {  	p0 =	sne.s32 s29, $0x3F  }
0x165: {  	s30 =	sadd.s32 $0x80, s30;
	s31 =	smov.u32 s29;
	s29 =	sadd.s32 $0x1, s29  }
0x166: {  	_ = 	snop  }
0x167: {  	v15 =	vshll.u32 v14, $0x10;
	v14 =	vand.u32 $0xFFFF0000, v14  }
0x168: {  	v16 =	vshll.u32 v13, $0x10;
	v13 =	vand.u32 $0xFFFF0000, v13;
	v15 =	vmul.f32 v15, v11  }
0x169: {  	v14 =	vmul.f32 v14, v11;
	v16 =	vmul.f32 v16, v12  }
0x16a: {  	v13 =	vmul.f32 v13, v12  }
0x16b: {  	v15 =	vadd.f32 v16, v15  }
0x16c: {  	v13 =	vadd.f32 v13, v14  }
0x16d: {  	[tilespmem:s28+$0xC840] =	vst v15  }
0x16e: {  	[tilespmem:s28+$0xD440] =	vst v13  }
0x16f: {  	v13 =	vld [tilespmem:s26+$0x850]  }
0x170: {  	v14 =	vld [tilespmem:s26+$0x6850];
	_ =	sdelay $0x3  }
0x171: {  	v15 =	vshll.u32 v13, $0x10;
	v13 =	vand.u32 $0xFFFF0000, v13  }
0x172: {  	v16 =	vshll.u32 v14, $0x10;
	v15 =	vmul.f32 v15, v11;
	v13 =	vmul.f32 v13, v11  }
0x173: {  	v14 =	vand.u32 $0xFFFF0000, v14;
	v16 =	vmul.f32 v16, v12  }
0x174: {  	v14 =	vmul.f32 v14, v12  }
0x175: {  	v15 =	vadd.f32 v16, v15  }
0x176: {  	v13 =	vadd.f32 v14, v13  }
0x177: {  	[tilespmem:s28+$0xC850] =	vst v15  }
0x178: {  	[tilespmem:s28+$0xD450] =	vst v13  }
0x179: {  	v13 =	vld [tilespmem:s26+$0x860]  }
0x17a: {  	v14 =	vld [tilespmem:s26+$0x6860];
	_ =	sdelay $0x3  }
0x17b: {  	v15 =	vshll.u32 v13, $0x10;
	v13 =	vand.u32 $0xFFFF0000, v13  }
0x17c: {  	v16 =	vshll.u32 v14, $0x10;
	v14 =	vand.u32 $0xFFFF0000, v14;
	v15 =	vmul.f32 v15, v11  }
0x17d: {  	v13 =	vmul.f32 v13, v11;
	v16 =	vmul.f32 v16, v12  }
0x17e: {  	v14 =	vmul.f32 v14, v12  }
0x17f: {  	v15 =	vadd.f32 v16, v15  }
0x180: {  	v13 =	vadd.f32 v14, v13  }
0x181: {  	[tilespmem:s28+$0xC860] =	vst v15  }
0x182: {  	[tilespmem:s28+$0xD460] =	vst v13  }
0x183: {  	v13 =	vld [tilespmem:s26+$0x870]  }
0x184: {  	v14 =	vld [tilespmem:s26+$0x6870];
	_ =	sdelay $0x3  }
0x185: {  	v15 =	vshll.u32 v13, $0x10;
	v13 =	vand.u32 $0xFFFF0000, v13  }
0x186: {  	v16 =	vshll.u32 v14, $0x10;
	v14 =	vand.u32 $0xFFFF0000, v14;
	v15 =	vmul.f32 v15, v11  }
0x187: {  	v16 =	vmul.f32 v16, v12;
	v12 =	vmul.f32 v14, v12  }
0x188: {  	v11 =	vmul.f32 v13, v11  }
0x189: {  	s26 =	sshll.u32 s31, $0x7;
	s31 =	sshrl.u32 s31, $0x3;
	v13 =	vadd.f32 v16, v15  }
0x18a: {  	v14 =	vmov s26;
	s26 =	smul.u32 $0xC00, s31;
	v11 =	vadd.f32 v12, v11  }
0x18b: {  	s0 =	sand.u32 $0x380, s30;
	s31 =	smul.u32 $0x6000, s31;
	v12 =	vor.u32 $0x1, v14;
	[tilespmem:s28+$0xC870] =	vst v13  }
0x18c: {  	s26 =	sor.u32 s0, s26;
	[tilespmem:s28+$0xD470] =	vst v11  }
0x18d: {  	s28 =	sshra.s32 s31, $0x2;
	v13 =	vld [tilespmem:s26+$0x6000]  }
0x18e: {  	v15 =	vld [tilespmem:s26+$0x0]  }
0x18f: {  	v11 =	vld.idx.msk [tilespmem:v14+s11+$0x0], $0xffff  }
0x190: {  	v12 =	vld.idx.msk [tilespmem:v12+s11+$0x0], $0xffff;
	_ =	sdelay $0x3  }
0x191: {  	v16 =	vand.u32 $0xFFFF0000, v13;
	v14 =	vshll.u32 v15, $0x10;
	v15 =	vand.u32 $0xFFFF0000, v15  }
0x192: {  	v13 =	vshll.u32 v13, $0x10;
	v14 =	vmul.f32 v14, v11;
	v15 =	vmul.f32 v15, v11  }
0x193: {  	v13 =	vmul.f32 v13, v12;
	v16 =	vmul.f32 v16, v12;
	_ =	sdelay $0x1  }
0x194: {  	v13 =	vadd.f32 v13, v14;
	v14 =	vadd.f32 v16, v15  }
0x195: {  	s28 =	sor.u32 s0, s28  }
0x196: {  	[tilespmem:s28+$0xC000] =	vst v13  }
0x197: {  	[tilespmem:s28+$0xCC00] =	vst v14  }
0x198: {  	v13 =	vld [tilespmem:s26+$0x10]  }
0x199: {  	v14 =	vld [tilespmem:s26+$0x6010];
	_ =	sdelay $0x3  }
0x19a: {  	v15 =	vshll.u32 v13, $0x10;
	v13 =	vand.u32 $0xFFFF0000, v13  }
0x19b: {  	v16 =	vshll.u32 v14, $0x10;
	v14 =	vand.u32 $0xFFFF0000, v14;
	v15 =	vmul.f32 v15, v11  }
0x19c: {  	v16 =	vmul.f32 v16, v12;
	v14 =	vmul.f32 v14, v12  }
0x19d: {  	v13 =	vmul.f32 v13, v11  }
0x19e: {  	v15 =	vadd.f32 v16, v15  }
0x19f: {  	v13 =	vadd.f32 v14, v13  }
0x1a0: {  	[tilespmem:s28+$0xC010] =	vst v15  }
0x1a1: {  	[tilespmem:s28+$0xCC10] =	vst v13  }
0x1a2: {  	v13 =	vld [tilespmem:s26+$0x20]  }
0x1a3: {  	v14 =	vld [tilespmem:s26+$0x6020];
	_ =	sdelay $0x3  }
0x1a4: {  	v15 =	vshll.u32 v13, $0x10;
	v13 =	vand.u32 $0xFFFF0000, v13  }
0x1a5: {  	v16 =	vshll.u32 v14, $0x10;
	v14 =	vand.u32 $0xFFFF0000, v14;
	v13 =	vmul.f32 v13, v11  }
0x1a6: {  	v16 =	vmul.f32 v16, v12;
	v14 =	vmul.f32 v14, v12  }
0x1a7: {  	v15 =	vmul.f32 v15, v11  }
0x1a8: {  	v13 =	vadd.f32 v14, v13  }
0x1a9: {  	v14 =	vadd.f32 v16, v15;
	_ =	sdelay $0x1  }
0x1aa: {  	[tilespmem:s28+$0xC020] =	vst v14  }
0x1ab: {  	[tilespmem:s28+$0xCC20] =	vst v13  }
0x1ac: {  	v13 =	vld [tilespmem:s26+$0x30]  }
0x1ad: {  	v14 =	vld [tilespmem:s26+$0x6030];
	_ =	sdelay $0x3  }
0x1ae: {  	v15 =	vshll.u32 v13, $0x10;
	v13 =	vand.u32 $0xFFFF0000, v13  }
0x1af: {  	v16 =	vshll.u32 v14, $0x10;
	v15 =	vmul.f32 v15, v11;
	v13 =	vmul.f32 v13, v11  }
0x1b0: {  	v14 =	vand.u32 $0xFFFF0000, v14;
	v16 =	vmul.f32 v16, v12  }
0x1b1: {  	v14 =	vmul.f32 v14, v12  }
0x1b2: {  	v15 =	vadd.f32 v16, v15  }
0x1b3: {  	v13 =	vadd.f32 v14, v13  }
0x1b4: {  	[tilespmem:s28+$0xC030] =	vst v15  }
0x1b5: {  	[tilespmem:s28+$0xCC30] =	vst v13  }
0x1b6: {  	v13 =	vld [tilespmem:s26+$0x40]  }
0x1b7: {  	v14 =	vld [tilespmem:s26+$0x6040];
	_ =	sdelay $0x3  }
0x1b8: {  	v15 =	vshll.u32 v13, $0x10;
	v13 =	vand.u32 $0xFFFF0000, v13  }
0x1b9: {  	v16 =	vshll.u32 v14, $0x10;
	v14 =	vand.u32 $0xFFFF0000, v14;
	v15 =	vmul.f32 v15, v11  }
0x1ba: {  	v13 =	vmul.f32 v13, v11;
	v16 =	vmul.f32 v16, v12  }
0x1bb: {  	v14 =	vmul.f32 v14, v12  }
0x1bc: {  	v15 =	vadd.f32 v16, v15  }
0x1bd: {  	v13 =	vadd.f32 v14, v13  }
0x1be: {  	[tilespmem:s28+$0xC040] =	vst v15  }
0x1bf: {  	[tilespmem:s28+$0xCC40] =	vst v13  }
0x1c0: {  	v13 =	vld [tilespmem:s26+$0x50]  }
0x1c1: {  	v14 =	vld [tilespmem:s26+$0x6050];
	_ =	sdelay $0x3  }
0x1c2: {  	v15 =	vshll.u32 v13, $0x10;
	v13 =	vand.u32 $0xFFFF0000, v13  }
0x1c3: {  	v16 =	vshll.u32 v14, $0x10;
	v15 =	vmul.f32 v15, v11;
	v13 =	vmul.f32 v13, v11  }
0x1c4: {  	v14 =	vand.u32 $0xFFFF0000, v14;
	v16 =	vmul.f32 v16, v12  }
0x1c5: {  	v14 =	vmul.f32 v14, v12  }
0x1c6: {  	v15 =	vadd.f32 v16, v15  }
0x1c7: {  	v13 =	vadd.f32 v14, v13  }
0x1c8: {  	[tilespmem:s28+$0xC050] =	vst v15  }
0x1c9: {  	[tilespmem:s28+$0xCC50] =	vst v13  }
0x1ca: {  	v13 =	vld [tilespmem:s26+$0x60]  }
0x1cb: {  	v14 =	vld [tilespmem:s26+$0x6060];
	_ =	sdelay $0x3  }
0x1cc: {  	v15 =	vshll.u32 v13, $0x10;
	v13 =	vand.u32 $0xFFFF0000, v13  }
0x1cd: {  	v16 =	vshll.u32 v14, $0x10;
	v14 =	vand.u32 $0xFFFF0000, v14;
	v15 =	vmul.f32 v15, v11  }
0x1ce: {  	v13 =	vmul.f32 v13, v11;
	v16 =	vmul.f32 v16, v12  }
0x1cf: {  	v14 =	vmul.f32 v14, v12  }
0x1d0: {  	v15 =	vadd.f32 v16, v15  }
0x1d1: {  	v13 =	vadd.f32 v14, v13  }
0x1d2: {  	[tilespmem:s28+$0xC060] =	vst v15  }
0x1d3: {  	[tilespmem:s28+$0xCC60] =	vst v13  }
0x1d4: {  	v13 =	vld [tilespmem:s26+$0x70]  }
0x1d5: {  	v14 =	vld [tilespmem:s26+$0x6070];
	_ =	sdelay $0x3  }
0x1d6: {  	v15 =	vshll.u32 v13, $0x10;
	v13 =	vand.u32 $0xFFFF0000, v13  }
0x1d7: {  	v16 =	vshll.u32 v14, $0x10;
	v15 =	vmul.f32 v15, v11;
	v13 =	vmul.f32 v13, v11  }
0x1d8: {  	v14 =	vand.u32 $0xFFFF0000, v14;
	v16 =	vmul.f32 v16, v12  }
0x1d9: {  	v14 =	vmul.f32 v14, v12  }
0x1da: {  	v15 =	vadd.f32 v16, v15  }
0x1db: {  	v13 =	vadd.f32 v14, v13  }
0x1dc: {  	[tilespmem:s28+$0xC070] =	vst v15  }
0x1dd: {  	[tilespmem:s28+$0xCC70] =	vst v13  }
0x1de: {  	v13 =	vld [tilespmem:s26+$0x400]  }
0x1df: {  	v14 =	vld [tilespmem:s26+$0x6400];
	_ =	sdelay $0x3  }
0x1e0: {  	v15 =	vshll.u32 v13, $0x10;
	v13 =	vand.u32 $0xFFFF0000, v13  }
0x1e1: {  	v16 =	vshll.u32 v14, $0x10;
	v14 =	vand.u32 $0xFFFF0000, v14;
	v15 =	vmul.f32 v15, v11  }
0x1e2: {  	v13 =	vmul.f32 v13, v11;
	v16 =	vmul.f32 v16, v12  }
0x1e3: {  	v14 =	vmul.f32 v14, v12  }
0x1e4: {  	v15 =	vadd.f32 v16, v15  }
0x1e5: {  	v13 =	vadd.f32 v14, v13  }
0x1e6: {  	[tilespmem:s28+$0xC400] =	vst v15  }
0x1e7: {  	[tilespmem:s28+$0xD000] =	vst v13  }
0x1e8: {  	v13 =	vld [tilespmem:s26+$0x410]  }
0x1e9: {  	v14 =	vld [tilespmem:s26+$0x6410];
	_ =	sdelay $0x3  }
0x1ea: {  	v15 =	vshll.u32 v13, $0x10;
	v13 =	vand.u32 $0xFFFF0000, v13  }
0x1eb: {  	v16 =	vshll.u32 v14, $0x10;
	v15 =	vmul.f32 v15, v11;
	v13 =	vmul.f32 v13, v11  }
0x1ec: {  	v14 =	vand.u32 $0xFFFF0000, v14;
	v16 =	vmul.f32 v16, v12  }
0x1ed: {  	v14 =	vmul.f32 v14, v12  }
0x1ee: {  	v15 =	vadd.f32 v16, v15  }
0x1ef: {  	v13 =	vadd.f32 v14, v13  }
0x1f0: {  	[tilespmem:s28+$0xC410] =	vst v15  }
0x1f1: {  	[tilespmem:s28+$0xD010] =	vst v13  }
0x1f2: {  	v13 =	vld [tilespmem:s26+$0x420]  }
0x1f3: {  	v14 =	vld [tilespmem:s26+$0x6420];
	_ =	sdelay $0x3  }
0x1f4: {  	v15 =	vshll.u32 v13, $0x10;
	v13 =	vand.u32 $0xFFFF0000, v13  }
0x1f5: {  	v16 =	vshll.u32 v14, $0x10;
	v14 =	vand.u32 $0xFFFF0000, v14;
	v15 =	vmul.f32 v15, v11  }
0x1f6: {  	v13 =	vmul.f32 v13, v11;
	v16 =	vmul.f32 v16, v12  }
0x1f7: {  	v14 =	vmul.f32 v14, v12  }
0x1f8: {  	v15 =	vadd.f32 v16, v15  }
0x1f9: {  	v13 =	vadd.f32 v14, v13  }
0x1fa: {  	[tilespmem:s28+$0xC420] =	vst v15  }
0x1fb: {  	[tilespmem:s28+$0xD020] =	vst v13  }
0x1fc: {  	v13 =	vld [tilespmem:s26+$0x430]  }
0x1fd: {  	v14 =	vld [tilespmem:s26+$0x6430];
	_ =	sdelay $0x3  }
0x1fe: {  	v15 =	vshll.u32 v13, $0x10;
	v13 =	vand.u32 $0xFFFF0000, v13  }
0x1ff: {  	v16 =	vshll.u32 v14, $0x10;
	v15 =	vmul.f32 v15, v11;
	v13 =	vmul.f32 v13, v11  }
0x200: {  	v14 =	vand.u32 $0xFFFF0000, v14;
	v16 =	vmul.f32 v16, v12  }
0x201: {  	v14 =	vmul.f32 v14, v12  }
0x202: {  	v15 =	vadd.f32 v16, v15  }
0x203: {  	v13 =	vadd.f32 v14, v13  }
0x204: {  	[tilespmem:s28+$0xC430] =	vst v15  }
0x205: {  	[tilespmem:s28+$0xD030] =	vst v13  }
0x206: {  	v13 =	vld [tilespmem:s26+$0x440]  }
0x207: {  	v14 =	vld [tilespmem:s26+$0x6440];
	_ =	sdelay $0x3  }
0x208: {  	v15 =	vshll.u32 v13, $0x10;
	v13 =	vand.u32 $0xFFFF0000, v13  }
0x209: {  	v16 =	vshll.u32 v14, $0x10;
	v14 =	vand.u32 $0xFFFF0000, v14;
	v15 =	vmul.f32 v15, v11  }
0x20a: {  	v13 =	vmul.f32 v13, v11;
	v16 =	vmul.f32 v16, v12  }
0x20b: {  	v14 =	vmul.f32 v14, v12  }
0x20c: {  	v15 =	vadd.f32 v16, v15  }
0x20d: {  	v13 =	vadd.f32 v14, v13  }
0x20e: {  	[tilespmem:s28+$0xC440] =	vst v15  }
0x20f: {  	[tilespmem:s28+$0xD040] =	vst v13  }
0x210: {  	v13 =	vld [tilespmem:s26+$0x450]  }
0x211: {  	v14 =	vld [tilespmem:s26+$0x6450];
	_ =	sdelay $0x3  }
0x212: {  	v15 =	vshll.u32 v13, $0x10;
	v13 =	vand.u32 $0xFFFF0000, v13  }
0x213: {  	v16 =	vshll.u32 v14, $0x10;
	v15 =	vmul.f32 v15, v11;
	v13 =	vmul.f32 v13, v11  }
0x214: {  	v14 =	vand.u32 $0xFFFF0000, v14;
	v16 =	vmul.f32 v16, v12  }
0x215: {  	v14 =	vmul.f32 v14, v12  }
0x216: {  	v15 =	vadd.f32 v16, v15  }
0x217: {  	v13 =	vadd.f32 v14, v13  }
0x218: {  	[tilespmem:s28+$0xC450] =	vst v15  }
0x219: {  	[tilespmem:s28+$0xD050] =	vst v13  }
0x21a: {  	v13 =	vld [tilespmem:s26+$0x460]  }
0x21b: {  	v14 =	vld [tilespmem:s26+$0x6460];
	_ =	sdelay $0x3  }
0x21c: {  	v15 =	vshll.u32 v13, $0x10;
	v13 =	vand.u32 $0xFFFF0000, v13  }
0x21d: {  	v16 =	vshll.u32 v14, $0x10;
	v14 =	vand.u32 $0xFFFF0000, v14;
	v15 =	vmul.f32 v15, v11  }
0x21e: {  	v13 =	vmul.f32 v13, v11;
	v16 =	vmul.f32 v16, v12  }
0x21f: {  	v14 =	vmul.f32 v14, v12  }
0x220: {  	v15 =	vadd.f32 v16, v15  }
0x221: {  	v13 =	vadd.f32 v14, v13  }
0x222: {  	[tilespmem:s28+$0xC460] =	vst v15  }
0x223: {  	[tilespmem:s28+$0xD060] =	vst v13  }
0x224: {  	v13 =	vld [tilespmem:s26+$0x470]  }
0x225: {  	v14 =	vld [tilespmem:s26+$0x6470];
	_ =	sdelay $0x3  }
0x226: {  	v15 =	vshll.u32 v13, $0x10;
	v13 =	vand.u32 $0xFFFF0000, v13  }
0x227: {  	v16 =	vshll.u32 v14, $0x10;
	v15 =	vmul.f32 v15, v11;
	v13 =	vmul.f32 v13, v11  }
0x228: {  	v14 =	vand.u32 $0xFFFF0000, v14;
	v16 =	vmul.f32 v16, v12  }
0x229: {  	v14 =	vmul.f32 v14, v12  }
0x22a: {  	v15 =	vadd.f32 v16, v15  }
0x22b: {  	v13 =	vadd.f32 v14, v13  }
0x22c: {  	[tilespmem:s28+$0xC470] =	vst v15  }
0x22d: {  	[tilespmem:s28+$0xD070] =	vst v13  }
0x22e: {  	v13 =	vld [tilespmem:s26+$0x800]  }
0x22f: {  	v14 =	vld [tilespmem:s26+$0x6800];
	_ =	sdelay $0x3  }
0x230: {  	v15 =	vshll.u32 v13, $0x10;
	v13 =	vand.u32 $0xFFFF0000, v13  }
0x231: {  	v16 =	vshll.u32 v14, $0x10;
	v14 =	vand.u32 $0xFFFF0000, v14;
	v15 =	vmul.f32 v15, v11  }
0x232: {  	v13 =	vmul.f32 v13, v11;
	v16 =	vmul.f32 v16, v12  }
0x233: {  	v14 =	vmul.f32 v14, v12  }
0x234: {  	v15 =	vadd.f32 v16, v15  }
0x235: {  	v13 =	vadd.f32 v14, v13  }
0x236: {  	[tilespmem:s28+$0xC800] =	vst v15  }
0x237: {  	[tilespmem:s28+$0xD400] =	vst v13  }
0x238: {  	v13 =	vld [tilespmem:s26+$0x810]  }
0x239: {  	v14 =	vld [tilespmem:s26+$0x6810];
	_ =	sdelay $0x3  }
0x23a: {  	v15 =	vshll.u32 v13, $0x10;
	v13 =	vand.u32 $0xFFFF0000, v13  }
0x23b: {  	v16 =	vshll.u32 v14, $0x10;
	v15 =	vmul.f32 v15, v11;
	v13 =	vmul.f32 v13, v11  }
0x23c: {  	v14 =	vand.u32 $0xFFFF0000, v14;
	v16 =	vmul.f32 v16, v12  }
0x23d: {  	v14 =	vmul.f32 v14, v12  }
0x23e: {  	v15 =	vadd.f32 v16, v15  }
0x23f: {  	v13 =	vadd.f32 v14, v13  }
0x240: {  	[tilespmem:s28+$0xC810] =	vst v15  }
0x241: {  	[tilespmem:s28+$0xD410] =	vst v13  }
0x242: {  	v13 =	vld [tilespmem:s26+$0x820]  }
0x243: {  	v14 =	vld [tilespmem:s26+$0x6820];
	_ =	sdelay $0x3  }
0x244: {  	v15 =	vshll.u32 v13, $0x10;
	v13 =	vand.u32 $0xFFFF0000, v13  }
0x245: {  	v16 =	vshll.u32 v14, $0x10;
	v14 =	vand.u32 $0xFFFF0000, v14;
	v15 =	vmul.f32 v15, v11  }
0x246: {  	v13 =	vmul.f32 v13, v11;
	v16 =	vmul.f32 v16, v12  }
0x247: {  	v14 =	vmul.f32 v14, v12  }
0x248: {  	v15 =	vadd.f32 v16, v15  }
0x249: {  	v13 =	vadd.f32 v14, v13  }
0x24a: {  	[tilespmem:s28+$0xC820] =	vst v15  }
0x24b: {  	[tilespmem:s28+$0xD420] =	vst v13  }
0x24c: {  	v13 =	vld [tilespmem:s26+$0x830]  }
0x24d: {  	v14 =	vld [tilespmem:s26+$0x6830];
	_ =	sdelay $0x3  }
0x24e: {  	v15 =	vshll.u32 v13, $0x10;
	v13 =	vand.u32 $0xFFFF0000, v13  }
0x24f: {  	v16 =	vshll.u32 v14, $0x10;
	v15 =	vmul.f32 v15, v11;
	v13 =	vmul.f32 v13, v11  }
0x250: {  	v14 =	vand.u32 $0xFFFF0000, v14;
	v16 =	vmul.f32 v16, v12  }
0x251: {  	v14 =	vmul.f32 v14, v12  }
0x252: {  	v15 =	vadd.f32 v16, v15  }
.Ltmp0:
0x253: {  	v13 =	vadd.f32 v14, v13;
	(pc) =	sbr.rel @p0 .LBB2_2-.Ltmp0, $4  }
0x254: {  	[tilespmem:s28+$0xC830] =	vst v15  }
0x255: {  	[tilespmem:s28+$0xD430] =	vst v13  }
0x256: {  	v14 =	vld [tilespmem:s26+$0x840]  }
0x257: {  	v13 =	vld [tilespmem:s26+$0x6840]  }
0x258: {  	_ =	sdelay $0x3  }
0x259: {  	v15 =	vshll.u32 v14, $0x10;
	v51 =	vand.u32 $0xFFFF0000, v14;
	v16 =	vshll.u32 v13, $0x10  }
0x25a: {  	v52 =	vand.u32 $0xFFFF0000, v13;
	v15 =	vmul.f32 v15, v11;
	v16 =	vmul.f32 v16, v12  }
0x25b: {  	v14 =	vmul.f32 v51, v11;
	v13 =	vmul.f32 v52, v12  }
0x25c: {  	v15 =	vadd.f32 v16, v15  }
0x25d: {  	v13 =	vadd.f32 v13, v14  }
0x25e: {  	[tilespmem:s28+$0xC840] =	vst v15  }
0x25f: {  	[tilespmem:s28+$0xD440] =	vst v13  }
0x260: {  	v13 =	vld [tilespmem:s26+$0x850]  }
0x261: {  	v53 =	vld [tilespmem:s26+$0x6850];
	_ =	sdelay $0x4  }
0x262: {  	v54 =	vshll.u32 v13, $0x10;
	v13 =	vand.u32 $0xFFFF0000, v13;
	v55 =	vshll.u32 v53, $0x10  }
0x263: {  	v14 =	vand.u32 $0xFFFF0000, v53;
	v15 =	vmul.f32 v54, v11;
	v16 =	vmul.f32 v55, v12  }
0x264: {  	v13 =	vmul.f32 v13, v11;
	v14 =	vmul.f32 v14, v12  }
0x265: {  	v15 =	vadd.f32 v16, v15  }
0x266: {  	v13 =	vadd.f32 v14, v13  }
0x267: {  	[tilespmem:s28+$0xC850] =	vst v15  }
0x268: {  	[tilespmem:s28+$0xD450] =	vst v13  }
0x269: {  	v13 =	vld [tilespmem:s26+$0x860]  }
0x26a: {  	v56 =	vld [tilespmem:s26+$0x6860];
	_ =	sdelay $0x4  }
0x26b: {  	v57 =	vshll.u32 v13, $0x10;
	v13 =	vand.u32 $0xFFFF0000, v13;
	v58 =	vshll.u32 v56, $0x10  }
0x26c: {  	v14 =	vand.u32 $0xFFFF0000, v56;
	v15 =	vmul.f32 v57, v11;
	v16 =	vmul.f32 v58, v12  }
0x26d: {  	v13 =	vmul.f32 v13, v11;
	v14 =	vmul.f32 v14, v12  }
0x26e: {  	v15 =	vadd.f32 v16, v15  }
0x26f: {  	v13 =	vadd.f32 v14, v13  }
0x270: {  	[tilespmem:s28+$0xC860] =	vst v15  }
0x271: {  	[tilespmem:s28+$0xD460] =	vst v13  }
0x272: {  	v13 =	vld [tilespmem:s26+$0x870]  }
0x273: {  	v59 =	vld [tilespmem:s26+$0x6870];
	_ =	sdelay $0x4  }
0x274: {  	v60 =	vshll.u32 v13, $0x10;
	v13 =	vand.u32 $0xFFFF0000, v13;
	v61 =	vshll.u32 v59, $0x10  }
0x275: {  	v14 =	vand.u32 $0xFFFF0000, v59;
	v15 =	vmul.f32 v60, v11;
	v16 =	vmul.f32 v61, v12  }
0x276: {  	v62 =	vmul.f32 v14, v12;
	v11 =	vmul.f32 v13, v11  }
0x277: {  	v63 =	vadd.f32 v16, v15  }
0x278: {  	s25 =	sadd.s32 $0x1, s25;
	v11 =	vadd.f32 v62, v11  }
0x279: {  	p0 =	sne.s32 s25, s8;
	[tilespmem:s28+$0xC870] =	vst v63  }
.Ltmp1:
0x27a: {  	[tilespmem:s28+$0xD470] =	vst v11;
	(pc) =	sbr.rel @p0 .LBB2_1-.Ltmp1, $4  }
0x27b: {  	[hbm4b:s7+s2] =	stream.linear.scatter [tilespmem:s24], [sflag:$0x3], $0xC000, $0x38;
	[tilespmem:$0x1C100] =	vst v63  }
0x27c: {  	_ =	swait.ge [sflag:s10], $0xC000  }
0x27d: {  	[sflag:s10] =	ssyncset.done $0x0  }
0x27e: {  	[sflag:s10] =	ssyncadd.s32 $0xFFFF4000  }
0x27f: {  	_ =	sfence.sel $0x180000  }
0x280: {  	[bflag:$0x0] =	sbarrier.arrive $0xFFFF  }
0x281: {  	_ =	strace $0x9000004A  }
0x282: {  	s0 =	stileid.u32;
	[bflag:$0x2] =	sbarrier.arrive $0xFFFF  }
0x283: {  	p0 =	sne.s32 s0, $0x0;
	s0 =	rddreg [dreg:$0x2]  }
0x284: {  	s0 =	sadd.s32 @!p0 $0x100000, s0  }
0x285: {  	[sflag:s0] =	ssyncadd.tile.s32 @!p0 $0x1;
	_ =	shalt  }
.Lfunc_end2:
_tile_overlayer_lowered:
.L_overlay_start_2:
0x286: {  	(tag) =	ssettag $0x2  }
0x287: {  	s0 =	rddreg [dreg:$0x0];
	s2 =	stileid.u32  }
0x288: {  	s1 =	rddreg [dreg:$0x1];
	p0 =	sne.s32 s2, $0x0  }
0x289: {  	s3 =	rddreg [dreg:$0x2];
	[bflag:$0x3] =	sbarrier.arrive $0xFFFF;
	s2 =	simm.s32 @!p0 $0x1C03  }
0x28a: {  	[timem:s3], [sflag:s2] =	dma.local @!p0 [hbm:s0], s1  }
0x28b: {  	s0 =	simm.s32 @!p0 $0x3  }
0x28c: {  	_ =	swait.ge @!p0 [sflag:s0], s1  }
0x28d: {  	s1 =	ssub.s32 @!p0 $0x0, s1;
	[sflag:s0] =	ssyncset.done @!p0 $0x0  }
0x28e: {  	[sflag:s0] =	ssyncadd.s32 @!p0 s1  }
0x28f: {  	[bflag:$0x3] =	sbarrier.arrive $0xFFFF  }
0x290: {  	_ =	shalt  }

</sc_bundles>
